<compile_context>
chip_gen: v7x
topology: tpu7x:2x2x1
jax: 0.10.2.dev20260603
libtpu: 0.0.44.dev20260713+nightly
codegen_flags: <defaults>
</compile_context>

<pallas_src>
import functools

import jax
import jax.numpy as jnp
from jax import lax
from jax.experimental import pallas as pl
from jax.experimental.pallas import tpu as pltpu
from jax.experimental.pallas import tpu_sc as plsc

_DROP_PROB = 0.1
_L = 16


@functools.lru_cache(maxsize=None)
def _sc_event_dropout(B, T, F):
    BT = B * T
    C = 32
    HALF = T // 2
    NCH = HALF // C
    NV_T = T // _L
    NV_F = F // _L

    mesh = plsc.VectorSubcoreMesh(core_axis_name="c", subcore_axis_name="s")

    @functools.partial(
        pl.kernel,
        out_type=(
            jax.ShapeDtypeStruct((BT, F), jnp.float32),
            jax.ShapeDtypeStruct((B, _L), jnp.int32),
        ),
        mesh=mesh,
        compiler_params=pltpu.CompilerParams(needs_layout_passes=False),
        scratch_types=[
            pltpu.VMEM((T + _L,), jnp.int32),
            pltpu.VMEM((T,), jnp.int32),
            pltpu.VMEM((_L,), jnp.int32),
            pltpu.VMEM((C,), jnp.int32),
            pltpu.VMEM((C,), jnp.int32),
            pltpu.VMEM((C, F), jnp.float32),
            pltpu.VMEM((C, F), jnp.float32),
            pltpu.VMEM((C, F), jnp.float32),
            pltpu.SemaphoreType.DMA,
            pltpu.SemaphoreType.DMA,
            pltpu.SemaphoreType.DMA,
            pltpu.SemaphoreType.DMA,
        ],
    )
    def k(tensor_hbm, keep_hbm, out_hbm, len_hbm,
          idx_v, keep_v, len_v, cidx0, cidx1, gbuf0, gbuf1, zbuf,
          gsem0, gsem1, osem0, osem1):
        cidx = (cidx0, cidx1)
        gbufs = (gbuf0, gbuf1)
        gsem = (gsem0, gsem1)
        osem = (osem0, osem1)
        wid = lax.axis_index("s") * 2 + lax.axis_index("c")
        b = wid // 2
        h = wid % 2

        pltpu.sync_copy(keep_hbm.at[b], keep_v)

        def zrow(r, carry):
            for kk in range(NV_F):
                zbuf[r, pl.ds(kk * _L, _L)] = jnp.zeros((_L,), jnp.float32)
            return carry
        lax.fori_loop(0, C, zrow, 0)

        base_row = b * T

        def cbody(i, off):
            m = keep_v[pl.ds(i * _L, _L)]
            lane = lax.iota(jnp.int32, _L)
            key = lane + (1 - m) * _L
            tvec = lane + (i * _L + base_row)
            _, sv = plsc.sort_key_val(key, tvec)
            idx_v[pl.ds(off, _L)] = sv
            return off + plsc.all_reduce_population_count(m > 0)[0]

        cnt = lax.fori_loop(0, NV_T, cbody, jnp.int32(0))

        @pl.when(h == 0)
        def _():
            len_v[...] = jnp.zeros((_L,), jnp.int32) + cnt
            pltpu.sync_copy(len_v, len_hbm.at[b])

        v = jnp.clip(cnt - h * HALF, 0, HALF)

        def gstart(c, p):
            for kk in range(C // _L):
                src = idx_v[pl.ds(h * HALF + c * C + kk * _L, _L)]
                cidx[p][pl.ds(kk * _L, _L)] = jnp.clip(src, 0, BT - 1)
            pltpu.make_async_copy(tensor_hbm.at[cidx[p]], gbufs[p],
                                  gsem[p]).start()

        def gwait(p):
            pltpu.make_async_copy(tensor_hbm.at[cidx[p]], gbufs[p],
                                  gsem[p]).wait()

        def odesc(c, p, src=None):
            obase = base_row + h * HALF + c * C
            return pltpu.make_async_copy(
                gbufs[p] if src is None else src,
                out_hbm.at[pl.ds(obase, C)], osem[p])

        @pl.when(0 < v)
        def _():
            gstart(0, 0)

        def pair(c2, carry):
            for p in (0, 1):
                c = c2 * 2 + p
                q = 1 - p

                @pl.when(c >= 1)
                def _():
                    odesc(jnp.maximum(c - 1, 0), q).wait()

                @pl.when(((c + 1) < NCH) & ((c + 1) * C < v))
                def _():
                    gstart(c + 1, q)

                @pl.when(c * C < v)
                def _():
                    gwait(p)

                    @pl.when((c + 1) * C > v)
                    def _():
                        def mrow(r, carry2):
                            scale = jnp.where(c * C + r < v, jnp.float32(1.0),
                                              jnp.float32(0.0))
                            for kk in range(NV_F):
                                gbufs[p][r, pl.ds(kk * _L, _L)] = (
                                    gbufs[p][r, pl.ds(kk * _L, _L)] * scale)
                            return carry2
                        lax.fori_loop(0, C, mrow, 0)

                    odesc(c, p).start()

                @pl.when(c * C >= v)
                def _():
                    odesc(c, p, src=zbuf).start()

            return carry

        lax.fori_loop(0, NCH // 2, pair, 0)

        odesc(NCH - 1, (NCH - 1) % 2).wait()

    return k


def kernel(tensor, lengths):
    B, T, F = tensor.shape
    keep = jax.random.uniform(jax.random.key(42), (B, T)) > _DROP_PROB
    valid = jnp.arange(T, dtype=jnp.int32)[None, :] < lengths.astype(jnp.int32)[:, None]
    keep = (keep & valid).astype(jnp.int32)
    k = _sc_event_dropout(B, T, F)
    events_flat, lenbuf = k(tensor.reshape(B * T, F), keep)
    return events_flat.reshape(B, T, F), lenbuf[:, 0]

# --- scband reference (transcript-rebuilt; emitter-appended) ---
"""Pipeline reference for scband-event-dropout-87746181857598 (READ-ONLY COPY).

The authoritative reference and input builder live on the scoring server;
editing this copy changes nothing except your own understanding.
"""

import jax, jax.numpy as jnp
import numpy as np

DROP_PROB = 0.1


def padding_mask(lengths, batch_size, time_size):
    return jnp.arange(time_size)[None, :] < lengths[:, None]


def select_padded(tensor, keep_mask, new_lengths):
    # Stable argsort moves kept positions (False in ~keep_mask) to the front,
    # preserving original temporal order, then zero-pads the tail.
    order = jnp.argsort(jnp.logical_not(keep_mask).astype(jnp.int32), axis=1, stable=True)
    gathered = jnp.take_along_axis(tensor, order[:, :, None], axis=1)
    valid = jnp.arange(tensor.shape[1])[None, :] < new_lengths[:, None]
    return gathered * valid[:, :, None].astype(tensor.dtype)


def setup_inputs(seed: int = 0) -> dict:
    key = jax.random.key(seed)
    k1, k2 = jax.random.split(key)
    B, T, F = 16, 2048, 1024
    tensor = jax.random.normal(k1, (B, T, F), dtype=jnp.float32)
    lengths = jax.random.randint(k2, (B,), 0, T).astype(jnp.int64)
    return {"tensor": tensor, "lengths": lengths}


def reference(tensor, lengths):
    # training-mode EventDropout
    batch_size, time_size, features_size = tensor.shape
    mask_key = jax.random.key(42)
    keep_mask = jax.random.uniform(mask_key, (batch_size, time_size)) > DROP_PROB
    valid_mask = padding_mask(lengths, batch_size, time_size)
    keep_mask = keep_mask & valid_mask
    new_lengths = keep_mask.sum(axis=-1)
    events = select_padded(tensor, keep_mask, new_lengths)
    return (events, new_lengths)

if __name__ == "__main__":
    import jax
    _d = setup_inputs()
    print(jax.jit(kernel)(*tuple(_d.values())))

</pallas_src>

<mosaic_0001>
#map = affine_map<(d0, d1) -> (0, 0)>
module attributes {stable_mosaic.version = 14 : i64} {
  func.func @k(%arg0: i32, %arg1: i32, %arg2: memref<32768x1024xf32, #tpu.memory_space<hbm>>, %arg3: memref<16x2048xi32, #tpu.memory_space<hbm>>, %arg4: memref<32768x1024xf32, #tpu.memory_space<hbm>>, %arg5: memref<16x16xi32, #tpu.memory_space<hbm>>, %arg6: memref<2064xi32, #tpu.memory_space<vmem>>, %arg7: memref<2048xi32, #tpu.memory_space<vmem>>, %arg8: memref<16xi32, #tpu.memory_space<vmem>>, %arg9: memref<32xi32, #tpu.memory_space<vmem>>, %arg10: memref<32xi32, #tpu.memory_space<vmem>>, %arg11: memref<32x1024xf32, #tpu.memory_space<vmem>>, %arg12: memref<32x1024xf32, #tpu.memory_space<vmem>>, %arg13: memref<32x1024xf32, #tpu.memory_space<vmem>>, %arg14: memref<!tpu.dma_semaphore, #tpu.memory_space<semaphore_mem>>, %arg15: memref<!tpu.dma_semaphore, #tpu.memory_space<semaphore_mem>>, %arg16: memref<!tpu.dma_semaphore, #tpu.memory_space<semaphore_mem>>, %arg17: memref<!tpu.dma_semaphore, #tpu.memory_space<semaphore_mem>>) attributes {dimension_semantics = [#tpu.dimension_semantics<core_parallel>, #tpu.dimension_semantics<subcore_parallel>], iteration_bounds = array<i64: 2, 16>, scalar_prefetch = 0 : i64, scratch_operands = 12 : i64, tpu.core_type = #tpu.core_type<sc_vector_subcore>, window_params = [{transform_indices = #map}, {transform_indices = #map}, {transform_indices = #map}, {transform_indices = #map}]} {
    %mul3A = arith.constant 2 : i32
    %mul3A_0 = arith.muli %arg1, %mul3A : i32
    %add3A = arith.addi %mul3A_0, %arg0 : i32
    %jit3A = arith.constant 2 : i32
    %div3A = arith.divsi %add3A, %jit3A : i32
    %sign3A = arith.constant 0 : i32
    %sign3A_1 = arith.cmpi sgt, %add3A, %sign3A : i32
    %sign3A_2 = arith.extui %sign3A_1 : i1 to i32
    %sign3A_3 = arith.constant 0 : i32
    %sign3A_4 = arith.cmpi slt, %add3A, %sign3A_3 : i32
    %sign3A_5 = arith.extui %sign3A_4 : i1 to i32
    %sign3A_6 = arith.subi %sign3A_2, %sign3A_5 : i32
    %sign3A_7 = arith.constant 0 : i32
    %sign3A_8 = arith.cmpi sgt, %jit3A, %sign3A_7 : i32
    %sign3A_9 = arith.extui %sign3A_8 : i1 to i32
    %sign3A_10 = arith.constant 0 : i32
    %sign3A_11 = arith.cmpi slt, %jit3A, %sign3A_10 : i32
    %sign3A_12 = arith.extui %sign3A_11 : i1 to i32
    %sign3A_13 = arith.subi %sign3A_9, %sign3A_12 : i32
    %ne3A = arith.cmpi ne, %sign3A_6, %sign3A_13 : i32
    %rem3A = arith.remsi %add3A, %jit3A : i32
    %ne3A_14 = arith.constant 0 : i32
    %ne3A_15 = arith.cmpi ne, %rem3A, %ne3A_14 : i32
    %and3A = arith.andi %ne3A, %ne3A_15 : i1
    %sub3A = arith.constant 1 : i32
    %sub3A_16 = arith.subi %div3A, %sub3A : i32
    %select_n3A = arith.select %and3A, %sub3A_16, %div3A : i32
    %jit3A_17 = arith.constant 2 : i32
    %eq3A = arith.constant 0 : i32
    %eq3A_18 = arith.cmpi eq, %jit3A_17, %eq3A : i32
    %jit3A_19 = arith.constant 1 : i32
    %select_n3A_20 = arith.select %eq3A_18, %jit3A_19, %jit3A_17 : i32
    %rem3A_21 = arith.remsi %add3A, %select_n3A_20 : i32
    %ne3A_22 = arith.constant 0 : i32
    %ne3A_23 = arith.cmpi ne, %rem3A_21, %ne3A_22 : i32
    %lt3A = arith.constant 0 : i32
    %lt3A_24 = arith.cmpi slt, %rem3A_21, %lt3A : i32
    %lt3A_25 = arith.constant 0 : i32
    %lt3A_26 = arith.cmpi slt, %select_n3A_20, %lt3A_25 : i32
    %ne3A_27 = arith.xori %lt3A_24, %lt3A_26 : i1
    %and3A_28 = arith.andi %ne3A_27, %ne3A_23 : i1
    %add3A_29 = arith.addi %rem3A_21, %select_n3A_20 : i32
    %select_n3A_30 = arith.select %and3A_28, %add3A_29, %rem3A_21 : i32
    "tpu.region"() ({
      %run_scoped3A = tpu.sem_alloc : memref<!tpu.dma_semaphore, #tpu.memory_space<semaphore_mem>>
      %dma_start3A = arith.constant 0 : i32
      %dma_start3A_71 = tpu.memref_slice %arg3[%select_n3A, %dma_start3A] : memref<16x2048xi32, #tpu.memory_space<hbm>> -> memref<1x2048xi32, #tpu.memory_space<hbm>>
      %dma_start3A_72 = tpu.memref_squeeze %dma_start3A_71 : memref<1x2048xi32, #tpu.memory_space<hbm>> -> memref<2048xi32, #tpu.memory_space<hbm>>
      %dma_start3A_73 = arith.constant 0 : i32
      %dma_start3A_74 = tpu.memref_slice %arg3[%select_n3A, %dma_start3A_73] : memref<16x2048xi32, #tpu.memory_space<hbm>> -> memref<1x2048xi32, #tpu.memory_space<hbm>>
      %dma_start3A_75 = tpu.memref_squeeze %dma_start3A_74 : memref<1x2048xi32, #tpu.memory_space<hbm>> -> memref<2048xi32, #tpu.memory_space<hbm>>
      tpu.enqueue_dma source(%dma_start3A_75 : memref<2048xi32, #tpu.memory_space<hbm>>) target(%arg7 : memref<2048xi32, #tpu.memory_space<vmem>>) target_semaphore(%run_scoped3A : memref<!tpu.dma_semaphore, #tpu.memory_space<semaphore_mem>>)
      %dma_wait3A_76 = arith.constant 0 : i32
      %dma_wait3A_77 = tpu.memref_slice %arg3[%select_n3A, %dma_wait3A_76] : memref<16x2048xi32, #tpu.memory_space<hbm>> -> memref<1x2048xi32, #tpu.memory_space<hbm>>
      %dma_wait3A_78 = tpu.memref_squeeze %dma_wait3A_77 : memref<1x2048xi32, #tpu.memory_space<hbm>> -> memref<2048xi32, #tpu.memory_space<hbm>>
      %dma_wait3A_79 = arith.constant 0 : i32
      %dma_wait3A_80 = tpu.memref_slice %arg3[%select_n3A, %dma_wait3A_79] : memref<16x2048xi32, #tpu.memory_space<hbm>> -> memref<1x2048xi32, #tpu.memory_space<hbm>>
      %dma_wait3A_81 = tpu.memref_squeeze %dma_wait3A_80 : memref<1x2048xi32, #tpu.memory_space<hbm>> -> memref<2048xi32, #tpu.memory_space<hbm>>
      tpu.wait_dma2 semaphore(%run_scoped3A : memref<!tpu.dma_semaphore, #tpu.memory_space<semaphore_mem>>) src(%dma_wait3A_81 : memref<2048xi32, #tpu.memory_space<hbm>>) dst(%arg7 : memref<2048xi32, #tpu.memory_space<vmem>>)
      tpu.yield
    }) : () -> ()
    %scan3A = arith.constant 0 : i32
    %scan3A_31 = arith.constant 0 : i32
    %scan3A_32 = arith.constant 32 : i32
    %scan3A_33 = arith.addi %scan3A_31, %scan3A_32 : i32
    %scan3A_34 = arith.constant 1 : i32
    scf.for %scan3A_71 = %scan3A_31 to %scan3A_33 step %scan3A_34  : i32 {
      %broadcast_in_dim3A = arith.constant 0.000000e+00 : f32
      %broadcast_in_dim3A_72 = vector.broadcast %broadcast_in_dim3A : f32 to vector<16xf32>
      %swap3A = arith.index_cast %scan3A_71 : i32 to index
      %swap3A_73 = arith.constant 0 : index
      %swap3A_74 = tpu.vector_load %arg13[%swap3A, %swap3A_73] {strides = array<i32>} : memref<32x1024xf32, #tpu.memory_space<vmem>>, vector<16xf32>,
      tpu.vector_store %arg13[%swap3A, %swap3A_73], %broadcast_in_dim3A_72 {strides = array<i32>} : memref<32x1024xf32, #tpu.memory_space<vmem>>, vector<16xf32>,
      %broadcast_in_dim3A_75 = arith.constant 0.000000e+00 : f32
      %broadcast_in_dim3A_76 = vector.broadcast %broadcast_in_dim3A_75 : f32 to vector<16xf32>
      %swap3A_77 = arith.index_cast %scan3A_71 : i32 to index
      %swap3A_78 = arith.constant 16 : index
      %swap3A_79 = tpu.vector_load %arg13[%swap3A_77, %swap3A_78] {strides = array<i32>} : memref<32x1024xf32, #tpu.memory_space<vmem>>, vector<16xf32>,
      tpu.vector_store %arg13[%swap3A_77, %swap3A_78], %broadcast_in_dim3A_76 {strides = array<i32>} : memref<32x1024xf32, #tpu.memory_space<vmem>>, vector<16xf32>,
      %broadcast_in_dim3A_80 = arith.constant 0.000000e+00 : f32
      %broadcast_in_dim3A_81 = vector.broadcast %broadcast_in_dim3A_80 : f32 to vector<16xf32>
      %swap3A_82 = arith.index_cast %scan3A_71 : i32 to index
      %swap3A_83 = arith.constant 32 : index
      %swap3A_84 = tpu.vector_load %arg13[%swap3A_82, %swap3A_83] {strides = array<i32>} : memref<32x1024xf32, #tpu.memory_space<vmem>>, vector<16xf32>,
      tpu.vector_store %arg13[%swap3A_82, %swap3A_83], %broadcast_in_dim3A_81 {strides = array<i32>} : memref<32x1024xf32, #tpu.memory_space<vmem>>, vector<16xf32>,
      %broadcast_in_dim3A_85 = arith.constant 0.000000e+00 : f32
      %broadcast_in_dim3A_86 = vector.broadcast %broadcast_in_dim3A_85 : f32 to vector<16xf32>
      %swap3A_87 = arith.index_cast %scan3A_71 : i32 to index
      %swap3A_88 = arith.constant 48 : index
      %swap3A_89 = tpu.vector_load %arg13[%swap3A_87, %swap3A_88] {strides = array<i32>} : memref<32x1024xf32, #tpu.memory_space<vmem>>, vector<16xf32>,
      tpu.vector_store %arg13[%swap3A_87, %swap3A_88], %broadcast_in_dim3A_86 {strides = array<i32>} : memref<32x1024xf32, #tpu.memory_space<vmem>>, vector<16xf32>,
      %broadcast_in_dim3A_90 = arith.constant 0.000000e+00 : f32
      %broadcast_in_dim3A_91 = vector.broadcast %broadcast_in_dim3A_90 : f32 to vector<16xf32>
      %swap3A_92 = arith.index_cast %scan3A_71 : i32 to index
      %swap3A_93 = arith.constant 64 : index
      %swap3A_94 = tpu.vector_load %arg13[%swap3A_92, %swap3A_93] {strides = array<i32>} : memref<32x1024xf32, #tpu.memory_space<vmem>>, vector<16xf32>,
      tpu.vector_store %arg13[%swap3A_92, %swap3A_93], %broadcast_in_dim3A_91 {strides = array<i32>} : memref<32x1024xf32, #tpu.memory_space<vmem>>, vector<16xf32>,
      %broadcast_in_dim3A_95 = arith.constant 0.000000e+00 : f32
      %broadcast_in_dim3A_96 = vector.broadcast %broadcast_in_dim3A_95 : f32 to vector<16xf32>
      %swap3A_97 = arith.index_cast %scan3A_71 : i32 to index
      %swap3A_98 = arith.constant 80 : index
      %swap3A_99 = tpu.vector_load %arg13[%swap3A_97, %swap3A_98] {strides = array<i32>} : memref<32x1024xf32, #tpu.memory_space<vmem>>, vector<16xf32>,
      tpu.vector_store %arg13[%swap3A_97, %swap3A_98], %broadcast_in_dim3A_96 {strides = array<i32>} : memref<32x1024xf32, #tpu.memory_space<vmem>>, vector<16xf32>,
      %broadcast_in_dim3A_100 = arith.constant 0.000000e+00 : f32
      %broadcast_in_dim3A_101 = vector.broadcast %broadcast_in_dim3A_100 : f32 to vector<16xf32>
      %swap3A_102 = arith.index_cast %scan3A_71 : i32 to index
      %swap3A_103 = arith.constant 96 : index
      %swap3A_104 = tpu.vector_load %arg13[%swap3A_102, %swap3A_103] {strides = array<i32>} : memref<32x1024xf32, #tpu.memory_space<vmem>>, vector<16xf32>,
      tpu.vector_store %arg13[%swap3A_102, %swap3A_103], %broadcast_in_dim3A_101 {strides = array<i32>} : memref<32x1024xf32, #tpu.memory_space<vmem>>, vector<16xf32>,
      %broadcast_in_dim3A_105 = arith.constant 0.000000e+00 : f32
      %broadcast_in_dim3A_106 = vector.broadcast %broadcast_in_dim3A_105 : f32 to vector<16xf32>
      %swap3A_107 = arith.index_cast %scan3A_71 : i32 to index
      %swap3A_108 = arith.constant 112 : index
      %swap3A_109 = tpu.vector_load %arg13[%swap3A_107, %swap3A_108] {strides = array<i32>} : memref<32x1024xf32, #tpu.memory_space<vmem>>, vector<16xf32>,
      tpu.vector_store %arg13[%swap3A_107, %swap3A_108], %broadcast_in_dim3A_106 {strides = array<i32>} : memref<32x1024xf32, #tpu.memory_space<vmem>>, vector<16xf32>,
      %broadcast_in_dim3A_110 = arith.constant 0.000000e+00 : f32
      %broadcast_in_dim3A_111 = vector.broadcast %broadcast_in_dim3A_110 : f32 to vector<16xf32>
      %swap3A_112 = arith.index_cast %scan3A_71 : i32 to index
      %swap3A_113 = arith.constant 128 : index
      %swap3A_114 = tpu.vector_load %arg13[%swap3A_112, %swap3A_113] {strides = array<i32>} : memref<32x1024xf32, #tpu.memory_space<vmem>>, vector<16xf32>,
      tpu.vector_store %arg13[%swap3A_112, %swap3A_113], %broadcast_in_dim3A_111 {strides = array<i32>} : memref<32x1024xf32, #tpu.memory_space<vmem>>, vector<16xf32>,
      %broadcast_in_dim3A_115 = arith.constant 0.000000e+00 : f32
      %broadcast_in_dim3A_116 = vector.broadcast %broadcast_in_dim3A_115 : f32 to vector<16xf32>
      %swap3A_117 = arith.index_cast %scan3A_71 : i32 to index
      %swap3A_118 = arith.constant 144 : index
      %swap3A_119 = tpu.vector_load %arg13[%swap3A_117, %swap3A_118] {strides = array<i32>} : memref<32x1024xf32, #tpu.memory_space<vmem>>, vector<16xf32>,
      tpu.vector_store %arg13[%swap3A_117, %swap3A_118], %broadcast_in_dim3A_116 {strides = array<i32>} : memref<32x1024xf32, #tpu.memory_space<vmem>>, vector<16xf32>,
      %broadcast_in_dim3A_120 = arith.constant 0.000000e+00 : f32
      %broadcast_in_dim3A_121 = vector.broadcast %broadcast_in_dim3A_120 : f32 to vector<16xf32>
      %swap3A_122 = arith.index_cast %scan3A_71 : i32 to index
      %swap3A_123 = arith.constant 160 : index
      %swap3A_124 = tpu.vector_load %arg13[%swap3A_122, %swap3A_123] {strides = array<i32>} : memref<32x1024xf32, #tpu.memory_space<vmem>>, vector<16xf32>,
      tpu.vector_store %arg13[%swap3A_122, %swap3A_123], %broadcast_in_dim3A_121 {strides = array<i32>} : memref<32x1024xf32, #tpu.memory_space<vmem>>, vector<16xf32>,
      %broadcast_in_dim3A_125 = arith.constant 0.000000e+00 : f32
      %broadcast_in_dim3A_126 = vector.broadcast %broadcast_in_dim3A_125 : f32 to vector<16xf32>
      %swap3A_127 = arith.index_cast %scan3A_71 : i32 to index
      %swap3A_128 = arith.constant 176 : index
      %swap3A_129 = tpu.vector_load %arg13[%swap3A_127, %swap3A_128] {strides = array<i32>} : memref<32x1024xf32, #tpu.memory_space<vmem>>, vector<16xf32>,
      tpu.vector_store %arg13[%swap3A_127, %swap3A_128], %broadcast_in_dim3A_126 {strides = array<i32>} : memref<32x1024xf32, #tpu.memory_space<vmem>>, vector<16xf32>,
      %broadcast_in_dim3A_130 = arith.constant 0.000000e+00 : f32
      %broadcast_in_dim3A_131 = vector.broadcast %broadcast_in_dim3A_130 : f32 to vector<16xf32>
      %swap3A_132 = arith.index_cast %scan3A_71 : i32 to index
      %swap3A_133 = arith.constant 192 : index
      %swap3A_134 = tpu.vector_load %arg13[%swap3A_132, %swap3A_133] {strides = array<i32>} : memref<32x1024xf32, #tpu.memory_space<vmem>>, vector<16xf32>,
      tpu.vector_store %arg13[%swap3A_132, %swap3A_133], %broadcast_in_dim3A_131 {strides = array<i32>} : memref<32x1024xf32, #tpu.memory_space<vmem>>, vector<16xf32>,
      %broadcast_in_dim3A_135 = arith.constant 0.000000e+00 : f32
      %broadcast_in_dim3A_136 = vector.broadcast %broadcast_in_dim3A_135 : f32 to vector<16xf32>
      %swap3A_137 = arith.index_cast %scan3A_71 : i32 to index
      %swap3A_138 = arith.constant 208 : index
      %swap3A_139 = tpu.vector_load %arg13[%swap3A_137, %swap3A_138] {strides = array<i32>} : memref<32x1024xf32, #tpu.memory_space<vmem>>, vector<16xf32>,
      tpu.vector_store %arg13[%swap3A_137, %swap3A_138], %broadcast_in_dim3A_136 {strides = array<i32>} : memref<32x1024xf32, #tpu.memory_space<vmem>>, vector<16xf32>,
      %broadcast_in_dim3A_140 = arith.constant 0.000000e+00 : f32
      %broadcast_in_dim3A_141 = vector.broadcast %broadcast_in_dim3A_140 : f32 to vector<16xf32>
      %swap3A_142 = arith.index_cast %scan3A_71 : i32 to index
      %swap3A_143 = arith.constant 224 : index
      %swap3A_144 = tpu.vector_load %arg13[%swap3A_142, %swap3A_143] {strides = array<i32>} : memref<32x1024xf32, #tpu.memory_space<vmem>>, vector<16xf32>,
      tpu.vector_store %arg13[%swap3A_142, %swap3A_143], %broadcast_in_dim3A_141 {strides = array<i32>} : memref<32x1024xf32, #tpu.memory_space<vmem>>, vector<16xf32>,
      %broadcast_in_dim3A_145 = arith.constant 0.000000e+00 : f32
      %broadcast_in_dim3A_146 = vector.broadcast %broadcast_in_dim3A_145 : f32 to vector<16xf32>
      %swap3A_147 = arith.index_cast %scan3A_71 : i32 to index
      %swap3A_148 = arith.constant 240 : index
      %swap3A_149 = tpu.vector_load %arg13[%swap3A_147, %swap3A_148] {strides = array<i32>} : memref<32x1024xf32, #tpu.memory_space<vmem>>, vector<16xf32>,
      tpu.vector_store %arg13[%swap3A_147, %swap3A_148], %broadcast_in_dim3A_146 {strides = array<i32>} : memref<32x1024xf32, #tpu.memory_space<vmem>>, vector<16xf32>,
      %broadcast_in_dim3A_150 = arith.constant 0.000000e+00 : f32
      %broadcast_in_dim3A_151 = vector.broadcast %broadcast_in_dim3A_150 : f32 to vector<16xf32>
      %swap3A_152 = arith.index_cast %scan3A_71 : i32 to index
      %swap3A_153 = arith.constant 256 : index
      %swap3A_154 = tpu.vector_load %arg13[%swap3A_152, %swap3A_153] {strides = array<i32>} : memref<32x1024xf32, #tpu.memory_space<vmem>>, vector<16xf32>,
      tpu.vector_store %arg13[%swap3A_152, %swap3A_153], %broadcast_in_dim3A_151 {strides = array<i32>} : memref<32x1024xf32, #tpu.memory_space<vmem>>, vector<16xf32>,
      %broadcast_in_dim3A_155 = arith.constant 0.000000e+00 : f32
      %broadcast_in_dim3A_156 = vector.broadcast %broadcast_in_dim3A_155 : f32 to vector<16xf32>
      %swap3A_157 = arith.index_cast %scan3A_71 : i32 to index
      %swap3A_158 = arith.constant 272 : index
      %swap3A_159 = tpu.vector_load %arg13[%swap3A_157, %swap3A_158] {strides = array<i32>} : memref<32x1024xf32, #tpu.memory_space<vmem>>, vector<16xf32>,
      tpu.vector_store %arg13[%swap3A_157, %swap3A_158], %broadcast_in_dim3A_156 {strides = array<i32>} : memref<32x1024xf32, #tpu.memory_space<vmem>>, vector<16xf32>,
      %broadcast_in_dim3A_160 = arith.constant 0.000000e+00 : f32
      %broadcast_in_dim3A_161 = vector.broadcast %broadcast_in_dim3A_160 : f32 to vector<16xf32>
      %swap3A_162 = arith.index_cast %scan3A_71 : i32 to index
      %swap3A_163 = arith.constant 288 : index
      %swap3A_164 = tpu.vector_load %arg13[%swap3A_162, %swap3A_163] {strides = array<i32>} : memref<32x1024xf32, #tpu.memory_space<vmem>>, vector<16xf32>,
      tpu.vector_store %arg13[%swap3A_162, %swap3A_163], %broadcast_in_dim3A_161 {strides = array<i32>} : memref<32x1024xf32, #tpu.memory_space<vmem>>, vector<16xf32>,
      %broadcast_in_dim3A_165 = arith.constant 0.000000e+00 : f32
      %broadcast_in_dim3A_166 = vector.broadcast %broadcast_in_dim3A_165 : f32 to vector<16xf32>
      %swap3A_167 = arith.index_cast %scan3A_71 : i32 to index
      %swap3A_168 = arith.constant 304 : index
      %swap3A_169 = tpu.vector_load %arg13[%swap3A_167, %swap3A_168] {strides = array<i32>} : memref<32x1024xf32, #tpu.memory_space<vmem>>, vector<16xf32>,
      tpu.vector_store %arg13[%swap3A_167, %swap3A_168], %broadcast_in_dim3A_166 {strides = array<i32>} : memref<32x1024xf32, #tpu.memory_space<vmem>>, vector<16xf32>,
      %broadcast_in_dim3A_170 = arith.constant 0.000000e+00 : f32
      %broadcast_in_dim3A_171 = vector.broadcast %broadcast_in_dim3A_170 : f32 to vector<16xf32>
      %swap3A_172 = arith.index_cast %scan3A_71 : i32 to index
      %swap3A_173 = arith.constant 320 : index
      %swap3A_174 = tpu.vector_load %arg13[%swap3A_172, %swap3A_173] {strides = array<i32>} : memref<32x1024xf32, #tpu.memory_space<vmem>>, vector<16xf32>,
      tpu.vector_store %arg13[%swap3A_172, %swap3A_173], %broadcast_in_dim3A_171 {strides = array<i32>} : memref<32x1024xf32, #tpu.memory_space<vmem>>, vector<16xf32>,
      %broadcast_in_dim3A_175 = arith.constant 0.000000e+00 : f32
      %broadcast_in_dim3A_176 = vector.broadcast %broadcast_in_dim3A_175 : f32 to vector<16xf32>
      %swap3A_177 = arith.index_cast %scan3A_71 : i32 to index
      %swap3A_178 = arith.constant 336 : index
      %swap3A_179 = tpu.vector_load %arg13[%swap3A_177, %swap3A_178] {strides = array<i32>} : memref<32x1024xf32, #tpu.memory_space<vmem>>, vector<16xf32>,
      tpu.vector_store %arg13[%swap3A_177, %swap3A_178], %broadcast_in_dim3A_176 {strides = array<i32>} : memref<32x1024xf32, #tpu.memory_space<vmem>>, vector<16xf32>,
      %broadcast_in_dim3A_180 = arith.constant 0.000000e+00 : f32
      %broadcast_in_dim3A_181 = vector.broadcast %broadcast_in_dim3A_180 : f32 to vector<16xf32>
      %swap3A_182 = arith.index_cast %scan3A_71 : i32 to index
      %swap3A_183 = arith.constant 352 : index
      %swap3A_184 = tpu.vector_load %arg13[%swap3A_182, %swap3A_183] {strides = array<i32>} : memref<32x1024xf32, #tpu.memory_space<vmem>>, vector<16xf32>,
      tpu.vector_store %arg13[%swap3A_182, %swap3A_183], %broadcast_in_dim3A_181 {strides = array<i32>} : memref<32x1024xf32, #tpu.memory_space<vmem>>, vector<16xf32>,
      %broadcast_in_dim3A_185 = arith.constant 0.000000e+00 : f32
      %broadcast_in_dim3A_186 = vector.broadcast %broadcast_in_dim3A_185 : f32 to vector<16xf32>
      %swap3A_187 = arith.index_cast %scan3A_71 : i32 to index
      %swap3A_188 = arith.constant 368 : index
      %swap3A_189 = tpu.vector_load %arg13[%swap3A_187, %swap3A_188] {strides = array<i32>} : memref<32x1024xf32, #tpu.memory_space<vmem>>, vector<16xf32>,
      tpu.vector_store %arg13[%swap3A_187, %swap3A_188], %broadcast_in_dim3A_186 {strides = array<i32>} : memref<32x1024xf32, #tpu.memory_space<vmem>>, vector<16xf32>,
      %broadcast_in_dim3A_190 = arith.constant 0.000000e+00 : f32
      %broadcast_in_dim3A_191 = vector.broadcast %broadcast_in_dim3A_190 : f32 to vector<16xf32>
      %swap3A_192 = arith.index_cast %scan3A_71 : i32 to index
      %swap3A_193 = arith.constant 384 : index
      %swap3A_194 = tpu.vector_load %arg13[%swap3A_192, %swap3A_193] {strides = array<i32>} : memref<32x1024xf32, #tpu.memory_space<vmem>>, vector<16xf32>,
      tpu.vector_store %arg13[%swap3A_192, %swap3A_193], %broadcast_in_dim3A_191 {strides = array<i32>} : memref<32x1024xf32, #tpu.memory_space<vmem>>, vector<16xf32>,
      %broadcast_in_dim3A_195 = arith.constant 0.000000e+00 : f32
      %broadcast_in_dim3A_196 = vector.broadcast %broadcast_in_dim3A_195 : f32 to vector<16xf32>
      %swap3A_197 = arith.index_cast %scan3A_71 : i32 to index
      %swap3A_198 = arith.constant 400 : index
      %swap3A_199 = tpu.vector_load %arg13[%swap3A_197, %swap3A_198] {strides = array<i32>} : memref<32x1024xf32, #tpu.memory_space<vmem>>, vector<16xf32>,
      tpu.vector_store %arg13[%swap3A_197, %swap3A_198], %broadcast_in_dim3A_196 {strides = array<i32>} : memref<32x1024xf32, #tpu.memory_space<vmem>>, vector<16xf32>,
      %broadcast_in_dim3A_200 = arith.constant 0.000000e+00 : f32
      %broadcast_in_dim3A_201 = vector.broadcast %broadcast_in_dim3A_200 : f32 to vector<16xf32>
      %swap3A_202 = arith.index_cast %scan3A_71 : i32 to index
      %swap3A_203 = arith.constant 416 : index
      %swap3A_204 = tpu.vector_load %arg13[%swap3A_202, %swap3A_203] {strides = array<i32>} : memref<32x1024xf32, #tpu.memory_space<vmem>>, vector<16xf32>,
      tpu.vector_store %arg13[%swap3A_202, %swap3A_203], %broadcast_in_dim3A_201 {strides = array<i32>} : memref<32x1024xf32, #tpu.memory_space<vmem>>, vector<16xf32>,
      %broadcast_in_dim3A_205 = arith.constant 0.000000e+00 : f32
      %broadcast_in_dim3A_206 = vector.broadcast %broadcast_in_dim3A_205 : f32 to vector<16xf32>
      %swap3A_207 = arith.index_cast %scan3A_71 : i32 to index
      %swap3A_208 = arith.constant 432 : index
      %swap3A_209 = tpu.vector_load %arg13[%swap3A_207, %swap3A_208] {strides = array<i32>} : memref<32x1024xf32, #tpu.memory_space<vmem>>, vector<16xf32>,
      tpu.vector_store %arg13[%swap3A_207, %swap3A_208], %broadcast_in_dim3A_206 {strides = array<i32>} : memref<32x1024xf32, #tpu.memory_space<vmem>>, vector<16xf32>,
      %broadcast_in_dim3A_210 = arith.constant 0.000000e+00 : f32
      %broadcast_in_dim3A_211 = vector.broadcast %broadcast_in_dim3A_210 : f32 to vector<16xf32>
      %swap3A_212 = arith.index_cast %scan3A_71 : i32 to index
      %swap3A_213 = arith.constant 448 : index
      %swap3A_214 = tpu.vector_load %arg13[%swap3A_212, %swap3A_213] {strides = array<i32>} : memref<32x1024xf32, #tpu.memory_space<vmem>>, vector<16xf32>,
      tpu.vector_store %arg13[%swap3A_212, %swap3A_213], %broadcast_in_dim3A_211 {strides = array<i32>} : memref<32x1024xf32, #tpu.memory_space<vmem>>, vector<16xf32>,
      %broadcast_in_dim3A_215 = arith.constant 0.000000e+00 : f32
      %broadcast_in_dim3A_216 = vector.broadcast %broadcast_in_dim3A_215 : f32 to vector<16xf32>
      %swap3A_217 = arith.index_cast %scan3A_71 : i32 to index
      %swap3A_218 = arith.constant 464 : index
      %swap3A_219 = tpu.vector_load %arg13[%swap3A_217, %swap3A_218] {strides = array<i32>} : memref<32x1024xf32, #tpu.memory_space<vmem>>, vector<16xf32>,
      tpu.vector_store %arg13[%swap3A_217, %swap3A_218], %broadcast_in_dim3A_216 {strides = array<i32>} : memref<32x1024xf32, #tpu.memory_space<vmem>>, vector<16xf32>,
      %broadcast_in_dim3A_220 = arith.constant 0.000000e+00 : f32
      %broadcast_in_dim3A_221 = vector.broadcast %broadcast_in_dim3A_220 : f32 to vector<16xf32>
      %swap3A_222 = arith.index_cast %scan3A_71 : i32 to index
      %swap3A_223 = arith.constant 480 : index
      %swap3A_224 = tpu.vector_load %arg13[%swap3A_222, %swap3A_223] {strides = array<i32>} : memref<32x1024xf32, #tpu.memory_space<vmem>>, vector<16xf32>,
      tpu.vector_store %arg13[%swap3A_222, %swap3A_223], %broadcast_in_dim3A_221 {strides = array<i32>} : memref<32x1024xf32, #tpu.memory_space<vmem>>, vector<16xf32>,
      %broadcast_in_dim3A_225 = arith.constant 0.000000e+00 : f32
      %broadcast_in_dim3A_226 = vector.broadcast %broadcast_in_dim3A_225 : f32 to vector<16xf32>
      %swap3A_227 = arith.index_cast %scan3A_71 : i32 to index
      %swap3A_228 = arith.constant 496 : index
      %swap3A_229 = tpu.vector_load %arg13[%swap3A_227, %swap3A_228] {strides = array<i32>} : memref<32x1024xf32, #tpu.memory_space<vmem>>, vector<16xf32>,
      tpu.vector_store %arg13[%swap3A_227, %swap3A_228], %broadcast_in_dim3A_226 {strides = array<i32>} : memref<32x1024xf32, #tpu.memory_space<vmem>>, vector<16xf32>,
      %broadcast_in_dim3A_230 = arith.constant 0.000000e+00 : f32
      %broadcast_in_dim3A_231 = vector.broadcast %broadcast_in_dim3A_230 : f32 to vector<16xf32>
      %swap3A_232 = arith.index_cast %scan3A_71 : i32 to index
      %swap3A_233 = arith.constant 512 : index
      %swap3A_234 = tpu.vector_load %arg13[%swap3A_232, %swap3A_233] {strides = array<i32>} : memref<32x1024xf32, #tpu.memory_space<vmem>>, vector<16xf32>,
      tpu.vector_store %arg13[%swap3A_232, %swap3A_233], %broadcast_in_dim3A_231 {strides = array<i32>} : memref<32x1024xf32, #tpu.memory_space<vmem>>, vector<16xf32>,
      %broadcast_in_dim3A_235 = arith.constant 0.000000e+00 : f32
      %broadcast_in_dim3A_236 = vector.broadcast %broadcast_in_dim3A_235 : f32 to vector<16xf32>
      %swap3A_237 = arith.index_cast %scan3A_71 : i32 to index
      %swap3A_238 = arith.constant 528 : index
      %swap3A_239 = tpu.vector_load %arg13[%swap3A_237, %swap3A_238] {strides = array<i32>} : memref<32x1024xf32, #tpu.memory_space<vmem>>, vector<16xf32>,
      tpu.vector_store %arg13[%swap3A_237, %swap3A_238], %broadcast_in_dim3A_236 {strides = array<i32>} : memref<32x1024xf32, #tpu.memory_space<vmem>>, vector<16xf32>,
      %broadcast_in_dim3A_240 = arith.constant 0.000000e+00 : f32
      %broadcast_in_dim3A_241 = vector.broadcast %broadcast_in_dim3A_240 : f32 to vector<16xf32>
      %swap3A_242 = arith.index_cast %scan3A_71 : i32 to index
      %swap3A_243 = arith.constant 544 : index
      %swap3A_244 = tpu.vector_load %arg13[%swap3A_242, %swap3A_243] {strides = array<i32>} : memref<32x1024xf32, #tpu.memory_space<vmem>>, vector<16xf32>,
      tpu.vector_store %arg13[%swap3A_242, %swap3A_243], %broadcast_in_dim3A_241 {strides = array<i32>} : memref<32x1024xf32, #tpu.memory_space<vmem>>, vector<16xf32>,
      %broadcast_in_dim3A_245 = arith.constant 0.000000e+00 : f32
      %broadcast_in_dim3A_246 = vector.broadcast %broadcast_in_dim3A_245 : f32 to vector<16xf32>
      %swap3A_247 = arith.index_cast %scan3A_71 : i32 to index
      %swap3A_248 = arith.constant 560 : index
      %swap3A_249 = tpu.vector_load %arg13[%swap3A_247, %swap3A_248] {strides = array<i32>} : memref<32x1024xf32, #tpu.memory_space<vmem>>, vector<16xf32>,
      tpu.vector_store %arg13[%swap3A_247, %swap3A_248], %broadcast_in_dim3A_246 {strides = array<i32>} : memref<32x1024xf32, #tpu.memory_space<vmem>>, vector<16xf32>,
      %broadcast_in_dim3A_250 = arith.constant 0.000000e+00 : f32
      %broadcast_in_dim3A_251 = vector.broadcast %broadcast_in_dim3A_250 : f32 to vector<16xf32>
      %swap3A_252 = arith.index_cast %scan3A_71 : i32 to index
      %swap3A_253 = arith.constant 576 : index
      %swap3A_254 = tpu.vector_load %arg13[%swap3A_252, %swap3A_253] {strides = array<i32>} : memref<32x1024xf32, #tpu.memory_space<vmem>>, vector<16xf32>,
      tpu.vector_store %arg13[%swap3A_252, %swap3A_253], %broadcast_in_dim3A_251 {strides = array<i32>} : memref<32x1024xf32, #tpu.memory_space<vmem>>, vector<16xf32>,
      %broadcast_in_dim3A_255 = arith.constant 0.000000e+00 : f32
      %broadcast_in_dim3A_256 = vector.broadcast %broadcast_in_dim3A_255 : f32 to vector<16xf32>
      %swap3A_257 = arith.index_cast %scan3A_71 : i32 to index
      %swap3A_258 = arith.constant 592 : index
      %swap3A_259 = tpu.vector_load %arg13[%swap3A_257, %swap3A_258] {strides = array<i32>} : memref<32x1024xf32, #tpu.memory_space<vmem>>, vector<16xf32>,
      tpu.vector_store %arg13[%swap3A_257, %swap3A_258], %broadcast_in_dim3A_256 {strides = array<i32>} : memref<32x1024xf32, #tpu.memory_space<vmem>>, vector<16xf32>,
      %broadcast_in_dim3A_260 = arith.constant 0.000000e+00 : f32
      %broadcast_in_dim3A_261 = vector.broadcast %broadcast_in_dim3A_260 : f32 to vector<16xf32>
      %swap3A_262 = arith.index_cast %scan3A_71 : i32 to index
      %swap3A_263 = arith.constant 608 : index
      %swap3A_264 = tpu.vector_load %arg13[%swap3A_262, %swap3A_263] {strides = array<i32>} : memref<32x1024xf32, #tpu.memory_space<vmem>>, vector<16xf32>,
      tpu.vector_store %arg13[%swap3A_262, %swap3A_263], %broadcast_in_dim3A_261 {strides = array<i32>} : memref<32x1024xf32, #tpu.memory_space<vmem>>, vector<16xf32>,
      %broadcast_in_dim3A_265 = arith.constant 0.000000e+00 : f32
      %broadcast_in_dim3A_266 = vector.broadcast %broadcast_in_dim3A_265 : f32 to vector<16xf32>
      %swap3A_267 = arith.index_cast %scan3A_71 : i32 to index
      %swap3A_268 = arith.constant 624 : index
      %swap3A_269 = tpu.vector_load %arg13[%swap3A_267, %swap3A_268] {strides = array<i32>} : memref<32x1024xf32, #tpu.memory_space<vmem>>, vector<16xf32>,
      tpu.vector_store %arg13[%swap3A_267, %swap3A_268], %broadcast_in_dim3A_266 {strides = array<i32>} : memref<32x1024xf32, #tpu.memory_space<vmem>>, vector<16xf32>,
      %broadcast_in_dim3A_270 = arith.constant 0.000000e+00 : f32
      %broadcast_in_dim3A_271 = vector.broadcast %broadcast_in_dim3A_270 : f32 to vector<16xf32>
      %swap3A_272 = arith.index_cast %scan3A_71 : i32 to index
      %swap3A_273 = arith.constant 640 : index
      %swap3A_274 = tpu.vector_load %arg13[%swap3A_272, %swap3A_273] {strides = array<i32>} : memref<32x1024xf32, #tpu.memory_space<vmem>>, vector<16xf32>,
      tpu.vector_store %arg13[%swap3A_272, %swap3A_273], %broadcast_in_dim3A_271 {strides = array<i32>} : memref<32x1024xf32, #tpu.memory_space<vmem>>, vector<16xf32>,
      %broadcast_in_dim3A_275 = arith.constant 0.000000e+00 : f32
      %broadcast_in_dim3A_276 = vector.broadcast %broadcast_in_dim3A_275 : f32 to vector<16xf32>
      %swap3A_277 = arith.index_cast %scan3A_71 : i32 to index
      %swap3A_278 = arith.constant 656 : index
      %swap3A_279 = tpu.vector_load %arg13[%swap3A_277, %swap3A_278] {strides = array<i32>} : memref<32x1024xf32, #tpu.memory_space<vmem>>, vector<16xf32>,
      tpu.vector_store %arg13[%swap3A_277, %swap3A_278], %broadcast_in_dim3A_276 {strides = array<i32>} : memref<32x1024xf32, #tpu.memory_space<vmem>>, vector<16xf32>,
      %broadcast_in_dim3A_280 = arith.constant 0.000000e+00 : f32
      %broadcast_in_dim3A_281 = vector.broadcast %broadcast_in_dim3A_280 : f32 to vector<16xf32>
      %swap3A_282 = arith.index_cast %scan3A_71 : i32 to index
      %swap3A_283 = arith.constant 672 : index
      %swap3A_284 = tpu.vector_load %arg13[%swap3A_282, %swap3A_283] {strides = array<i32>} : memref<32x1024xf32, #tpu.memory_space<vmem>>, vector<16xf32>,
      tpu.vector_store %arg13[%swap3A_282, %swap3A_283], %broadcast_in_dim3A_281 {strides = array<i32>} : memref<32x1024xf32, #tpu.memory_space<vmem>>, vector<16xf32>,
      %broadcast_in_dim3A_285 = arith.constant 0.000000e+00 : f32
      %broadcast_in_dim3A_286 = vector.broadcast %broadcast_in_dim3A_285 : f32 to vector<16xf32>
      %swap3A_287 = arith.index_cast %scan3A_71 : i32 to index
      %swap3A_288 = arith.constant 688 : index
      %swap3A_289 = tpu.vector_load %arg13[%swap3A_287, %swap3A_288] {strides = array<i32>} : memref<32x1024xf32, #tpu.memory_space<vmem>>, vector<16xf32>,
      tpu.vector_store %arg13[%swap3A_287, %swap3A_288], %broadcast_in_dim3A_286 {strides = array<i32>} : memref<32x1024xf32, #tpu.memory_space<vmem>>, vector<16xf32>,
      %broadcast_in_dim3A_290 = arith.constant 0.000000e+00 : f32
      %broadcast_in_dim3A_291 = vector.broadcast %broadcast_in_dim3A_290 : f32 to vector<16xf32>
      %swap3A_292 = arith.index_cast %scan3A_71 : i32 to index
      %swap3A_293 = arith.constant 704 : index
      %swap3A_294 = tpu.vector_load %arg13[%swap3A_292, %swap3A_293] {strides = array<i32>} : memref<32x1024xf32, #tpu.memory_space<vmem>>, vector<16xf32>,
      tpu.vector_store %arg13[%swap3A_292, %swap3A_293], %broadcast_in_dim3A_291 {strides = array<i32>} : memref<32x1024xf32, #tpu.memory_space<vmem>>, vector<16xf32>,
      %broadcast_in_dim3A_295 = arith.constant 0.000000e+00 : f32
      %broadcast_in_dim3A_296 = vector.broadcast %broadcast_in_dim3A_295 : f32 to vector<16xf32>
      %swap3A_297 = arith.index_cast %scan3A_71 : i32 to index
      %swap3A_298 = arith.constant 720 : index
      %swap3A_299 = tpu.vector_load %arg13[%swap3A_297, %swap3A_298] {strides = array<i32>} : memref<32x1024xf32, #tpu.memory_space<vmem>>, vector<16xf32>,
      tpu.vector_store %arg13[%swap3A_297, %swap3A_298], %broadcast_in_dim3A_296 {strides = array<i32>} : memref<32x1024xf32, #tpu.memory_space<vmem>>, vector<16xf32>,
      %broadcast_in_dim3A_300 = arith.constant 0.000000e+00 : f32
      %broadcast_in_dim3A_301 = vector.broadcast %broadcast_in_dim3A_300 : f32 to vector<16xf32>
      %swap3A_302 = arith.index_cast %scan3A_71 : i32 to index
      %swap3A_303 = arith.constant 736 : index
      %swap3A_304 = tpu.vector_load %arg13[%swap3A_302, %swap3A_303] {strides = array<i32>} : memref<32x1024xf32, #tpu.memory_space<vmem>>, vector<16xf32>,
      tpu.vector_store %arg13[%swap3A_302, %swap3A_303], %broadcast_in_dim3A_301 {strides = array<i32>} : memref<32x1024xf32, #tpu.memory_space<vmem>>, vector<16xf32>,
      %broadcast_in_dim3A_305 = arith.constant 0.000000e+00 : f32
      %broadcast_in_dim3A_306 = vector.broadcast %broadcast_in_dim3A_305 : f32 to vector<16xf32>
      %swap3A_307 = arith.index_cast %scan3A_71 : i32 to index
      %swap3A_308 = arith.constant 752 : index
      %swap3A_309 = tpu.vector_load %arg13[%swap3A_307, %swap3A_308] {strides = array<i32>} : memref<32x1024xf32, #tpu.memory_space<vmem>>, vector<16xf32>,
      tpu.vector_store %arg13[%swap3A_307, %swap3A_308], %broadcast_in_dim3A_306 {strides = array<i32>} : memref<32x1024xf32, #tpu.memory_space<vmem>>, vector<16xf32>,
      %broadcast_in_dim3A_310 = arith.constant 0.000000e+00 : f32
      %broadcast_in_dim3A_311 = vector.broadcast %broadcast_in_dim3A_310 : f32 to vector<16xf32>
      %swap3A_312 = arith.index_cast %scan3A_71 : i32 to index
      %swap3A_313 = arith.constant 768 : index
      %swap3A_314 = tpu.vector_load %arg13[%swap3A_312, %swap3A_313] {strides = array<i32>} : memref<32x1024xf32, #tpu.memory_space<vmem>>, vector<16xf32>,
      tpu.vector_store %arg13[%swap3A_312, %swap3A_313], %broadcast_in_dim3A_311 {strides = array<i32>} : memref<32x1024xf32, #tpu.memory_space<vmem>>, vector<16xf32>,
      %broadcast_in_dim3A_315 = arith.constant 0.000000e+00 : f32
      %broadcast_in_dim3A_316 = vector.broadcast %broadcast_in_dim3A_315 : f32 to vector<16xf32>
      %swap3A_317 = arith.index_cast %scan3A_71 : i32 to index
      %swap3A_318 = arith.constant 784 : index
      %swap3A_319 = tpu.vector_load %arg13[%swap3A_317, %swap3A_318] {strides = array<i32>} : memref<32x1024xf32, #tpu.memory_space<vmem>>, vector<16xf32>,
      tpu.vector_store %arg13[%swap3A_317, %swap3A_318], %broadcast_in_dim3A_316 {strides = array<i32>} : memref<32x1024xf32, #tpu.memory_space<vmem>>, vector<16xf32>,
      %broadcast_in_dim3A_320 = arith.constant 0.000000e+00 : f32
      %broadcast_in_dim3A_321 = vector.broadcast %broadcast_in_dim3A_320 : f32 to vector<16xf32>
      %swap3A_322 = arith.index_cast %scan3A_71 : i32 to index
      %swap3A_323 = arith.constant 800 : index
      %swap3A_324 = tpu.vector_load %arg13[%swap3A_322, %swap3A_323] {strides = array<i32>} : memref<32x1024xf32, #tpu.memory_space<vmem>>, vector<16xf32>,
      tpu.vector_store %arg13[%swap3A_322, %swap3A_323], %broadcast_in_dim3A_321 {strides = array<i32>} : memref<32x1024xf32, #tpu.memory_space<vmem>>, vector<16xf32>,
      %broadcast_in_dim3A_325 = arith.constant 0.000000e+00 : f32
      %broadcast_in_dim3A_326 = vector.broadcast %broadcast_in_dim3A_325 : f32 to vector<16xf32>
      %swap3A_327 = arith.index_cast %scan3A_71 : i32 to index
      %swap3A_328 = arith.constant 816 : index
      %swap3A_329 = tpu.vector_load %arg13[%swap3A_327, %swap3A_328] {strides = array<i32>} : memref<32x1024xf32, #tpu.memory_space<vmem>>, vector<16xf32>,
      tpu.vector_store %arg13[%swap3A_327, %swap3A_328], %broadcast_in_dim3A_326 {strides = array<i32>} : memref<32x1024xf32, #tpu.memory_space<vmem>>, vector<16xf32>,
      %broadcast_in_dim3A_330 = arith.constant 0.000000e+00 : f32
      %broadcast_in_dim3A_331 = vector.broadcast %broadcast_in_dim3A_330 : f32 to vector<16xf32>
      %swap3A_332 = arith.index_cast %scan3A_71 : i32 to index
      %swap3A_333 = arith.constant 832 : index
      %swap3A_334 = tpu.vector_load %arg13[%swap3A_332, %swap3A_333] {strides = array<i32>} : memref<32x1024xf32, #tpu.memory_space<vmem>>, vector<16xf32>,
      tpu.vector_store %arg13[%swap3A_332, %swap3A_333], %broadcast_in_dim3A_331 {strides = array<i32>} : memref<32x1024xf32, #tpu.memory_space<vmem>>, vector<16xf32>,
      %broadcast_in_dim3A_335 = arith.constant 0.000000e+00 : f32
      %broadcast_in_dim3A_336 = vector.broadcast %broadcast_in_dim3A_335 : f32 to vector<16xf32>
      %swap3A_337 = arith.index_cast %scan3A_71 : i32 to index
      %swap3A_338 = arith.constant 848 : index
      %swap3A_339 = tpu.vector_load %arg13[%swap3A_337, %swap3A_338] {strides = array<i32>} : memref<32x1024xf32, #tpu.memory_space<vmem>>, vector<16xf32>,
      tpu.vector_store %arg13[%swap3A_337, %swap3A_338], %broadcast_in_dim3A_336 {strides = array<i32>} : memref<32x1024xf32, #tpu.memory_space<vmem>>, vector<16xf32>,
      %broadcast_in_dim3A_340 = arith.constant 0.000000e+00 : f32
      %broadcast_in_dim3A_341 = vector.broadcast %broadcast_in_dim3A_340 : f32 to vector<16xf32>
      %swap3A_342 = arith.index_cast %scan3A_71 : i32 to index
      %swap3A_343 = arith.constant 864 : index
      %swap3A_344 = tpu.vector_load %arg13[%swap3A_342, %swap3A_343] {strides = array<i32>} : memref<32x1024xf32, #tpu.memory_space<vmem>>, vector<16xf32>,
      tpu.vector_store %arg13[%swap3A_342, %swap3A_343], %broadcast_in_dim3A_341 {strides = array<i32>} : memref<32x1024xf32, #tpu.memory_space<vmem>>, vector<16xf32>,
      %broadcast_in_dim3A_345 = arith.constant 0.000000e+00 : f32
      %broadcast_in_dim3A_346 = vector.broadcast %broadcast_in_dim3A_345 : f32 to vector<16xf32>
      %swap3A_347 = arith.index_cast %scan3A_71 : i32 to index
      %swap3A_348 = arith.constant 880 : index
      %swap3A_349 = tpu.vector_load %arg13[%swap3A_347, %swap3A_348] {strides = array<i32>} : memref<32x1024xf32, #tpu.memory_space<vmem>>, vector<16xf32>,
      tpu.vector_store %arg13[%swap3A_347, %swap3A_348], %broadcast_in_dim3A_346 {strides = array<i32>} : memref<32x1024xf32, #tpu.memory_space<vmem>>, vector<16xf32>,
      %broadcast_in_dim3A_350 = arith.constant 0.000000e+00 : f32
      %broadcast_in_dim3A_351 = vector.broadcast %broadcast_in_dim3A_350 : f32 to vector<16xf32>
      %swap3A_352 = arith.index_cast %scan3A_71 : i32 to index
      %swap3A_353 = arith.constant 896 : index
      %swap3A_354 = tpu.vector_load %arg13[%swap3A_352, %swap3A_353] {strides = array<i32>} : memref<32x1024xf32, #tpu.memory_space<vmem>>, vector<16xf32>,
      tpu.vector_store %arg13[%swap3A_352, %swap3A_353], %broadcast_in_dim3A_351 {strides = array<i32>} : memref<32x1024xf32, #tpu.memory_space<vmem>>, vector<16xf32>,
      %broadcast_in_dim3A_355 = arith.constant 0.000000e+00 : f32
      %broadcast_in_dim3A_356 = vector.broadcast %broadcast_in_dim3A_355 : f32 to vector<16xf32>
      %swap3A_357 = arith.index_cast %scan3A_71 : i32 to index
      %swap3A_358 = arith.constant 912 : index
      %swap3A_359 = tpu.vector_load %arg13[%swap3A_357, %swap3A_358] {strides = array<i32>} : memref<32x1024xf32, #tpu.memory_space<vmem>>, vector<16xf32>,
      tpu.vector_store %arg13[%swap3A_357, %swap3A_358], %broadcast_in_dim3A_356 {strides = array<i32>} : memref<32x1024xf32, #tpu.memory_space<vmem>>, vector<16xf32>,
      %broadcast_in_dim3A_360 = arith.constant 0.000000e+00 : f32
      %broadcast_in_dim3A_361 = vector.broadcast %broadcast_in_dim3A_360 : f32 to vector<16xf32>
      %swap3A_362 = arith.index_cast %scan3A_71 : i32 to index
      %swap3A_363 = arith.constant 928 : index
      %swap3A_364 = tpu.vector_load %arg13[%swap3A_362, %swap3A_363] {strides = array<i32>} : memref<32x1024xf32, #tpu.memory_space<vmem>>, vector<16xf32>,
      tpu.vector_store %arg13[%swap3A_362, %swap3A_363], %broadcast_in_dim3A_361 {strides = array<i32>} : memref<32x1024xf32, #tpu.memory_space<vmem>>, vector<16xf32>,
      %broadcast_in_dim3A_365 = arith.constant 0.000000e+00 : f32
      %broadcast_in_dim3A_366 = vector.broadcast %broadcast_in_dim3A_365 : f32 to vector<16xf32>
      %swap3A_367 = arith.index_cast %scan3A_71 : i32 to index
      %swap3A_368 = arith.constant 944 : index
      %swap3A_369 = tpu.vector_load %arg13[%swap3A_367, %swap3A_368] {strides = array<i32>} : memref<32x1024xf32, #tpu.memory_space<vmem>>, vector<16xf32>,
      tpu.vector_store %arg13[%swap3A_367, %swap3A_368], %broadcast_in_dim3A_366 {strides = array<i32>} : memref<32x1024xf32, #tpu.memory_space<vmem>>, vector<16xf32>,
      %broadcast_in_dim3A_370 = arith.constant 0.000000e+00 : f32
      %broadcast_in_dim3A_371 = vector.broadcast %broadcast_in_dim3A_370 : f32 to vector<16xf32>
      %swap3A_372 = arith.index_cast %scan3A_71 : i32 to index
      %swap3A_373 = arith.constant 960 : index
      %swap3A_374 = tpu.vector_load %arg13[%swap3A_372, %swap3A_373] {strides = array<i32>} : memref<32x1024xf32, #tpu.memory_space<vmem>>, vector<16xf32>,
      tpu.vector_store %arg13[%swap3A_372, %swap3A_373], %broadcast_in_dim3A_371 {strides = array<i32>} : memref<32x1024xf32, #tpu.memory_space<vmem>>, vector<16xf32>,
      %broadcast_in_dim3A_375 = arith.constant 0.000000e+00 : f32
      %broadcast_in_dim3A_376 = vector.broadcast %broadcast_in_dim3A_375 : f32 to vector<16xf32>
      %swap3A_377 = arith.index_cast %scan3A_71 : i32 to index
      %swap3A_378 = arith.constant 976 : index
      %swap3A_379 = tpu.vector_load %arg13[%swap3A_377, %swap3A_378] {strides = array<i32>} : memref<32x1024xf32, #tpu.memory_space<vmem>>, vector<16xf32>,
      tpu.vector_store %arg13[%swap3A_377, %swap3A_378], %broadcast_in_dim3A_376 {strides = array<i32>} : memref<32x1024xf32, #tpu.memory_space<vmem>>, vector<16xf32>,
      %broadcast_in_dim3A_380 = arith.constant 0.000000e+00 : f32
      %broadcast_in_dim3A_381 = vector.broadcast %broadcast_in_dim3A_380 : f32 to vector<16xf32>
      %swap3A_382 = arith.index_cast %scan3A_71 : i32 to index
      %swap3A_383 = arith.constant 992 : index
      %swap3A_384 = tpu.vector_load %arg13[%swap3A_382, %swap3A_383] {strides = array<i32>} : memref<32x1024xf32, #tpu.memory_space<vmem>>, vector<16xf32>,
      tpu.vector_store %arg13[%swap3A_382, %swap3A_383], %broadcast_in_dim3A_381 {strides = array<i32>} : memref<32x1024xf32, #tpu.memory_space<vmem>>, vector<16xf32>,
      %broadcast_in_dim3A_385 = arith.constant 0.000000e+00 : f32
      %broadcast_in_dim3A_386 = vector.broadcast %broadcast_in_dim3A_385 : f32 to vector<16xf32>
      %swap3A_387 = arith.index_cast %scan3A_71 : i32 to index
      %swap3A_388 = arith.constant 1008 : index
      %swap3A_389 = tpu.vector_load %arg13[%swap3A_387, %swap3A_388] {strides = array<i32>} : memref<32x1024xf32, #tpu.memory_space<vmem>>, vector<16xf32>,
      tpu.vector_store %arg13[%swap3A_387, %swap3A_388], %broadcast_in_dim3A_386 {strides = array<i32>} : memref<32x1024xf32, #tpu.memory_space<vmem>>, vector<16xf32>,
    }
    %scan3A_35 = arith.constant 32 : i32
    %mul3A_36 = arith.constant 2048 : i32
    %mul3A_37 = arith.muli %select_n3A, %mul3A_36 : i32
    %scan3A_38 = arith.constant 0 : i32
    %scan3A_39 = arith.constant 0 : i32
    %scan3A_40 = arith.constant 128 : i32
    %scan3A_41 = arith.addi %scan3A_39, %scan3A_40 : i32
    %scan3A_42 = arith.constant 1 : i32
    %scan3A_43 = scf.for %scan3A_71 = %scan3A_39 to %scan3A_41 step %scan3A_42 iter_args(%scan3A_72 = %scan3A_38) -> (i32)  : i32 {
      %mul3A_73 = arith.constant 16 : i32
      %mul3A_74 = arith.muli %scan3A_71, %mul3A_73 : i32
      %get3A = arith.index_cast %mul3A_74 : i32 to index
      %get3A_75 = tpu.vector_load %arg7[%get3A] {strides = array<i32>} : memref<2048xi32, #tpu.memory_space<vmem>>, vector<16xi32>,
      %iota3A = tpu.iota {dimensions = array<i32: 0>} : vector<16xi32>
      %sub3A_76 = arith.constant 1 : i32
      %sub3A_77 = vector.broadcast %sub3A_76 : i32 to vector<16xi32>
      %sub3A_78 = arith.subi %sub3A_77, %get3A_75 : vector<16xi32>
      %mul3A_79 = arith.constant 16 : i32
      %mul3A_80 = vector.broadcast %mul3A_79 : i32 to vector<16xi32>
      %mul3A_81 = arith.muli %sub3A_78, %mul3A_80 : vector<16xi32>
      %add3A_82 = arith.addi %iota3A, %mul3A_81 : vector<16xi32>
      %mul3A_83 = arith.constant 16 : i32
      %mul3A_84 = arith.muli %scan3A_71, %mul3A_83 : i32
      %add3A_85 = arith.addi %mul3A_84, %mul3A_37 : i32
      %add3A_86 = vector.broadcast %add3A_85 : i32 to vector<16xi32>
      %add3A_87 = arith.addi %iota3A, %add3A_86 : vector<16xi32>
      %masked_sort3A = arith.constant dense<true> : vector<16xi1>
      %masked_sort3A_88 = arith.constant -2147483648 : i32
      %masked_sort3A_89 = vector.broadcast %masked_sort3A_88 : i32 to vector<16xi32>
      %masked_sort3A_90 = arith.xori %add3A_82, %masked_sort3A_89 : vector<16xi32>
      %masked_sort3A_91, %masked_sort3A_92, %masked_sort3A_93 = tpu.sort %masked_sort3A_90, %add3A_87 masked %masked_sort3A : (vector<16xi32>, vector<16xi32>, vector<16xi1>) -> (vector<16xi1>, vector<16xi32>, vector<16xi32>)
      %masked_sort3A_94 = arith.xori %masked_sort3A_92, %masked_sort3A_89 : vector<16xi32>
      %swap3A = arith.index_cast %scan3A_72 : i32 to index
      %swap3A_95 = tpu.vector_load %arg6[%swap3A] {strides = array<i32>} : memref<2064xi32, #tpu.memory_space<vmem>>, vector<16xi32>,
      tpu.vector_store %arg6[%swap3A], %masked_sort3A_93 {strides = array<i32>} : memref<2064xi32, #tpu.memory_space<vmem>>, vector<16xi32>,
      %gt3A_96 = arith.constant 0 : i32
      %gt3A_97 = vector.broadcast %gt3A_96 : i32 to vector<16xi32>
      %gt3A_98 = arith.cmpi sgt, %get3A_75, %gt3A_97 : vector<16xi32>
      %all_reduce_population_count3A = tpu.all_reduce %gt3A_98 {dim = 0 : i64, kind = #tpu.reduction_kind<sum>} : vector<16xi1> -> vector<16xi32>
      %slice3A = vector.extract_strided_slice %all_reduce_population_count3A {offsets = [0], sizes = [1], strides = [1]} : vector<16xi32> to vector<1xi32>
      %squeeze3A = vector.extract %slice3A[0] : i32 from vector<1xi32>
      %add3A_99 = arith.addi %scan3A_72, %squeeze3A : i32
      scf.yield %add3A_99 : i32
    }
    %scan3A_44 = arith.constant 128 : i32
    %eq3A_45 = arith.constant 0 : i32
    %eq3A_46 = arith.cmpi eq, %select_n3A_30, %eq3A_45 : i32
    %convert_element_type3A = arith.extui %eq3A_46 : i1 to i32
    %cond3A = arith.constant 0 : i32
    %cond3A_47 = arith.cmpi ne, %convert_element_type3A, %cond3A : i32
    scf.if %cond3A_47 {
      %broadcast_in_dim3A = arith.constant 0 : i32
      %broadcast_in_dim3A_71 = vector.broadcast %broadcast_in_dim3A : i32 to vector<16xi32>
      %add3A_72 = vector.broadcast %scan3A_43 : i32 to vector<16xi32>
      %add3A_73 = arith.addi %broadcast_in_dim3A_71, %add3A_72 : vector<16xi32>
      %swap3A = arith.constant 0 : index
      %swap3A_74 = tpu.vector_load %arg8[%swap3A] {strides = array<i32>} : memref<16xi32, #tpu.memory_space<vmem>>, vector<16xi32>,
      tpu.vector_store %arg8[%swap3A], %add3A_73 {strides = array<i32>} : memref<16xi32, #tpu.memory_space<vmem>>, vector<16xi32>,
      "tpu.region"() ({
        %run_scoped3A = tpu.sem_alloc : memref<!tpu.dma_semaphore, #tpu.memory_space<semaphore_mem>>
        %dma_start3A = arith.constant 0 : i32
        %dma_start3A_75 = tpu.memref_slice %arg5[%select_n3A, %dma_start3A] : memref<16x16xi32, #tpu.memory_space<hbm>> -> memref<1x16xi32, #tpu.memory_space<hbm>>
        %dma_start3A_76 = tpu.memref_squeeze %dma_start3A_75 : memref<1x16xi32, #tpu.memory_space<hbm>> -> memref<16xi32, #tpu.memory_space<hbm>>
        %dma_start3A_77 = arith.constant 0 : i32
        %dma_start3A_78 = tpu.memref_slice %arg5[%select_n3A, %dma_start3A_77] : memref<16x16xi32, #tpu.memory_space<hbm>> -> memref<1x16xi32, #tpu.memory_space<hbm>>
        %dma_start3A_79 = tpu.memref_squeeze %dma_start3A_78 : memref<1x16xi32, #tpu.memory_space<hbm>> -> memref<16xi32, #tpu.memory_space<hbm>>
        tpu.enqueue_dma source(%arg8 : memref<16xi32, #tpu.memory_space<vmem>>) target(%dma_start3A_79 : memref<16xi32, #tpu.memory_space<hbm>>) target_semaphore(%run_scoped3A : memref<!tpu.dma_semaphore, #tpu.memory_space<semaphore_mem>>)
        %dma_wait3A_80 = arith.constant 0 : i32
        %dma_wait3A_81 = tpu.memref_slice %arg5[%select_n3A, %dma_wait3A_80] : memref<16x16xi32, #tpu.memory_space<hbm>> -> memref<1x16xi32, #tpu.memory_space<hbm>>
        %dma_wait3A_82 = tpu.memref_squeeze %dma_wait3A_81 : memref<1x16xi32, #tpu.memory_space<hbm>> -> memref<16xi32, #tpu.memory_space<hbm>>
        %dma_wait3A_83 = arith.constant 0 : i32
        %dma_wait3A_84 = tpu.memref_slice %arg5[%select_n3A, %dma_wait3A_83] : memref<16x16xi32, #tpu.memory_space<hbm>> -> memref<1x16xi32, #tpu.memory_space<hbm>>
        %dma_wait3A_85 = tpu.memref_squeeze %dma_wait3A_84 : memref<1x16xi32, #tpu.memory_space<hbm>> -> memref<16xi32, #tpu.memory_space<hbm>>
        tpu.wait_dma2 semaphore(%run_scoped3A : memref<!tpu.dma_semaphore, #tpu.memory_space<semaphore_mem>>) src(%arg8 : memref<16xi32, #tpu.memory_space<vmem>>) dst(%dma_wait3A_85 : memref<16xi32, #tpu.memory_space<hbm>>)
        tpu.yield
      }) : () -> ()
    } else {
    }
    %mul3A_48 = arith.constant 1024 : i32
    %mul3A_49 = arith.muli %select_n3A_30, %mul3A_48 : i32
    %sub3A_50 = arith.subi %scan3A_43, %mul3A_49 : i32
    %jit3A_51 = arith.constant 0 : i32
    %jit3A_52 = arith.constant 1024 : i32
    %max3A = arith.maxsi %jit3A_51, %sub3A_50 : i32
    %min3A = arith.minsi %jit3A_52, %max3A : i32
    %gt3A = arith.constant 0 : i32
    %gt3A_53 = arith.cmpi sgt, %min3A, %gt3A : i32
    %convert_element_type3A_54 = arith.extui %gt3A_53 : i1 to i32
    %cond3A_55 = arith.constant 0 : i32
    %cond3A_56 = arith.cmpi ne, %convert_element_type3A_54, %cond3A_55 : i32
    scf.if %cond3A_56 {
      %mul3A_71 = arith.constant 1024 : i32
      %mul3A_72 = arith.muli %select_n3A_30, %mul3A_71 : i32
      %add3A_73 = arith.constant 0 : i32
      %add3A_74 = arith.addi %mul3A_72, %add3A_73 : i32
      %add3A_75 = arith.constant 0 : i32
      %add3A_76 = arith.addi %add3A_74, %add3A_75 : i32
      %get3A = arith.index_cast %add3A_76 : i32 to index
      %get3A_77 = tpu.vector_load %arg6[%get3A] {strides = array<i32>} : memref<2064xi32, #tpu.memory_space<vmem>>, vector<16xi32>,
      %jit3A_78 = arith.constant 0 : i32
      %jit3A_79 = arith.constant 32767 : i32
      %max3A_80 = vector.broadcast %jit3A_78 : i32 to vector<16xi32>
      %max3A_81 = arith.maxsi %max3A_80, %get3A_77 : vector<16xi32>
      %min3A_82 = vector.broadcast %jit3A_79 : i32 to vector<16xi32>
      %min3A_83 = arith.minsi %min3A_82, %max3A_81 : vector<16xi32>
      %swap3A = arith.constant 0 : index
      %swap3A_84 = tpu.vector_load %arg9[%swap3A] {strides = array<i32>} : memref<32xi32, #tpu.memory_space<vmem>>, vector<16xi32>,
      tpu.vector_store %arg9[%swap3A], %min3A_83 {strides = array<i32>} : memref<32xi32, #tpu.memory_space<vmem>>, vector<16xi32>,
      %mul3A_85 = arith.constant 1024 : i32
      %mul3A_86 = arith.muli %select_n3A_30, %mul3A_85 : i32
      %add3A_87 = arith.constant 0 : i32
      %add3A_88 = arith.addi %mul3A_86, %add3A_87 : i32
      %add3A_89 = arith.constant 16 : i32
      %add3A_90 = arith.addi %add3A_88, %add3A_89 : i32
      %get3A_91 = arith.index_cast %add3A_90 : i32 to index
      %get3A_92 = tpu.vector_load %arg6[%get3A_91] {strides = array<i32>} : memref<2064xi32, #tpu.memory_space<vmem>>, vector<16xi32>,
      %jit3A_93 = arith.constant 0 : i32
      %jit3A_94 = arith.constant 32767 : i32
      %max3A_95 = vector.broadcast %jit3A_93 : i32 to vector<16xi32>
      %max3A_96 = arith.maxsi %max3A_95, %get3A_92 : vector<16xi32>
      %min3A_97 = vector.broadcast %jit3A_94 : i32 to vector<16xi32>
      %min3A_98 = arith.minsi %min3A_97, %max3A_96 : vector<16xi32>
      %swap3A_99 = arith.constant 16 : index
      %swap3A_100 = tpu.vector_load %arg9[%swap3A_99] {strides = array<i32>} : memref<32xi32, #tpu.memory_space<vmem>>, vector<16xi32>,
      tpu.vector_store %arg9[%swap3A_99], %min3A_98 {strides = array<i32>} : memref<32xi32, #tpu.memory_space<vmem>>, vector<16xi32>,
      %dma_start3A = arith.constant 0 : i32
      %dma_start3A_101 = arith.constant 0 : i32
      %dma_start3A_102 = tpu.memref_slice %arg2[%dma_start3A, %dma_start3A_101] : memref<32768x1024xf32, #tpu.memory_space<hbm>> -> memref<32768x1024xf32, #tpu.memory_space<hbm>>
      tpu.enqueue_indirect_dma source(%dma_start3A_102 : memref<32768x1024xf32, #tpu.memory_space<hbm>>) target(%arg11 : memref<32x1024xf32, #tpu.memory_space<vmem>>) offsets(%arg9 : memref<32xi32, #tpu.memory_space<vmem>>) semaphore(%arg14 : memref<!tpu.dma_semaphore, #tpu.memory_space<semaphore_mem>>)
    } else {
    }
    %scan3A_57 = arith.constant 0 : i32
    %scan3A_58 = arith.constant 0 : i32
    %scan3A_59 = arith.constant 16 : i32
    %scan3A_60 = arith.addi %scan3A_58, %scan3A_59 : i32
    %scan3A_61 = arith.constant 1 : i32
    scf.for %scan3A_71 = %scan3A_58 to %scan3A_60 step %scan3A_61  : i32 {
      %mul3A_72 = arith.constant 2 : i32
      %mul3A_73 = arith.muli %scan3A_71, %mul3A_72 : i32
      %add3A_74 = arith.constant 0 : i32
      %add3A_75 = arith.addi %mul3A_73, %add3A_74 : i32
      %ge3A = arith.constant 1 : i32
      %ge3A_76 = arith.cmpi sge, %add3A_75, %ge3A : i32
      %convert_element_type3A_77 = arith.extui %ge3A_76 : i1 to i32
      %cond3A_78 = arith.constant 0 : i32
      %cond3A_79 = arith.cmpi ne, %convert_element_type3A_77, %cond3A_78 : i32
      scf.if %cond3A_79 {
        %sub3A_139 = arith.constant 1 : i32
        %sub3A_140 = arith.subi %add3A_75, %sub3A_139 : i32
        %max3A_141 = arith.constant 0 : i32
        %max3A_142 = arith.maxsi %sub3A_140, %max3A_141 : i32
        %mul3A_143 = arith.constant 1024 : i32
        %mul3A_144 = arith.muli %select_n3A_30, %mul3A_143 : i32
        %add3A_145 = arith.addi %mul3A_37, %mul3A_144 : i32
        %mul3A_146 = arith.constant 32 : i32
        %mul3A_147 = arith.muli %max3A_142, %mul3A_146 : i32
        %add3A_148 = arith.addi %add3A_145, %mul3A_147 : i32
        %dma_wait3A_149 = arith.constant 0 : i32
        %dma_wait3A_150 = tpu.memref_slice %arg4[%add3A_148, %dma_wait3A_149] : memref<32768x1024xf32, #tpu.memory_space<hbm>> -> memref<32x1024xf32, #tpu.memory_space<hbm>>
        %dma_wait3A_151 = arith.constant 0 : i32
        %dma_wait3A_152 = tpu.memref_slice %arg4[%add3A_148, %dma_wait3A_151] : memref<32768x1024xf32, #tpu.memory_space<hbm>> -> memref<32x1024xf32, #tpu.memory_space<hbm>>
        tpu.wait_dma2 semaphore(%arg17 : memref<!tpu.dma_semaphore, #tpu.memory_space<semaphore_mem>>) src(%arg12 : memref<32x1024xf32, #tpu.memory_space<vmem>>) dst(%dma_wait3A_152 : memref<32x1024xf32, #tpu.memory_space<hbm>>)
      } else {
      }
      %add3A_80 = arith.constant 1 : i32
      %add3A_81 = arith.addi %add3A_75, %add3A_80 : i32
      %lt3A_82 = arith.constant 32 : i32
      %lt3A_83 = arith.cmpi slt, %add3A_81, %lt3A_82 : i32
      %add3A_84 = arith.constant 1 : i32
      %add3A_85 = arith.addi %add3A_75, %add3A_84 : i32
      %mul3A_86 = arith.constant 32 : i32
      %mul3A_87 = arith.muli %add3A_85, %mul3A_86 : i32
      %lt3A_88 = arith.cmpi slt, %mul3A_87, %min3A : i32
      %and3A_89 = arith.andi %lt3A_83, %lt3A_88 : i1
      %convert_element_type3A_90 = arith.extui %and3A_89 : i1 to i32
      %cond3A_91 = arith.constant 0 : i32
      %cond3A_92 = arith.cmpi ne, %convert_element_type3A_90, %cond3A_91 : i32
      scf.if %cond3A_92 {
        %add3A_139 = arith.constant 1 : i32
        %add3A_140 = arith.addi %add3A_75, %add3A_139 : i32
        %mul3A_141 = arith.constant 1024 : i32
        %mul3A_142 = arith.muli %select_n3A_30, %mul3A_141 : i32
        %mul3A_143 = arith.constant 32 : i32
        %mul3A_144 = arith.muli %add3A_140, %mul3A_143 : i32
        %add3A_145 = arith.addi %mul3A_142, %mul3A_144 : i32
        %add3A_146 = arith.constant 0 : i32
        %add3A_147 = arith.addi %add3A_145, %add3A_146 : i32
        %get3A = arith.index_cast %add3A_147 : i32 to index
        %get3A_148 = tpu.vector_load %arg6[%get3A] {strides = array<i32>} : memref<2064xi32, #tpu.memory_space<vmem>>, vector<16xi32>,
        %jit3A_149 = arith.constant 0 : i32
        %jit3A_150 = arith.constant 32767 : i32
        %max3A_151 = vector.broadcast %jit3A_149 : i32 to vector<16xi32>
        %max3A_152 = arith.maxsi %max3A_151, %get3A_148 : vector<16xi32>
        %min3A_153 = vector.broadcast %jit3A_150 : i32 to vector<16xi32>
        %min3A_154 = arith.minsi %min3A_153, %max3A_152 : vector<16xi32>
        %swap3A = arith.constant 0 : index
        %swap3A_155 = tpu.vector_load %arg10[%swap3A] {strides = array<i32>} : memref<32xi32, #tpu.memory_space<vmem>>, vector<16xi32>,
        tpu.vector_store %arg10[%swap3A], %min3A_154 {strides = array<i32>} : memref<32xi32, #tpu.memory_space<vmem>>, vector<16xi32>,
        %mul3A_156 = arith.constant 1024 : i32
        %mul3A_157 = arith.muli %select_n3A_30, %mul3A_156 : i32
        %mul3A_158 = arith.constant 32 : i32
        %mul3A_159 = arith.muli %add3A_140, %mul3A_158 : i32
        %add3A_160 = arith.addi %mul3A_157, %mul3A_159 : i32
        %add3A_161 = arith.constant 16 : i32
        %add3A_162 = arith.addi %add3A_160, %add3A_161 : i32
        %get3A_163 = arith.index_cast %add3A_162 : i32 to index
        %get3A_164 = tpu.vector_load %arg6[%get3A_163] {strides = array<i32>} : memref<2064xi32, #tpu.memory_space<vmem>>, vector<16xi32>,
        %jit3A_165 = arith.constant 0 : i32
        %jit3A_166 = arith.constant 32767 : i32
        %max3A_167 = vector.broadcast %jit3A_165 : i32 to vector<16xi32>
        %max3A_168 = arith.maxsi %max3A_167, %get3A_164 : vector<16xi32>
        %min3A_169 = vector.broadcast %jit3A_166 : i32 to vector<16xi32>
        %min3A_170 = arith.minsi %min3A_169, %max3A_168 : vector<16xi32>
        %swap3A_171 = arith.constant 16 : index
        %swap3A_172 = tpu.vector_load %arg10[%swap3A_171] {strides = array<i32>} : memref<32xi32, #tpu.memory_space<vmem>>, vector<16xi32>,
        tpu.vector_store %arg10[%swap3A_171], %min3A_170 {strides = array<i32>} : memref<32xi32, #tpu.memory_space<vmem>>, vector<16xi32>,
        %dma_start3A = arith.constant 0 : i32
        %dma_start3A_173 = arith.constant 0 : i32
        %dma_start3A_174 = tpu.memref_slice %arg2[%dma_start3A, %dma_start3A_173] : memref<32768x1024xf32, #tpu.memory_space<hbm>> -> memref<32768x1024xf32, #tpu.memory_space<hbm>>
        tpu.enqueue_indirect_dma source(%dma_start3A_174 : memref<32768x1024xf32, #tpu.memory_space<hbm>>) target(%arg12 : memref<32x1024xf32, #tpu.memory_space<vmem>>) offsets(%arg10 : memref<32xi32, #tpu.memory_space<vmem>>) semaphore(%arg15 : memref<!tpu.dma_semaphore, #tpu.memory_space<semaphore_mem>>)
      } else {
      }
      %mul3A_93 = arith.constant 32 : i32
      %mul3A_94 = arith.muli %add3A_75, %mul3A_93 : i32
      %lt3A_95 = arith.cmpi slt, %mul3A_94, %min3A : i32
      %convert_element_type3A_96 = arith.extui %lt3A_95 : i1 to i32
      %cond3A_97 = arith.constant 0 : i32
      %cond3A_98 = arith.cmpi ne, %convert_element_type3A_96, %cond3A_97 : i32
      scf.if %cond3A_98 {
        %dma_wait3A_139 = arith.constant 0 : i32
        %dma_wait3A_140 = arith.constant 0 : i32
        %dma_wait3A_141 = tpu.memref_slice %arg2[%dma_wait3A_139, %dma_wait3A_140] : memref<32768x1024xf32, #tpu.memory_space<hbm>> -> memref<32768x1024xf32, #tpu.memory_space<hbm>>
        tpu.wait_indirect_dma semaphore(%arg14 : memref<!tpu.dma_semaphore, #tpu.memory_space<semaphore_mem>>) src(%dma_wait3A_141 : memref<32768x1024xf32, #tpu.memory_space<hbm>>) dst(%arg11 : memref<32x1024xf32, #tpu.memory_space<vmem>>)
        %add3A_142 = arith.constant 1 : i32
        %add3A_143 = arith.addi %add3A_75, %add3A_142 : i32
        %mul3A_144 = arith.constant 32 : i32
        %mul3A_145 = arith.muli %add3A_143, %mul3A_144 : i32
        %gt3A_146 = arith.cmpi sgt, %mul3A_145, %min3A : i32
        %convert_element_type3A_147 = arith.extui %gt3A_146 : i1 to i32
        %cond3A_148 = arith.constant 0 : i32
        %cond3A_149 = arith.cmpi ne, %convert_element_type3A_147, %cond3A_148 : i32
        scf.if %cond3A_149 {
          %scan3A_159 = arith.constant 0 : i32
          %scan3A_160 = arith.constant 0 : i32
          %scan3A_161 = arith.constant 32 : i32
          %scan3A_162 = arith.addi %scan3A_160, %scan3A_161 : i32
          %scan3A_163 = arith.constant 1 : i32
          scf.for %scan3A_165 = %scan3A_160 to %scan3A_162 step %scan3A_163  : i32 {
            %mul3A_166 = arith.constant 32 : i32
            %mul3A_167 = arith.muli %add3A_75, %mul3A_166 : i32
            %add3A_168 = arith.addi %mul3A_167, %scan3A_165 : i32
            %lt3A_169 = arith.cmpi slt, %add3A_168, %min3A : i32
            %jit3A_170 = arith.constant 1.000000e+00 : f32
            %jit3A_171 = arith.constant 0.000000e+00 : f32
            %select_n3A_172 = arith.select %lt3A_169, %jit3A_170, %jit3A_171 : f32
            %get3A = arith.index_cast %scan3A_165 : i32 to index
            %get3A_173 = arith.constant 0 : index
            %get3A_174 = tpu.vector_load %arg11[%get3A, %get3A_173] {strides = array<i32>} : memref<32x1024xf32, #tpu.memory_space<vmem>>, vector<16xf32>,
            %mul3A_175 = vector.broadcast %select_n3A_172 : f32 to vector<16xf32>
            %mul3A_176 = arith.mulf %get3A_174, %mul3A_175 : vector<16xf32>
            %swap3A = arith.index_cast %scan3A_165 : i32 to index
            %swap3A_177 = arith.constant 0 : index
            %swap3A_178 = tpu.vector_load %arg11[%swap3A, %swap3A_177] {strides = array<i32>} : memref<32x1024xf32, #tpu.memory_space<vmem>>, vector<16xf32>,
            tpu.vector_store %arg11[%swap3A, %swap3A_177], %mul3A_176 {strides = array<i32>} : memref<32x1024xf32, #tpu.memory_space<vmem>>, vector<16xf32>,
            %get3A_179 = arith.index_cast %scan3A_165 : i32 to index
            %get3A_180 = arith.constant 16 : index
            %get3A_181 = tpu.vector_load %arg11[%get3A_179, %get3A_180] {strides = array<i32>} : memref<32x1024xf32, #tpu.memory_space<vmem>>, vector<16xf32>,
            %mul3A_182 = vector.broadcast %select_n3A_172 : f32 to vector<16xf32>
            %mul3A_183 = arith.mulf %get3A_181, %mul3A_182 : vector<16xf32>
            %swap3A_184 = arith.index_cast %scan3A_165 : i32 to index
            %swap3A_185 = arith.constant 16 : index
            %swap3A_186 = tpu.vector_load %arg11[%swap3A_184, %swap3A_185] {strides = array<i32>} : memref<32x1024xf32, #tpu.memory_space<vmem>>, vector<16xf32>,
            tpu.vector_store %arg11[%swap3A_184, %swap3A_185], %mul3A_183 {strides = array<i32>} : memref<32x1024xf32, #tpu.memory_space<vmem>>, vector<16xf32>,
            %get3A_187 = arith.index_cast %scan3A_165 : i32 to index
            %get3A_188 = arith.constant 32 : index
            %get3A_189 = tpu.vector_load %arg11[%get3A_187, %get3A_188] {strides = array<i32>} : memref<32x1024xf32, #tpu.memory_space<vmem>>, vector<16xf32>,
            %mul3A_190 = vector.broadcast %select_n3A_172 : f32 to vector<16xf32>
            %mul3A_191 = arith.mulf %get3A_189, %mul3A_190 : vector<16xf32>
            %swap3A_192 = arith.index_cast %scan3A_165 : i32 to index
            %swap3A_193 = arith.constant 32 : index
            %swap3A_194 = tpu.vector_load %arg11[%swap3A_192, %swap3A_193] {strides = array<i32>} : memref<32x1024xf32, #tpu.memory_space<vmem>>, vector<16xf32>,
            tpu.vector_store %arg11[%swap3A_192, %swap3A_193], %mul3A_191 {strides = array<i32>} : memref<32x1024xf32, #tpu.memory_space<vmem>>, vector<16xf32>,
            %get3A_195 = arith.index_cast %scan3A_165 : i32 to index
            %get3A_196 = arith.constant 48 : index
            %get3A_197 = tpu.vector_load %arg11[%get3A_195, %get3A_196] {strides = array<i32>} : memref<32x1024xf32, #tpu.memory_space<vmem>>, vector<16xf32>,
            %mul3A_198 = vector.broadcast %select_n3A_172 : f32 to vector<16xf32>
            %mul3A_199 = arith.mulf %get3A_197, %mul3A_198 : vector<16xf32>
            %swap3A_200 = arith.index_cast %scan3A_165 : i32 to index
            %swap3A_201 = arith.constant 48 : index
            %swap3A_202 = tpu.vector_load %arg11[%swap3A_200, %swap3A_201] {strides = array<i32>} : memref<32x1024xf32, #tpu.memory_space<vmem>>, vector<16xf32>,
            tpu.vector_store %arg11[%swap3A_200, %swap3A_201], %mul3A_199 {strides = array<i32>} : memref<32x1024xf32, #tpu.memory_space<vmem>>, vector<16xf32>,
            %get3A_203 = arith.index_cast %scan3A_165 : i32 to index
            %get3A_204 = arith.constant 64 : index
            %get3A_205 = tpu.vector_load %arg11[%get3A_203, %get3A_204] {strides = array<i32>} : memref<32x1024xf32, #tpu.memory_space<vmem>>, vector<16xf32>,
            %mul3A_206 = vector.broadcast %select_n3A_172 : f32 to vector<16xf32>
            %mul3A_207 = arith.mulf %get3A_205, %mul3A_206 : vector<16xf32>
            %swap3A_208 = arith.index_cast %scan3A_165 : i32 to index
            %swap3A_209 = arith.constant 64 : index
            %swap3A_210 = tpu.vector_load %arg11[%swap3A_208, %swap3A_209] {strides = array<i32>} : memref<32x1024xf32, #tpu.memory_space<vmem>>, vector<16xf32>,
            tpu.vector_store %arg11[%swap3A_208, %swap3A_209], %mul3A_207 {strides = array<i32>} : memref<32x1024xf32, #tpu.memory_space<vmem>>, vector<16xf32>,
            %get3A_211 = arith.index_cast %scan3A_165 : i32 to index
            %get3A_212 = arith.constant 80 : index
            %get3A_213 = tpu.vector_load %arg11[%get3A_211, %get3A_212] {strides = array<i32>} : memref<32x1024xf32, #tpu.memory_space<vmem>>, vector<16xf32>,
            %mul3A_214 = vector.broadcast %select_n3A_172 : f32 to vector<16xf32>
            %mul3A_215 = arith.mulf %get3A_213, %mul3A_214 : vector<16xf32>
            %swap3A_216 = arith.index_cast %scan3A_165 : i32 to index
            %swap3A_217 = arith.constant 80 : index
            %swap3A_218 = tpu.vector_load %arg11[%swap3A_216, %swap3A_217] {strides = array<i32>} : memref<32x1024xf32, #tpu.memory_space<vmem>>, vector<16xf32>,
            tpu.vector_store %arg11[%swap3A_216, %swap3A_217], %mul3A_215 {strides = array<i32>} : memref<32x1024xf32, #tpu.memory_space<vmem>>, vector<16xf32>,
            %get3A_219 = arith.index_cast %scan3A_165 : i32 to index
            %get3A_220 = arith.constant 96 : index
            %get3A_221 = tpu.vector_load %arg11[%get3A_219, %get3A_220] {strides = array<i32>} : memref<32x1024xf32, #tpu.memory_space<vmem>>, vector<16xf32>,
            %mul3A_222 = vector.broadcast %select_n3A_172 : f32 to vector<16xf32>
            %mul3A_223 = arith.mulf %get3A_221, %mul3A_222 : vector<16xf32>
            %swap3A_224 = arith.index_cast %scan3A_165 : i32 to index
            %swap3A_225 = arith.constant 96 : index
            %swap3A_226 = tpu.vector_load %arg11[%swap3A_224, %swap3A_225] {strides = array<i32>} : memref<32x1024xf32, #tpu.memory_space<vmem>>, vector<16xf32>,
            tpu.vector_store %arg11[%swap3A_224, %swap3A_225], %mul3A_223 {strides = array<i32>} : memref<32x1024xf32, #tpu.memory_space<vmem>>, vector<16xf32>,
            %get3A_227 = arith.index_cast %scan3A_165 : i32 to index
            %get3A_228 = arith.constant 112 : index
            %get3A_229 = tpu.vector_load %arg11[%get3A_227, %get3A_228] {strides = array<i32>} : memref<32x1024xf32, #tpu.memory_space<vmem>>, vector<16xf32>,
            %mul3A_230 = vector.broadcast %select_n3A_172 : f32 to vector<16xf32>
            %mul3A_231 = arith.mulf %get3A_229, %mul3A_230 : vector<16xf32>
            %swap3A_232 = arith.index_cast %scan3A_165 : i32 to index
            %swap3A_233 = arith.constant 112 : index
            %swap3A_234 = tpu.vector_load %arg11[%swap3A_232, %swap3A_233] {strides = array<i32>} : memref<32x1024xf32, #tpu.memory_space<vmem>>, vector<16xf32>,
            tpu.vector_store %arg11[%swap3A_232, %swap3A_233], %mul3A_231 {strides = array<i32>} : memref<32x1024xf32, #tpu.memory_space<vmem>>, vector<16xf32>,
            %get3A_235 = arith.index_cast %scan3A_165 : i32 to index
            %get3A_236 = arith.constant 128 : index
            %get3A_237 = tpu.vector_load %arg11[%get3A_235, %get3A_236] {strides = array<i32>} : memref<32x1024xf32, #tpu.memory_space<vmem>>, vector<16xf32>,
            %mul3A_238 = vector.broadcast %select_n3A_172 : f32 to vector<16xf32>
            %mul3A_239 = arith.mulf %get3A_237, %mul3A_238 : vector<16xf32>
            %swap3A_240 = arith.index_cast %scan3A_165 : i32 to index
            %swap3A_241 = arith.constant 128 : index
            %swap3A_242 = tpu.vector_load %arg11[%swap3A_240, %swap3A_241] {strides = array<i32>} : memref<32x1024xf32, #tpu.memory_space<vmem>>, vector<16xf32>,
            tpu.vector_store %arg11[%swap3A_240, %swap3A_241], %mul3A_239 {strides = array<i32>} : memref<32x1024xf32, #tpu.memory_space<vmem>>, vector<16xf32>,
            %get3A_243 = arith.index_cast %scan3A_165 : i32 to index
            %get3A_244 = arith.constant 144 : index
            %get3A_245 = tpu.vector_load %arg11[%get3A_243, %get3A_244] {strides = array<i32>} : memref<32x1024xf32, #tpu.memory_space<vmem>>, vector<16xf32>,
            %mul3A_246 = vector.broadcast %select_n3A_172 : f32 to vector<16xf32>
            %mul3A_247 = arith.mulf %get3A_245, %mul3A_246 : vector<16xf32>
            %swap3A_248 = arith.index_cast %scan3A_165 : i32 to index
            %swap3A_249 = arith.constant 144 : index
            %swap3A_250 = tpu.vector_load %arg11[%swap3A_248, %swap3A_249] {strides = array<i32>} : memref<32x1024xf32, #tpu.memory_space<vmem>>, vector<16xf32>,
            tpu.vector_store %arg11[%swap3A_248, %swap3A_249], %mul3A_247 {strides = array<i32>} : memref<32x1024xf32, #tpu.memory_space<vmem>>, vector<16xf32>,
            %get3A_251 = arith.index_cast %scan3A_165 : i32 to index
            %get3A_252 = arith.constant 160 : index
            %get3A_253 = tpu.vector_load %arg11[%get3A_251, %get3A_252] {strides = array<i32>} : memref<32x1024xf32, #tpu.memory_space<vmem>>, vector<16xf32>,
            %mul3A_254 = vector.broadcast %select_n3A_172 : f32 to vector<16xf32>
            %mul3A_255 = arith.mulf %get3A_253, %mul3A_254 : vector<16xf32>
            %swap3A_256 = arith.index_cast %scan3A_165 : i32 to index
            %swap3A_257 = arith.constant 160 : index
            %swap3A_258 = tpu.vector_load %arg11[%swap3A_256, %swap3A_257] {strides = array<i32>} : memref<32x1024xf32, #tpu.memory_space<vmem>>, vector<16xf32>,
            tpu.vector_store %arg11[%swap3A_256, %swap3A_257], %mul3A_255 {strides = array<i32>} : memref<32x1024xf32, #tpu.memory_space<vmem>>, vector<16xf32>,
            %get3A_259 = arith.index_cast %scan3A_165 : i32 to index
            %get3A_260 = arith.constant 176 : index
            %get3A_261 = tpu.vector_load %arg11[%get3A_259, %get3A_260] {strides = array<i32>} : memref<32x1024xf32, #tpu.memory_space<vmem>>, vector<16xf32>,
            %mul3A_262 = vector.broadcast %select_n3A_172 : f32 to vector<16xf32>
            %mul3A_263 = arith.mulf %get3A_261, %mul3A_262 : vector<16xf32>
            %swap3A_264 = arith.index_cast %scan3A_165 : i32 to index
            %swap3A_265 = arith.constant 176 : index
            %swap3A_266 = tpu.vector_load %arg11[%swap3A_264, %swap3A_265] {strides = array<i32>} : memref<32x1024xf32, #tpu.memory_space<vmem>>, vector<16xf32>,
            tpu.vector_store %arg11[%swap3A_264, %swap3A_265], %mul3A_263 {strides = array<i32>} : memref<32x1024xf32, #tpu.memory_space<vmem>>, vector<16xf32>,
            %get3A_267 = arith.index_cast %scan3A_165 : i32 to index
            %get3A_268 = arith.constant 192 : index
            %get3A_269 = tpu.vector_load %arg11[%get3A_267, %get3A_268] {strides = array<i32>} : memref<32x1024xf32, #tpu.memory_space<vmem>>, vector<16xf32>,
            %mul3A_270 = vector.broadcast %select_n3A_172 : f32 to vector<16xf32>
            %mul3A_271 = arith.mulf %get3A_269, %mul3A_270 : vector<16xf32>
            %swap3A_272 = arith.index_cast %scan3A_165 : i32 to index
            %swap3A_273 = arith.constant 192 : index
            %swap3A_274 = tpu.vector_load %arg11[%swap3A_272, %swap3A_273] {strides = array<i32>} : memref<32x1024xf32, #tpu.memory_space<vmem>>, vector<16xf32>,
            tpu.vector_store %arg11[%swap3A_272, %swap3A_273], %mul3A_271 {strides = array<i32>} : memref<32x1024xf32, #tpu.memory_space<vmem>>, vector<16xf32>,
            %get3A_275 = arith.index_cast %scan3A_165 : i32 to index
            %get3A_276 = arith.constant 208 : index
            %get3A_277 = tpu.vector_load %arg11[%get3A_275, %get3A_276] {strides = array<i32>} : memref<32x1024xf32, #tpu.memory_space<vmem>>, vector<16xf32>,
            %mul3A_278 = vector.broadcast %select_n3A_172 : f32 to vector<16xf32>
            %mul3A_279 = arith.mulf %get3A_277, %mul3A_278 : vector<16xf32>
            %swap3A_280 = arith.index_cast %scan3A_165 : i32 to index
            %swap3A_281 = arith.constant 208 : index
            %swap3A_282 = tpu.vector_load %arg11[%swap3A_280, %swap3A_281] {strides = array<i32>} : memref<32x1024xf32, #tpu.memory_space<vmem>>, vector<16xf32>,
            tpu.vector_store %arg11[%swap3A_280, %swap3A_281], %mul3A_279 {strides = array<i32>} : memref<32x1024xf32, #tpu.memory_space<vmem>>, vector<16xf32>,
            %get3A_283 = arith.index_cast %scan3A_165 : i32 to index
            %get3A_284 = arith.constant 224 : index
            %get3A_285 = tpu.vector_load %arg11[%get3A_283, %get3A_284] {strides = array<i32>} : memref<32x1024xf32, #tpu.memory_space<vmem>>, vector<16xf32>,
            %mul3A_286 = vector.broadcast %select_n3A_172 : f32 to vector<16xf32>
            %mul3A_287 = arith.mulf %get3A_285, %mul3A_286 : vector<16xf32>
            %swap3A_288 = arith.index_cast %scan3A_165 : i32 to index
            %swap3A_289 = arith.constant 224 : index
            %swap3A_290 = tpu.vector_load %arg11[%swap3A_288, %swap3A_289] {strides = array<i32>} : memref<32x1024xf32, #tpu.memory_space<vmem>>, vector<16xf32>,
            tpu.vector_store %arg11[%swap3A_288, %swap3A_289], %mul3A_287 {strides = array<i32>} : memref<32x1024xf32, #tpu.memory_space<vmem>>, vector<16xf32>,
            %get3A_291 = arith.index_cast %scan3A_165 : i32 to index
            %get3A_292 = arith.constant 240 : index
            %get3A_293 = tpu.vector_load %arg11[%get3A_291, %get3A_292] {strides = array<i32>} : memref<32x1024xf32, #tpu.memory_space<vmem>>, vector<16xf32>,
            %mul3A_294 = vector.broadcast %select_n3A_172 : f32 to vector<16xf32>
            %mul3A_295 = arith.mulf %get3A_293, %mul3A_294 : vector<16xf32>
            %swap3A_296 = arith.index_cast %scan3A_165 : i32 to index
            %swap3A_297 = arith.constant 240 : index
            %swap3A_298 = tpu.vector_load %arg11[%swap3A_296, %swap3A_297] {strides = array<i32>} : memref<32x1024xf32, #tpu.memory_space<vmem>>, vector<16xf32>,
            tpu.vector_store %arg11[%swap3A_296, %swap3A_297], %mul3A_295 {strides = array<i32>} : memref<32x1024xf32, #tpu.memory_space<vmem>>, vector<16xf32>,
            %get3A_299 = arith.index_cast %scan3A_165 : i32 to index
            %get3A_300 = arith.constant 256 : index
            %get3A_301 = tpu.vector_load %arg11[%get3A_299, %get3A_300] {strides = array<i32>} : memref<32x1024xf32, #tpu.memory_space<vmem>>, vector<16xf32>,
            %mul3A_302 = vector.broadcast %select_n3A_172 : f32 to vector<16xf32>
            %mul3A_303 = arith.mulf %get3A_301, %mul3A_302 : vector<16xf32>
            %swap3A_304 = arith.index_cast %scan3A_165 : i32 to index
            %swap3A_305 = arith.constant 256 : index
            %swap3A_306 = tpu.vector_load %arg11[%swap3A_304, %swap3A_305] {strides = array<i32>} : memref<32x1024xf32, #tpu.memory_space<vmem>>, vector<16xf32>,
            tpu.vector_store %arg11[%swap3A_304, %swap3A_305], %mul3A_303 {strides = array<i32>} : memref<32x1024xf32, #tpu.memory_space<vmem>>, vector<16xf32>,
            %get3A_307 = arith.index_cast %scan3A_165 : i32 to index
            %get3A_308 = arith.constant 272 : index
            %get3A_309 = tpu.vector_load %arg11[%get3A_307, %get3A_308] {strides = array<i32>} : memref<32x1024xf32, #tpu.memory_space<vmem>>, vector<16xf32>,
            %mul3A_310 = vector.broadcast %select_n3A_172 : f32 to vector<16xf32>
            %mul3A_311 = arith.mulf %get3A_309, %mul3A_310 : vector<16xf32>
            %swap3A_312 = arith.index_cast %scan3A_165 : i32 to index
            %swap3A_313 = arith.constant 272 : index
            %swap3A_314 = tpu.vector_load %arg11[%swap3A_312, %swap3A_313] {strides = array<i32>} : memref<32x1024xf32, #tpu.memory_space<vmem>>, vector<16xf32>,
            tpu.vector_store %arg11[%swap3A_312, %swap3A_313], %mul3A_311 {strides = array<i32>} : memref<32x1024xf32, #tpu.memory_space<vmem>>, vector<16xf32>,
            %get3A_315 = arith.index_cast %scan3A_165 : i32 to index
            %get3A_316 = arith.constant 288 : index
            %get3A_317 = tpu.vector_load %arg11[%get3A_315, %get3A_316] {strides = array<i32>} : memref<32x1024xf32, #tpu.memory_space<vmem>>, vector<16xf32>,
            %mul3A_318 = vector.broadcast %select_n3A_172 : f32 to vector<16xf32>
            %mul3A_319 = arith.mulf %get3A_317, %mul3A_318 : vector<16xf32>
            %swap3A_320 = arith.index_cast %scan3A_165 : i32 to index
            %swap3A_321 = arith.constant 288 : index
            %swap3A_322 = tpu.vector_load %arg11[%swap3A_320, %swap3A_321] {strides = array<i32>} : memref<32x1024xf32, #tpu.memory_space<vmem>>, vector<16xf32>,
            tpu.vector_store %arg11[%swap3A_320, %swap3A_321], %mul3A_319 {strides = array<i32>} : memref<32x1024xf32, #tpu.memory_space<vmem>>, vector<16xf32>,
            %get3A_323 = arith.index_cast %scan3A_165 : i32 to index
            %get3A_324 = arith.constant 304 : index
            %get3A_325 = tpu.vector_load %arg11[%get3A_323, %get3A_324] {strides = array<i32>} : memref<32x1024xf32, #tpu.memory_space<vmem>>, vector<16xf32>,
            %mul3A_326 = vector.broadcast %select_n3A_172 : f32 to vector<16xf32>
            %mul3A_327 = arith.mulf %get3A_325, %mul3A_326 : vector<16xf32>
            %swap3A_328 = arith.index_cast %scan3A_165 : i32 to index
            %swap3A_329 = arith.constant 304 : index
            %swap3A_330 = tpu.vector_load %arg11[%swap3A_328, %swap3A_329] {strides = array<i32>} : memref<32x1024xf32, #tpu.memory_space<vmem>>, vector<16xf32>,
            tpu.vector_store %arg11[%swap3A_328, %swap3A_329], %mul3A_327 {strides = array<i32>} : memref<32x1024xf32, #tpu.memory_space<vmem>>, vector<16xf32>,
            %get3A_331 = arith.index_cast %scan3A_165 : i32 to index
            %get3A_332 = arith.constant 320 : index
            %get3A_333 = tpu.vector_load %arg11[%get3A_331, %get3A_332] {strides = array<i32>} : memref<32x1024xf32, #tpu.memory_space<vmem>>, vector<16xf32>,
            %mul3A_334 = vector.broadcast %select_n3A_172 : f32 to vector<16xf32>
            %mul3A_335 = arith.mulf %get3A_333, %mul3A_334 : vector<16xf32>
            %swap3A_336 = arith.index_cast %scan3A_165 : i32 to index
            %swap3A_337 = arith.constant 320 : index
            %swap3A_338 = tpu.vector_load %arg11[%swap3A_336, %swap3A_337] {strides = array<i32>} : memref<32x1024xf32, #tpu.memory_space<vmem>>, vector<16xf32>,
            tpu.vector_store %arg11[%swap3A_336, %swap3A_337], %mul3A_335 {strides = array<i32>} : memref<32x1024xf32, #tpu.memory_space<vmem>>, vector<16xf32>,
            %get3A_339 = arith.index_cast %scan3A_165 : i32 to index
            %get3A_340 = arith.constant 336 : index
            %get3A_341 = tpu.vector_load %arg11[%get3A_339, %get3A_340] {strides = array<i32>} : memref<32x1024xf32, #tpu.memory_space<vmem>>, vector<16xf32>,
            %mul3A_342 = vector.broadcast %select_n3A_172 : f32 to vector<16xf32>
            %mul3A_343 = arith.mulf %get3A_341, %mul3A_342 : vector<16xf32>
            %swap3A_344 = arith.index_cast %scan3A_165 : i32 to index
            %swap3A_345 = arith.constant 336 : index
            %swap3A_346 = tpu.vector_load %arg11[%swap3A_344, %swap3A_345] {strides = array<i32>} : memref<32x1024xf32, #tpu.memory_space<vmem>>, vector<16xf32>,
            tpu.vector_store %arg11[%swap3A_344, %swap3A_345], %mul3A_343 {strides = array<i32>} : memref<32x1024xf32, #tpu.memory_space<vmem>>, vector<16xf32>,
            %get3A_347 = arith.index_cast %scan3A_165 : i32 to index
            %get3A_348 = arith.constant 352 : index
            %get3A_349 = tpu.vector_load %arg11[%get3A_347, %get3A_348] {strides = array<i32>} : memref<32x1024xf32, #tpu.memory_space<vmem>>, vector<16xf32>,
            %mul3A_350 = vector.broadcast %select_n3A_172 : f32 to vector<16xf32>
            %mul3A_351 = arith.mulf %get3A_349, %mul3A_350 : vector<16xf32>
            %swap3A_352 = arith.index_cast %scan3A_165 : i32 to index
            %swap3A_353 = arith.constant 352 : index
            %swap3A_354 = tpu.vector_load %arg11[%swap3A_352, %swap3A_353] {strides = array<i32>} : memref<32x1024xf32, #tpu.memory_space<vmem>>, vector<16xf32>,
            tpu.vector_store %arg11[%swap3A_352, %swap3A_353], %mul3A_351 {strides = array<i32>} : memref<32x1024xf32, #tpu.memory_space<vmem>>, vector<16xf32>,
            %get3A_355 = arith.index_cast %scan3A_165 : i32 to index
            %get3A_356 = arith.constant 368 : index
            %get3A_357 = tpu.vector_load %arg11[%get3A_355, %get3A_356] {strides = array<i32>} : memref<32x1024xf32, #tpu.memory_space<vmem>>, vector<16xf32>,
            %mul3A_358 = vector.broadcast %select_n3A_172 : f32 to vector<16xf32>
            %mul3A_359 = arith.mulf %get3A_357, %mul3A_358 : vector<16xf32>
            %swap3A_360 = arith.index_cast %scan3A_165 : i32 to index
            %swap3A_361 = arith.constant 368 : index
            %swap3A_362 = tpu.vector_load %arg11[%swap3A_360, %swap3A_361] {strides = array<i32>} : memref<32x1024xf32, #tpu.memory_space<vmem>>, vector<16xf32>,
            tpu.vector_store %arg11[%swap3A_360, %swap3A_361], %mul3A_359 {strides = array<i32>} : memref<32x1024xf32, #tpu.memory_space<vmem>>, vector<16xf32>,
            %get3A_363 = arith.index_cast %scan3A_165 : i32 to index
            %get3A_364 = arith.constant 384 : index
            %get3A_365 = tpu.vector_load %arg11[%get3A_363, %get3A_364] {strides = array<i32>} : memref<32x1024xf32, #tpu.memory_space<vmem>>, vector<16xf32>,
            %mul3A_366 = vector.broadcast %select_n3A_172 : f32 to vector<16xf32>
            %mul3A_367 = arith.mulf %get3A_365, %mul3A_366 : vector<16xf32>
            %swap3A_368 = arith.index_cast %scan3A_165 : i32 to index
            %swap3A_369 = arith.constant 384 : index
            %swap3A_370 = tpu.vector_load %arg11[%swap3A_368, %swap3A_369] {strides = array<i32>} : memref<32x1024xf32, #tpu.memory_space<vmem>>, vector<16xf32>,
            tpu.vector_store %arg11[%swap3A_368, %swap3A_369], %mul3A_367 {strides = array<i32>} : memref<32x1024xf32, #tpu.memory_space<vmem>>, vector<16xf32>,
            %get3A_371 = arith.index_cast %scan3A_165 : i32 to index
            %get3A_372 = arith.constant 400 : index
            %get3A_373 = tpu.vector_load %arg11[%get3A_371, %get3A_372] {strides = array<i32>} : memref<32x1024xf32, #tpu.memory_space<vmem>>, vector<16xf32>,
            %mul3A_374 = vector.broadcast %select_n3A_172 : f32 to vector<16xf32>
            %mul3A_375 = arith.mulf %get3A_373, %mul3A_374 : vector<16xf32>
            %swap3A_376 = arith.index_cast %scan3A_165 : i32 to index
            %swap3A_377 = arith.constant 400 : index
            %swap3A_378 = tpu.vector_load %arg11[%swap3A_376, %swap3A_377] {strides = array<i32>} : memref<32x1024xf32, #tpu.memory_space<vmem>>, vector<16xf32>,
            tpu.vector_store %arg11[%swap3A_376, %swap3A_377], %mul3A_375 {strides = array<i32>} : memref<32x1024xf32, #tpu.memory_space<vmem>>, vector<16xf32>,
            %get3A_379 = arith.index_cast %scan3A_165 : i32 to index
            %get3A_380 = arith.constant 416 : index
            %get3A_381 = tpu.vector_load %arg11[%get3A_379, %get3A_380] {strides = array<i32>} : memref<32x1024xf32, #tpu.memory_space<vmem>>, vector<16xf32>,
            %mul3A_382 = vector.broadcast %select_n3A_172 : f32 to vector<16xf32>
            %mul3A_383 = arith.mulf %get3A_381, %mul3A_382 : vector<16xf32>
            %swap3A_384 = arith.index_cast %scan3A_165 : i32 to index
            %swap3A_385 = arith.constant 416 : index
            %swap3A_386 = tpu.vector_load %arg11[%swap3A_384, %swap3A_385] {strides = array<i32>} : memref<32x1024xf32, #tpu.memory_space<vmem>>, vector<16xf32>,
            tpu.vector_store %arg11[%swap3A_384, %swap3A_385], %mul3A_383 {strides = array<i32>} : memref<32x1024xf32, #tpu.memory_space<vmem>>, vector<16xf32>,
            %get3A_387 = arith.index_cast %scan3A_165 : i32 to index
            %get3A_388 = arith.constant 432 : index
            %get3A_389 = tpu.vector_load %arg11[%get3A_387, %get3A_388] {strides = array<i32>} : memref<32x1024xf32, #tpu.memory_space<vmem>>, vector<16xf32>,
            %mul3A_390 = vector.broadcast %select_n3A_172 : f32 to vector<16xf32>
            %mul3A_391 = arith.mulf %get3A_389, %mul3A_390 : vector<16xf32>
            %swap3A_392 = arith.index_cast %scan3A_165 : i32 to index
            %swap3A_393 = arith.constant 432 : index
            %swap3A_394 = tpu.vector_load %arg11[%swap3A_392, %swap3A_393] {strides = array<i32>} : memref<32x1024xf32, #tpu.memory_space<vmem>>, vector<16xf32>,
            tpu.vector_store %arg11[%swap3A_392, %swap3A_393], %mul3A_391 {strides = array<i32>} : memref<32x1024xf32, #tpu.memory_space<vmem>>, vector<16xf32>,
            %get3A_395 = arith.index_cast %scan3A_165 : i32 to index
            %get3A_396 = arith.constant 448 : index
            %get3A_397 = tpu.vector_load %arg11[%get3A_395, %get3A_396] {strides = array<i32>} : memref<32x1024xf32, #tpu.memory_space<vmem>>, vector<16xf32>,
            %mul3A_398 = vector.broadcast %select_n3A_172 : f32 to vector<16xf32>
            %mul3A_399 = arith.mulf %get3A_397, %mul3A_398 : vector<16xf32>
            %swap3A_400 = arith.index_cast %scan3A_165 : i32 to index
            %swap3A_401 = arith.constant 448 : index
            %swap3A_402 = tpu.vector_load %arg11[%swap3A_400, %swap3A_401] {strides = array<i32>} : memref<32x1024xf32, #tpu.memory_space<vmem>>, vector<16xf32>,
            tpu.vector_store %arg11[%swap3A_400, %swap3A_401], %mul3A_399 {strides = array<i32>} : memref<32x1024xf32, #tpu.memory_space<vmem>>, vector<16xf32>,
            %get3A_403 = arith.index_cast %scan3A_165 : i32 to index
            %get3A_404 = arith.constant 464 : index
            %get3A_405 = tpu.vector_load %arg11[%get3A_403, %get3A_404] {strides = array<i32>} : memref<32x1024xf32, #tpu.memory_space<vmem>>, vector<16xf32>,
            %mul3A_406 = vector.broadcast %select_n3A_172 : f32 to vector<16xf32>
            %mul3A_407 = arith.mulf %get3A_405, %mul3A_406 : vector<16xf32>
            %swap3A_408 = arith.index_cast %scan3A_165 : i32 to index
            %swap3A_409 = arith.constant 464 : index
            %swap3A_410 = tpu.vector_load %arg11[%swap3A_408, %swap3A_409] {strides = array<i32>} : memref<32x1024xf32, #tpu.memory_space<vmem>>, vector<16xf32>,
            tpu.vector_store %arg11[%swap3A_408, %swap3A_409], %mul3A_407 {strides = array<i32>} : memref<32x1024xf32, #tpu.memory_space<vmem>>, vector<16xf32>,
            %get3A_411 = arith.index_cast %scan3A_165 : i32 to index
            %get3A_412 = arith.constant 480 : index
            %get3A_413 = tpu.vector_load %arg11[%get3A_411, %get3A_412] {strides = array<i32>} : memref<32x1024xf32, #tpu.memory_space<vmem>>, vector<16xf32>,
            %mul3A_414 = vector.broadcast %select_n3A_172 : f32 to vector<16xf32>
            %mul3A_415 = arith.mulf %get3A_413, %mul3A_414 : vector<16xf32>
            %swap3A_416 = arith.index_cast %scan3A_165 : i32 to index
            %swap3A_417 = arith.constant 480 : index
            %swap3A_418 = tpu.vector_load %arg11[%swap3A_416, %swap3A_417] {strides = array<i32>} : memref<32x1024xf32, #tpu.memory_space<vmem>>, vector<16xf32>,
            tpu.vector_store %arg11[%swap3A_416, %swap3A_417], %mul3A_415 {strides = array<i32>} : memref<32x1024xf32, #tpu.memory_space<vmem>>, vector<16xf32>,
            %get3A_419 = arith.index_cast %scan3A_165 : i32 to index
            %get3A_420 = arith.constant 496 : index
            %get3A_421 = tpu.vector_load %arg11[%get3A_419, %get3A_420] {strides = array<i32>} : memref<32x1024xf32, #tpu.memory_space<vmem>>, vector<16xf32>,
            %mul3A_422 = vector.broadcast %select_n3A_172 : f32 to vector<16xf32>
            %mul3A_423 = arith.mulf %get3A_421, %mul3A_422 : vector<16xf32>
            %swap3A_424 = arith.index_cast %scan3A_165 : i32 to index
            %swap3A_425 = arith.constant 496 : index
            %swap3A_426 = tpu.vector_load %arg11[%swap3A_424, %swap3A_425] {strides = array<i32>} : memref<32x1024xf32, #tpu.memory_space<vmem>>, vector<16xf32>,
            tpu.vector_store %arg11[%swap3A_424, %swap3A_425], %mul3A_423 {strides = array<i32>} : memref<32x1024xf32, #tpu.memory_space<vmem>>, vector<16xf32>,
            %get3A_427 = arith.index_cast %scan3A_165 : i32 to index
            %get3A_428 = arith.constant 512 : index
            %get3A_429 = tpu.vector_load %arg11[%get3A_427, %get3A_428] {strides = array<i32>} : memref<32x1024xf32, #tpu.memory_space<vmem>>, vector<16xf32>,
            %mul3A_430 = vector.broadcast %select_n3A_172 : f32 to vector<16xf32>
            %mul3A_431 = arith.mulf %get3A_429, %mul3A_430 : vector<16xf32>
            %swap3A_432 = arith.index_cast %scan3A_165 : i32 to index
            %swap3A_433 = arith.constant 512 : index
            %swap3A_434 = tpu.vector_load %arg11[%swap3A_432, %swap3A_433] {strides = array<i32>} : memref<32x1024xf32, #tpu.memory_space<vmem>>, vector<16xf32>,
            tpu.vector_store %arg11[%swap3A_432, %swap3A_433], %mul3A_431 {strides = array<i32>} : memref<32x1024xf32, #tpu.memory_space<vmem>>, vector<16xf32>,
            %get3A_435 = arith.index_cast %scan3A_165 : i32 to index
            %get3A_436 = arith.constant 528 : index
            %get3A_437 = tpu.vector_load %arg11[%get3A_435, %get3A_436] {strides = array<i32>} : memref<32x1024xf32, #tpu.memory_space<vmem>>, vector<16xf32>,
            %mul3A_438 = vector.broadcast %select_n3A_172 : f32 to vector<16xf32>
            %mul3A_439 = arith.mulf %get3A_437, %mul3A_438 : vector<16xf32>
            %swap3A_440 = arith.index_cast %scan3A_165 : i32 to index
            %swap3A_441 = arith.constant 528 : index
            %swap3A_442 = tpu.vector_load %arg11[%swap3A_440, %swap3A_441] {strides = array<i32>} : memref<32x1024xf32, #tpu.memory_space<vmem>>, vector<16xf32>,
            tpu.vector_store %arg11[%swap3A_440, %swap3A_441], %mul3A_439 {strides = array<i32>} : memref<32x1024xf32, #tpu.memory_space<vmem>>, vector<16xf32>,
            %get3A_443 = arith.index_cast %scan3A_165 : i32 to index
            %get3A_444 = arith.constant 544 : index
            %get3A_445 = tpu.vector_load %arg11[%get3A_443, %get3A_444] {strides = array<i32>} : memref<32x1024xf32, #tpu.memory_space<vmem>>, vector<16xf32>,
            %mul3A_446 = vector.broadcast %select_n3A_172 : f32 to vector<16xf32>
            %mul3A_447 = arith.mulf %get3A_445, %mul3A_446 : vector<16xf32>
            %swap3A_448 = arith.index_cast %scan3A_165 : i32 to index
            %swap3A_449 = arith.constant 544 : index
            %swap3A_450 = tpu.vector_load %arg11[%swap3A_448, %swap3A_449] {strides = array<i32>} : memref<32x1024xf32, #tpu.memory_space<vmem>>, vector<16xf32>,
            tpu.vector_store %arg11[%swap3A_448, %swap3A_449], %mul3A_447 {strides = array<i32>} : memref<32x1024xf32, #tpu.memory_space<vmem>>, vector<16xf32>,
            %get3A_451 = arith.index_cast %scan3A_165 : i32 to index
            %get3A_452 = arith.constant 560 : index
            %get3A_453 = tpu.vector_load %arg11[%get3A_451, %get3A_452] {strides = array<i32>} : memref<32x1024xf32, #tpu.memory_space<vmem>>, vector<16xf32>,
            %mul3A_454 = vector.broadcast %select_n3A_172 : f32 to vector<16xf32>
            %mul3A_455 = arith.mulf %get3A_453, %mul3A_454 : vector<16xf32>
            %swap3A_456 = arith.index_cast %scan3A_165 : i32 to index
            %swap3A_457 = arith.constant 560 : index
            %swap3A_458 = tpu.vector_load %arg11[%swap3A_456, %swap3A_457] {strides = array<i32>} : memref<32x1024xf32, #tpu.memory_space<vmem>>, vector<16xf32>,
            tpu.vector_store %arg11[%swap3A_456, %swap3A_457], %mul3A_455 {strides = array<i32>} : memref<32x1024xf32, #tpu.memory_space<vmem>>, vector<16xf32>,
            %get3A_459 = arith.index_cast %scan3A_165 : i32 to index
            %get3A_460 = arith.constant 576 : index
            %get3A_461 = tpu.vector_load %arg11[%get3A_459, %get3A_460] {strides = array<i32>} : memref<32x1024xf32, #tpu.memory_space<vmem>>, vector<16xf32>,
            %mul3A_462 = vector.broadcast %select_n3A_172 : f32 to vector<16xf32>
            %mul3A_463 = arith.mulf %get3A_461, %mul3A_462 : vector<16xf32>
            %swap3A_464 = arith.index_cast %scan3A_165 : i32 to index
            %swap3A_465 = arith.constant 576 : index
            %swap3A_466 = tpu.vector_load %arg11[%swap3A_464, %swap3A_465] {strides = array<i32>} : memref<32x1024xf32, #tpu.memory_space<vmem>>, vector<16xf32>,
            tpu.vector_store %arg11[%swap3A_464, %swap3A_465], %mul3A_463 {strides = array<i32>} : memref<32x1024xf32, #tpu.memory_space<vmem>>, vector<16xf32>,
            %get3A_467 = arith.index_cast %scan3A_165 : i32 to index
            %get3A_468 = arith.constant 592 : index
            %get3A_469 = tpu.vector_load %arg11[%get3A_467, %get3A_468] {strides = array<i32>} : memref<32x1024xf32, #tpu.memory_space<vmem>>, vector<16xf32>,
            %mul3A_470 = vector.broadcast %select_n3A_172 : f32 to vector<16xf32>
            %mul3A_471 = arith.mulf %get3A_469, %mul3A_470 : vector<16xf32>
            %swap3A_472 = arith.index_cast %scan3A_165 : i32 to index
            %swap3A_473 = arith.constant 592 : index
            %swap3A_474 = tpu.vector_load %arg11[%swap3A_472, %swap3A_473] {strides = array<i32>} : memref<32x1024xf32, #tpu.memory_space<vmem>>, vector<16xf32>,
            tpu.vector_store %arg11[%swap3A_472, %swap3A_473], %mul3A_471 {strides = array<i32>} : memref<32x1024xf32, #tpu.memory_space<vmem>>, vector<16xf32>,
            %get3A_475 = arith.index_cast %scan3A_165 : i32 to index
            %get3A_476 = arith.constant 608 : index
            %get3A_477 = tpu.vector_load %arg11[%get3A_475, %get3A_476] {strides = array<i32>} : memref<32x1024xf32, #tpu.memory_space<vmem>>, vector<16xf32>,
            %mul3A_478 = vector.broadcast %select_n3A_172 : f32 to vector<16xf32>
            %mul3A_479 = arith.mulf %get3A_477, %mul3A_478 : vector<16xf32>
            %swap3A_480 = arith.index_cast %scan3A_165 : i32 to index
            %swap3A_481 = arith.constant 608 : index
            %swap3A_482 = tpu.vector_load %arg11[%swap3A_480, %swap3A_481] {strides = array<i32>} : memref<32x1024xf32, #tpu.memory_space<vmem>>, vector<16xf32>,
            tpu.vector_store %arg11[%swap3A_480, %swap3A_481], %mul3A_479 {strides = array<i32>} : memref<32x1024xf32, #tpu.memory_space<vmem>>, vector<16xf32>,
            %get3A_483 = arith.index_cast %scan3A_165 : i32 to index
            %get3A_484 = arith.constant 624 : index
            %get3A_485 = tpu.vector_load %arg11[%get3A_483, %get3A_484] {strides = array<i32>} : memref<32x1024xf32, #tpu.memory_space<vmem>>, vector<16xf32>,
            %mul3A_486 = vector.broadcast %select_n3A_172 : f32 to vector<16xf32>
            %mul3A_487 = arith.mulf %get3A_485, %mul3A_486 : vector<16xf32>
            %swap3A_488 = arith.index_cast %scan3A_165 : i32 to index
            %swap3A_489 = arith.constant 624 : index
            %swap3A_490 = tpu.vector_load %arg11[%swap3A_488, %swap3A_489] {strides = array<i32>} : memref<32x1024xf32, #tpu.memory_space<vmem>>, vector<16xf32>,
            tpu.vector_store %arg11[%swap3A_488, %swap3A_489], %mul3A_487 {strides = array<i32>} : memref<32x1024xf32, #tpu.memory_space<vmem>>, vector<16xf32>,
            %get3A_491 = arith.index_cast %scan3A_165 : i32 to index
            %get3A_492 = arith.constant 640 : index
            %get3A_493 = tpu.vector_load %arg11[%get3A_491, %get3A_492] {strides = array<i32>} : memref<32x1024xf32, #tpu.memory_space<vmem>>, vector<16xf32>,
            %mul3A_494 = vector.broadcast %select_n3A_172 : f32 to vector<16xf32>
            %mul3A_495 = arith.mulf %get3A_493, %mul3A_494 : vector<16xf32>
            %swap3A_496 = arith.index_cast %scan3A_165 : i32 to index
            %swap3A_497 = arith.constant 640 : index
            %swap3A_498 = tpu.vector_load %arg11[%swap3A_496, %swap3A_497] {strides = array<i32>} : memref<32x1024xf32, #tpu.memory_space<vmem>>, vector<16xf32>,
            tpu.vector_store %arg11[%swap3A_496, %swap3A_497], %mul3A_495 {strides = array<i32>} : memref<32x1024xf32, #tpu.memory_space<vmem>>, vector<16xf32>,
            %get3A_499 = arith.index_cast %scan3A_165 : i32 to index
            %get3A_500 = arith.constant 656 : index
            %get3A_501 = tpu.vector_load %arg11[%get3A_499, %get3A_500] {strides = array<i32>} : memref<32x1024xf32, #tpu.memory_space<vmem>>, vector<16xf32>,
            %mul3A_502 = vector.broadcast %select_n3A_172 : f32 to vector<16xf32>
            %mul3A_503 = arith.mulf %get3A_501, %mul3A_502 : vector<16xf32>
            %swap3A_504 = arith.index_cast %scan3A_165 : i32 to index
            %swap3A_505 = arith.constant 656 : index
            %swap3A_506 = tpu.vector_load %arg11[%swap3A_504, %swap3A_505] {strides = array<i32>} : memref<32x1024xf32, #tpu.memory_space<vmem>>, vector<16xf32>,
            tpu.vector_store %arg11[%swap3A_504, %swap3A_505], %mul3A_503 {strides = array<i32>} : memref<32x1024xf32, #tpu.memory_space<vmem>>, vector<16xf32>,
            %get3A_507 = arith.index_cast %scan3A_165 : i32 to index
            %get3A_508 = arith.constant 672 : index
            %get3A_509 = tpu.vector_load %arg11[%get3A_507, %get3A_508] {strides = array<i32>} : memref<32x1024xf32, #tpu.memory_space<vmem>>, vector<16xf32>,
            %mul3A_510 = vector.broadcast %select_n3A_172 : f32 to vector<16xf32>
            %mul3A_511 = arith.mulf %get3A_509, %mul3A_510 : vector<16xf32>
            %swap3A_512 = arith.index_cast %scan3A_165 : i32 to index
            %swap3A_513 = arith.constant 672 : index
            %swap3A_514 = tpu.vector_load %arg11[%swap3A_512, %swap3A_513] {strides = array<i32>} : memref<32x1024xf32, #tpu.memory_space<vmem>>, vector<16xf32>,
            tpu.vector_store %arg11[%swap3A_512, %swap3A_513], %mul3A_511 {strides = array<i32>} : memref<32x1024xf32, #tpu.memory_space<vmem>>, vector<16xf32>,
            %get3A_515 = arith.index_cast %scan3A_165 : i32 to index
            %get3A_516 = arith.constant 688 : index
            %get3A_517 = tpu.vector_load %arg11[%get3A_515, %get3A_516] {strides = array<i32>} : memref<32x1024xf32, #tpu.memory_space<vmem>>, vector<16xf32>,
            %mul3A_518 = vector.broadcast %select_n3A_172 : f32 to vector<16xf32>
            %mul3A_519 = arith.mulf %get3A_517, %mul3A_518 : vector<16xf32>
            %swap3A_520 = arith.index_cast %scan3A_165 : i32 to index
            %swap3A_521 = arith.constant 688 : index
            %swap3A_522 = tpu.vector_load %arg11[%swap3A_520, %swap3A_521] {strides = array<i32>} : memref<32x1024xf32, #tpu.memory_space<vmem>>, vector<16xf32>,
            tpu.vector_store %arg11[%swap3A_520, %swap3A_521], %mul3A_519 {strides = array<i32>} : memref<32x1024xf32, #tpu.memory_space<vmem>>, vector<16xf32>,
            %get3A_523 = arith.index_cast %scan3A_165 : i32 to index
            %get3A_524 = arith.constant 704 : index
            %get3A_525 = tpu.vector_load %arg11[%get3A_523, %get3A_524] {strides = array<i32>} : memref<32x1024xf32, #tpu.memory_space<vmem>>, vector<16xf32>,
            %mul3A_526 = vector.broadcast %select_n3A_172 : f32 to vector<16xf32>
            %mul3A_527 = arith.mulf %get3A_525, %mul3A_526 : vector<16xf32>
            %swap3A_528 = arith.index_cast %scan3A_165 : i32 to index
            %swap3A_529 = arith.constant 704 : index
            %swap3A_530 = tpu.vector_load %arg11[%swap3A_528, %swap3A_529] {strides = array<i32>} : memref<32x1024xf32, #tpu.memory_space<vmem>>, vector<16xf32>,
            tpu.vector_store %arg11[%swap3A_528, %swap3A_529], %mul3A_527 {strides = array<i32>} : memref<32x1024xf32, #tpu.memory_space<vmem>>, vector<16xf32>,
            %get3A_531 = arith.index_cast %scan3A_165 : i32 to index
            %get3A_532 = arith.constant 720 : index
            %get3A_533 = tpu.vector_load %arg11[%get3A_531, %get3A_532] {strides = array<i32>} : memref<32x1024xf32, #tpu.memory_space<vmem>>, vector<16xf32>,
            %mul3A_534 = vector.broadcast %select_n3A_172 : f32 to vector<16xf32>
            %mul3A_535 = arith.mulf %get3A_533, %mul3A_534 : vector<16xf32>
            %swap3A_536 = arith.index_cast %scan3A_165 : i32 to index
            %swap3A_537 = arith.constant 720 : index
            %swap3A_538 = tpu.vector_load %arg11[%swap3A_536, %swap3A_537] {strides = array<i32>} : memref<32x1024xf32, #tpu.memory_space<vmem>>, vector<16xf32>,
            tpu.vector_store %arg11[%swap3A_536, %swap3A_537], %mul3A_535 {strides = array<i32>} : memref<32x1024xf32, #tpu.memory_space<vmem>>, vector<16xf32>,
            %get3A_539 = arith.index_cast %scan3A_165 : i32 to index
            %get3A_540 = arith.constant 736 : index
            %get3A_541 = tpu.vector_load %arg11[%get3A_539, %get3A_540] {strides = array<i32>} : memref<32x1024xf32, #tpu.memory_space<vmem>>, vector<16xf32>,
            %mul3A_542 = vector.broadcast %select_n3A_172 : f32 to vector<16xf32>
            %mul3A_543 = arith.mulf %get3A_541, %mul3A_542 : vector<16xf32>
            %swap3A_544 = arith.index_cast %scan3A_165 : i32 to index
            %swap3A_545 = arith.constant 736 : index
            %swap3A_546 = tpu.vector_load %arg11[%swap3A_544, %swap3A_545] {strides = array<i32>} : memref<32x1024xf32, #tpu.memory_space<vmem>>, vector<16xf32>,
            tpu.vector_store %arg11[%swap3A_544, %swap3A_545], %mul3A_543 {strides = array<i32>} : memref<32x1024xf32, #tpu.memory_space<vmem>>, vector<16xf32>,
            %get3A_547 = arith.index_cast %scan3A_165 : i32 to index
            %get3A_548 = arith.constant 752 : index
            %get3A_549 = tpu.vector_load %arg11[%get3A_547, %get3A_548] {strides = array<i32>} : memref<32x1024xf32, #tpu.memory_space<vmem>>, vector<16xf32>,
            %mul3A_550 = vector.broadcast %select_n3A_172 : f32 to vector<16xf32>
            %mul3A_551 = arith.mulf %get3A_549, %mul3A_550 : vector<16xf32>
            %swap3A_552 = arith.index_cast %scan3A_165 : i32 to index
            %swap3A_553 = arith.constant 752 : index
            %swap3A_554 = tpu.vector_load %arg11[%swap3A_552, %swap3A_553] {strides = array<i32>} : memref<32x1024xf32, #tpu.memory_space<vmem>>, vector<16xf32>,
            tpu.vector_store %arg11[%swap3A_552, %swap3A_553], %mul3A_551 {strides = array<i32>} : memref<32x1024xf32, #tpu.memory_space<vmem>>, vector<16xf32>,
            %get3A_555 = arith.index_cast %scan3A_165 : i32 to index
            %get3A_556 = arith.constant 768 : index
            %get3A_557 = tpu.vector_load %arg11[%get3A_555, %get3A_556] {strides = array<i32>} : memref<32x1024xf32, #tpu.memory_space<vmem>>, vector<16xf32>,
            %mul3A_558 = vector.broadcast %select_n3A_172 : f32 to vector<16xf32>
            %mul3A_559 = arith.mulf %get3A_557, %mul3A_558 : vector<16xf32>
            %swap3A_560 = arith.index_cast %scan3A_165 : i32 to index
            %swap3A_561 = arith.constant 768 : index
            %swap3A_562 = tpu.vector_load %arg11[%swap3A_560, %swap3A_561] {strides = array<i32>} : memref<32x1024xf32, #tpu.memory_space<vmem>>, vector<16xf32>,
            tpu.vector_store %arg11[%swap3A_560, %swap3A_561], %mul3A_559 {strides = array<i32>} : memref<32x1024xf32, #tpu.memory_space<vmem>>, vector<16xf32>,
            %get3A_563 = arith.index_cast %scan3A_165 : i32 to index
            %get3A_564 = arith.constant 784 : index
            %get3A_565 = tpu.vector_load %arg11[%get3A_563, %get3A_564] {strides = array<i32>} : memref<32x1024xf32, #tpu.memory_space<vmem>>, vector<16xf32>,
            %mul3A_566 = vector.broadcast %select_n3A_172 : f32 to vector<16xf32>
            %mul3A_567 = arith.mulf %get3A_565, %mul3A_566 : vector<16xf32>
            %swap3A_568 = arith.index_cast %scan3A_165 : i32 to index
            %swap3A_569 = arith.constant 784 : index
            %swap3A_570 = tpu.vector_load %arg11[%swap3A_568, %swap3A_569] {strides = array<i32>} : memref<32x1024xf32, #tpu.memory_space<vmem>>, vector<16xf32>,
            tpu.vector_store %arg11[%swap3A_568, %swap3A_569], %mul3A_567 {strides = array<i32>} : memref<32x1024xf32, #tpu.memory_space<vmem>>, vector<16xf32>,
            %get3A_571 = arith.index_cast %scan3A_165 : i32 to index
            %get3A_572 = arith.constant 800 : index
            %get3A_573 = tpu.vector_load %arg11[%get3A_571, %get3A_572] {strides = array<i32>} : memref<32x1024xf32, #tpu.memory_space<vmem>>, vector<16xf32>,
            %mul3A_574 = vector.broadcast %select_n3A_172 : f32 to vector<16xf32>
            %mul3A_575 = arith.mulf %get3A_573, %mul3A_574 : vector<16xf32>
            %swap3A_576 = arith.index_cast %scan3A_165 : i32 to index
            %swap3A_577 = arith.constant 800 : index
            %swap3A_578 = tpu.vector_load %arg11[%swap3A_576, %swap3A_577] {strides = array<i32>} : memref<32x1024xf32, #tpu.memory_space<vmem>>, vector<16xf32>,
            tpu.vector_store %arg11[%swap3A_576, %swap3A_577], %mul3A_575 {strides = array<i32>} : memref<32x1024xf32, #tpu.memory_space<vmem>>, vector<16xf32>,
            %get3A_579 = arith.index_cast %scan3A_165 : i32 to index
            %get3A_580 = arith.constant 816 : index
            %get3A_581 = tpu.vector_load %arg11[%get3A_579, %get3A_580] {strides = array<i32>} : memref<32x1024xf32, #tpu.memory_space<vmem>>, vector<16xf32>,
            %mul3A_582 = vector.broadcast %select_n3A_172 : f32 to vector<16xf32>
            %mul3A_583 = arith.mulf %get3A_581, %mul3A_582 : vector<16xf32>
            %swap3A_584 = arith.index_cast %scan3A_165 : i32 to index
            %swap3A_585 = arith.constant 816 : index
            %swap3A_586 = tpu.vector_load %arg11[%swap3A_584, %swap3A_585] {strides = array<i32>} : memref<32x1024xf32, #tpu.memory_space<vmem>>, vector<16xf32>,
            tpu.vector_store %arg11[%swap3A_584, %swap3A_585], %mul3A_583 {strides = array<i32>} : memref<32x1024xf32, #tpu.memory_space<vmem>>, vector<16xf32>,
            %get3A_587 = arith.index_cast %scan3A_165 : i32 to index
            %get3A_588 = arith.constant 832 : index
            %get3A_589 = tpu.vector_load %arg11[%get3A_587, %get3A_588] {strides = array<i32>} : memref<32x1024xf32, #tpu.memory_space<vmem>>, vector<16xf32>,
            %mul3A_590 = vector.broadcast %select_n3A_172 : f32 to vector<16xf32>
            %mul3A_591 = arith.mulf %get3A_589, %mul3A_590 : vector<16xf32>
            %swap3A_592 = arith.index_cast %scan3A_165 : i32 to index
            %swap3A_593 = arith.constant 832 : index
            %swap3A_594 = tpu.vector_load %arg11[%swap3A_592, %swap3A_593] {strides = array<i32>} : memref<32x1024xf32, #tpu.memory_space<vmem>>, vector<16xf32>,
            tpu.vector_store %arg11[%swap3A_592, %swap3A_593], %mul3A_591 {strides = array<i32>} : memref<32x1024xf32, #tpu.memory_space<vmem>>, vector<16xf32>,
            %get3A_595 = arith.index_cast %scan3A_165 : i32 to index
            %get3A_596 = arith.constant 848 : index
            %get3A_597 = tpu.vector_load %arg11[%get3A_595, %get3A_596] {strides = array<i32>} : memref<32x1024xf32, #tpu.memory_space<vmem>>, vector<16xf32>,
            %mul3A_598 = vector.broadcast %select_n3A_172 : f32 to vector<16xf32>
            %mul3A_599 = arith.mulf %get3A_597, %mul3A_598 : vector<16xf32>
            %swap3A_600 = arith.index_cast %scan3A_165 : i32 to index
            %swap3A_601 = arith.constant 848 : index
            %swap3A_602 = tpu.vector_load %arg11[%swap3A_600, %swap3A_601] {strides = array<i32>} : memref<32x1024xf32, #tpu.memory_space<vmem>>, vector<16xf32>,
            tpu.vector_store %arg11[%swap3A_600, %swap3A_601], %mul3A_599 {strides = array<i32>} : memref<32x1024xf32, #tpu.memory_space<vmem>>, vector<16xf32>,
            %get3A_603 = arith.index_cast %scan3A_165 : i32 to index
            %get3A_604 = arith.constant 864 : index
            %get3A_605 = tpu.vector_load %arg11[%get3A_603, %get3A_604] {strides = array<i32>} : memref<32x1024xf32, #tpu.memory_space<vmem>>, vector<16xf32>,
            %mul3A_606 = vector.broadcast %select_n3A_172 : f32 to vector<16xf32>
            %mul3A_607 = arith.mulf %get3A_605, %mul3A_606 : vector<16xf32>
            %swap3A_608 = arith.index_cast %scan3A_165 : i32 to index
            %swap3A_609 = arith.constant 864 : index
            %swap3A_610 = tpu.vector_load %arg11[%swap3A_608, %swap3A_609] {strides = array<i32>} : memref<32x1024xf32, #tpu.memory_space<vmem>>, vector<16xf32>,
            tpu.vector_store %arg11[%swap3A_608, %swap3A_609], %mul3A_607 {strides = array<i32>} : memref<32x1024xf32, #tpu.memory_space<vmem>>, vector<16xf32>,
            %get3A_611 = arith.index_cast %scan3A_165 : i32 to index
            %get3A_612 = arith.constant 880 : index
            %get3A_613 = tpu.vector_load %arg11[%get3A_611, %get3A_612] {strides = array<i32>} : memref<32x1024xf32, #tpu.memory_space<vmem>>, vector<16xf32>,
            %mul3A_614 = vector.broadcast %select_n3A_172 : f32 to vector<16xf32>
            %mul3A_615 = arith.mulf %get3A_613, %mul3A_614 : vector<16xf32>
            %swap3A_616 = arith.index_cast %scan3A_165 : i32 to index
            %swap3A_617 = arith.constant 880 : index
            %swap3A_618 = tpu.vector_load %arg11[%swap3A_616, %swap3A_617] {strides = array<i32>} : memref<32x1024xf32, #tpu.memory_space<vmem>>, vector<16xf32>,
            tpu.vector_store %arg11[%swap3A_616, %swap3A_617], %mul3A_615 {strides = array<i32>} : memref<32x1024xf32, #tpu.memory_space<vmem>>, vector<16xf32>,
            %get3A_619 = arith.index_cast %scan3A_165 : i32 to index
            %get3A_620 = arith.constant 896 : index
            %get3A_621 = tpu.vector_load %arg11[%get3A_619, %get3A_620] {strides = array<i32>} : memref<32x1024xf32, #tpu.memory_space<vmem>>, vector<16xf32>,
            %mul3A_622 = vector.broadcast %select_n3A_172 : f32 to vector<16xf32>
            %mul3A_623 = arith.mulf %get3A_621, %mul3A_622 : vector<16xf32>
            %swap3A_624 = arith.index_cast %scan3A_165 : i32 to index
            %swap3A_625 = arith.constant 896 : index
            %swap3A_626 = tpu.vector_load %arg11[%swap3A_624, %swap3A_625] {strides = array<i32>} : memref<32x1024xf32, #tpu.memory_space<vmem>>, vector<16xf32>,
            tpu.vector_store %arg11[%swap3A_624, %swap3A_625], %mul3A_623 {strides = array<i32>} : memref<32x1024xf32, #tpu.memory_space<vmem>>, vector<16xf32>,
            %get3A_627 = arith.index_cast %scan3A_165 : i32 to index
            %get3A_628 = arith.constant 912 : index
            %get3A_629 = tpu.vector_load %arg11[%get3A_627, %get3A_628] {strides = array<i32>} : memref<32x1024xf32, #tpu.memory_space<vmem>>, vector<16xf32>,
            %mul3A_630 = vector.broadcast %select_n3A_172 : f32 to vector<16xf32>
            %mul3A_631 = arith.mulf %get3A_629, %mul3A_630 : vector<16xf32>
            %swap3A_632 = arith.index_cast %scan3A_165 : i32 to index
            %swap3A_633 = arith.constant 912 : index
            %swap3A_634 = tpu.vector_load %arg11[%swap3A_632, %swap3A_633] {strides = array<i32>} : memref<32x1024xf32, #tpu.memory_space<vmem>>, vector<16xf32>,
            tpu.vector_store %arg11[%swap3A_632, %swap3A_633], %mul3A_631 {strides = array<i32>} : memref<32x1024xf32, #tpu.memory_space<vmem>>, vector<16xf32>,
            %get3A_635 = arith.index_cast %scan3A_165 : i32 to index
            %get3A_636 = arith.constant 928 : index
            %get3A_637 = tpu.vector_load %arg11[%get3A_635, %get3A_636] {strides = array<i32>} : memref<32x1024xf32, #tpu.memory_space<vmem>>, vector<16xf32>,
            %mul3A_638 = vector.broadcast %select_n3A_172 : f32 to vector<16xf32>
            %mul3A_639 = arith.mulf %get3A_637, %mul3A_638 : vector<16xf32>
            %swap3A_640 = arith.index_cast %scan3A_165 : i32 to index
            %swap3A_641 = arith.constant 928 : index
            %swap3A_642 = tpu.vector_load %arg11[%swap3A_640, %swap3A_641] {strides = array<i32>} : memref<32x1024xf32, #tpu.memory_space<vmem>>, vector<16xf32>,
            tpu.vector_store %arg11[%swap3A_640, %swap3A_641], %mul3A_639 {strides = array<i32>} : memref<32x1024xf32, #tpu.memory_space<vmem>>, vector<16xf32>,
            %get3A_643 = arith.index_cast %scan3A_165 : i32 to index
            %get3A_644 = arith.constant 944 : index
            %get3A_645 = tpu.vector_load %arg11[%get3A_643, %get3A_644] {strides = array<i32>} : memref<32x1024xf32, #tpu.memory_space<vmem>>, vector<16xf32>,
            %mul3A_646 = vector.broadcast %select_n3A_172 : f32 to vector<16xf32>
            %mul3A_647 = arith.mulf %get3A_645, %mul3A_646 : vector<16xf32>
            %swap3A_648 = arith.index_cast %scan3A_165 : i32 to index
            %swap3A_649 = arith.constant 944 : index
            %swap3A_650 = tpu.vector_load %arg11[%swap3A_648, %swap3A_649] {strides = array<i32>} : memref<32x1024xf32, #tpu.memory_space<vmem>>, vector<16xf32>,
            tpu.vector_store %arg11[%swap3A_648, %swap3A_649], %mul3A_647 {strides = array<i32>} : memref<32x1024xf32, #tpu.memory_space<vmem>>, vector<16xf32>,
            %get3A_651 = arith.index_cast %scan3A_165 : i32 to index
            %get3A_652 = arith.constant 960 : index
            %get3A_653 = tpu.vector_load %arg11[%get3A_651, %get3A_652] {strides = array<i32>} : memref<32x1024xf32, #tpu.memory_space<vmem>>, vector<16xf32>,
            %mul3A_654 = vector.broadcast %select_n3A_172 : f32 to vector<16xf32>
            %mul3A_655 = arith.mulf %get3A_653, %mul3A_654 : vector<16xf32>
            %swap3A_656 = arith.index_cast %scan3A_165 : i32 to index
            %swap3A_657 = arith.constant 960 : index
            %swap3A_658 = tpu.vector_load %arg11[%swap3A_656, %swap3A_657] {strides = array<i32>} : memref<32x1024xf32, #tpu.memory_space<vmem>>, vector<16xf32>,
            tpu.vector_store %arg11[%swap3A_656, %swap3A_657], %mul3A_655 {strides = array<i32>} : memref<32x1024xf32, #tpu.memory_space<vmem>>, vector<16xf32>,
            %get3A_659 = arith.index_cast %scan3A_165 : i32 to index
            %get3A_660 = arith.constant 976 : index
            %get3A_661 = tpu.vector_load %arg11[%get3A_659, %get3A_660] {strides = array<i32>} : memref<32x1024xf32, #tpu.memory_space<vmem>>, vector<16xf32>,
            %mul3A_662 = vector.broadcast %select_n3A_172 : f32 to vector<16xf32>
            %mul3A_663 = arith.mulf %get3A_661, %mul3A_662 : vector<16xf32>
            %swap3A_664 = arith.index_cast %scan3A_165 : i32 to index
            %swap3A_665 = arith.constant 976 : index
            %swap3A_666 = tpu.vector_load %arg11[%swap3A_664, %swap3A_665] {strides = array<i32>} : memref<32x1024xf32, #tpu.memory_space<vmem>>, vector<16xf32>,
            tpu.vector_store %arg11[%swap3A_664, %swap3A_665], %mul3A_663 {strides = array<i32>} : memref<32x1024xf32, #tpu.memory_space<vmem>>, vector<16xf32>,
            %get3A_667 = arith.index_cast %scan3A_165 : i32 to index
            %get3A_668 = arith.constant 992 : index
            %get3A_669 = tpu.vector_load %arg11[%get3A_667, %get3A_668] {strides = array<i32>} : memref<32x1024xf32, #tpu.memory_space<vmem>>, vector<16xf32>,
            %mul3A_670 = vector.broadcast %select_n3A_172 : f32 to vector<16xf32>
            %mul3A_671 = arith.mulf %get3A_669, %mul3A_670 : vector<16xf32>
            %swap3A_672 = arith.index_cast %scan3A_165 : i32 to index
            %swap3A_673 = arith.constant 992 : index
            %swap3A_674 = tpu.vector_load %arg11[%swap3A_672, %swap3A_673] {strides = array<i32>} : memref<32x1024xf32, #tpu.memory_space<vmem>>, vector<16xf32>,
            tpu.vector_store %arg11[%swap3A_672, %swap3A_673], %mul3A_671 {strides = array<i32>} : memref<32x1024xf32, #tpu.memory_space<vmem>>, vector<16xf32>,
            %get3A_675 = arith.index_cast %scan3A_165 : i32 to index
            %get3A_676 = arith.constant 1008 : index
            %get3A_677 = tpu.vector_load %arg11[%get3A_675, %get3A_676] {strides = array<i32>} : memref<32x1024xf32, #tpu.memory_space<vmem>>, vector<16xf32>,
            %mul3A_678 = vector.broadcast %select_n3A_172 : f32 to vector<16xf32>
            %mul3A_679 = arith.mulf %get3A_677, %mul3A_678 : vector<16xf32>
            %swap3A_680 = arith.index_cast %scan3A_165 : i32 to index
            %swap3A_681 = arith.constant 1008 : index
            %swap3A_682 = tpu.vector_load %arg11[%swap3A_680, %swap3A_681] {strides = array<i32>} : memref<32x1024xf32, #tpu.memory_space<vmem>>, vector<16xf32>,
            tpu.vector_store %arg11[%swap3A_680, %swap3A_681], %mul3A_679 {strides = array<i32>} : memref<32x1024xf32, #tpu.memory_space<vmem>>, vector<16xf32>,
          }
          %scan3A_164 = arith.constant 32 : i32
        } else {
        }
        %mul3A_150 = arith.constant 1024 : i32
        %mul3A_151 = arith.muli %select_n3A_30, %mul3A_150 : i32
        %add3A_152 = arith.addi %mul3A_37, %mul3A_151 : i32
        %mul3A_153 = arith.constant 32 : i32
        %mul3A_154 = arith.muli %add3A_75, %mul3A_153 : i32
        %add3A_155 = arith.addi %add3A_152, %mul3A_154 : i32
        %dma_start3A = arith.constant 0 : i32
        %dma_start3A_156 = tpu.memref_slice %arg4[%add3A_155, %dma_start3A] : memref<32768x1024xf32, #tpu.memory_space<hbm>> -> memref<32x1024xf32, #tpu.memory_space<hbm>>
        %dma_start3A_157 = arith.constant 0 : i32
        %dma_start3A_158 = tpu.memref_slice %arg4[%add3A_155, %dma_start3A_157] : memref<32768x1024xf32, #tpu.memory_space<hbm>> -> memref<32x1024xf32, #tpu.memory_space<hbm>>
        tpu.enqueue_dma source(%arg11 : memref<32x1024xf32, #tpu.memory_space<vmem>>) target(%dma_start3A_158 : memref<32x1024xf32, #tpu.memory_space<hbm>>) target_semaphore(%arg16 : memref<!tpu.dma_semaphore, #tpu.memory_space<semaphore_mem>>)
      } else {
      }
      %mul3A_99 = arith.constant 32 : i32
      %mul3A_100 = arith.muli %add3A_75, %mul3A_99 : i32
      %ge3A_101 = arith.cmpi sge, %mul3A_100, %min3A : i32
      %convert_element_type3A_102 = arith.extui %ge3A_101 : i1 to i32
      %cond3A_103 = arith.constant 0 : i32
      %cond3A_104 = arith.cmpi ne, %convert_element_type3A_102, %cond3A_103 : i32
      scf.if %cond3A_104 {
        %mul3A_139 = arith.constant 1024 : i32
        %mul3A_140 = arith.muli %select_n3A_30, %mul3A_139 : i32
        %add3A_141 = arith.addi %mul3A_37, %mul3A_140 : i32
        %mul3A_142 = arith.constant 32 : i32
        %mul3A_143 = arith.muli %add3A_75, %mul3A_142 : i32
        %add3A_144 = arith.addi %add3A_141, %mul3A_143 : i32
        %dma_start3A = arith.constant 0 : i32
        %dma_start3A_145 = tpu.memref_slice %arg4[%add3A_144, %dma_start3A] : memref<32768x1024xf32, #tpu.memory_space<hbm>> -> memref<32x1024xf32, #tpu.memory_space<hbm>>
        %dma_start3A_146 = arith.constant 0 : i32
        %dma_start3A_147 = tpu.memref_slice %arg4[%add3A_144, %dma_start3A_146] : memref<32768x1024xf32, #tpu.memory_space<hbm>> -> memref<32x1024xf32, #tpu.memory_space<hbm>>
        tpu.enqueue_dma source(%arg13 : memref<32x1024xf32, #tpu.memory_space<vmem>>) target(%dma_start3A_147 : memref<32x1024xf32, #tpu.memory_space<hbm>>) target_semaphore(%arg16 : memref<!tpu.dma_semaphore, #tpu.memory_space<semaphore_mem>>)
      } else {
      }
      %mul3A_105 = arith.constant 2 : i32
      %mul3A_106 = arith.muli %scan3A_71, %mul3A_105 : i32
      %add3A_107 = arith.constant 1 : i32
      %add3A_108 = arith.addi %mul3A_106, %add3A_107 : i32
      %ge3A_109 = arith.constant 1 : i32
      %ge3A_110 = arith.cmpi sge, %add3A_108, %ge3A_109 : i32
      %convert_element_type3A_111 = arith.extui %ge3A_110 : i1 to i32
      %cond3A_112 = arith.constant 0 : i32
      %cond3A_113 = arith.cmpi ne, %convert_element_type3A_111, %cond3A_112 : i32
      scf.if %cond3A_113 {
        %sub3A_139 = arith.constant 1 : i32
        %sub3A_140 = arith.subi %add3A_108, %sub3A_139 : i32
        %max3A_141 = arith.constant 0 : i32
        %max3A_142 = arith.maxsi %sub3A_140, %max3A_141 : i32
        %mul3A_143 = arith.constant 1024 : i32
        %mul3A_144 = arith.muli %select_n3A_30, %mul3A_143 : i32
        %add3A_145 = arith.addi %mul3A_37, %mul3A_144 : i32
        %mul3A_146 = arith.constant 32 : i32
        %mul3A_147 = arith.muli %max3A_142, %mul3A_146 : i32
        %add3A_148 = arith.addi %add3A_145, %mul3A_147 : i32
        %dma_wait3A_149 = arith.constant 0 : i32
        %dma_wait3A_150 = tpu.memref_slice %arg4[%add3A_148, %dma_wait3A_149] : memref<32768x1024xf32, #tpu.memory_space<hbm>> -> memref<32x1024xf32, #tpu.memory_space<hbm>>
        %dma_wait3A_151 = arith.constant 0 : i32
        %dma_wait3A_152 = tpu.memref_slice %arg4[%add3A_148, %dma_wait3A_151] : memref<32768x1024xf32, #tpu.memory_space<hbm>> -> memref<32x1024xf32, #tpu.memory_space<hbm>>
        tpu.wait_dma2 semaphore(%arg16 : memref<!tpu.dma_semaphore, #tpu.memory_space<semaphore_mem>>) src(%arg11 : memref<32x1024xf32, #tpu.memory_space<vmem>>) dst(%dma_wait3A_152 : memref<32x1024xf32, #tpu.memory_space<hbm>>)
      } else {
      }
      %add3A_114 = arith.constant 1 : i32
      %add3A_115 = arith.addi %add3A_108, %add3A_114 : i32
      %lt3A_116 = arith.constant 32 : i32
      %lt3A_117 = arith.cmpi slt, %add3A_115, %lt3A_116 : i32
      %add3A_118 = arith.constant 1 : i32
      %add3A_119 = arith.addi %add3A_108, %add3A_118 : i32
      %mul3A_120 = arith.constant 32 : i32
      %mul3A_121 = arith.muli %add3A_119, %mul3A_120 : i32
      %lt3A_122 = arith.cmpi slt, %mul3A_121, %min3A : i32
      %and3A_123 = arith.andi %lt3A_117, %lt3A_122 : i1
      %convert_element_type3A_124 = arith.extui %and3A_123 : i1 to i32
      %cond3A_125 = arith.constant 0 : i32
      %cond3A_126 = arith.cmpi ne, %convert_element_type3A_124, %cond3A_125 : i32
      scf.if %cond3A_126 {
        %add3A_139 = arith.constant 1 : i32
        %add3A_140 = arith.addi %add3A_108, %add3A_139 : i32
        %mul3A_141 = arith.constant 1024 : i32
        %mul3A_142 = arith.muli %select_n3A_30, %mul3A_141 : i32
        %mul3A_143 = arith.constant 32 : i32
        %mul3A_144 = arith.muli %add3A_140, %mul3A_143 : i32
        %add3A_145 = arith.addi %mul3A_142, %mul3A_144 : i32
        %add3A_146 = arith.constant 0 : i32
        %add3A_147 = arith.addi %add3A_145, %add3A_146 : i32
        %get3A = arith.index_cast %add3A_147 : i32 to index
        %get3A_148 = tpu.vector_load %arg6[%get3A] {strides = array<i32>} : memref<2064xi32, #tpu.memory_space<vmem>>, vector<16xi32>,
        %jit3A_149 = arith.constant 0 : i32
        %jit3A_150 = arith.constant 32767 : i32
        %max3A_151 = vector.broadcast %jit3A_149 : i32 to vector<16xi32>
        %max3A_152 = arith.maxsi %max3A_151, %get3A_148 : vector<16xi32>
        %min3A_153 = vector.broadcast %jit3A_150 : i32 to vector<16xi32>
        %min3A_154 = arith.minsi %min3A_153, %max3A_152 : vector<16xi32>
        %swap3A = arith.constant 0 : index
        %swap3A_155 = tpu.vector_load %arg9[%swap3A] {strides = array<i32>} : memref<32xi32, #tpu.memory_space<vmem>>, vector<16xi32>,
        tpu.vector_store %arg9[%swap3A], %min3A_154 {strides = array<i32>} : memref<32xi32, #tpu.memory_space<vmem>>, vector<16xi32>,
        %mul3A_156 = arith.constant 1024 : i32
        %mul3A_157 = arith.muli %select_n3A_30, %mul3A_156 : i32
        %mul3A_158 = arith.constant 32 : i32
        %mul3A_159 = arith.muli %add3A_140, %mul3A_158 : i32
        %add3A_160 = arith.addi %mul3A_157, %mul3A_159 : i32
        %add3A_161 = arith.constant 16 : i32
        %add3A_162 = arith.addi %add3A_160, %add3A_161 : i32
        %get3A_163 = arith.index_cast %add3A_162 : i32 to index
        %get3A_164 = tpu.vector_load %arg6[%get3A_163] {strides = array<i32>} : memref<2064xi32, #tpu.memory_space<vmem>>, vector<16xi32>,
        %jit3A_165 = arith.constant 0 : i32
        %jit3A_166 = arith.constant 32767 : i32
        %max3A_167 = vector.broadcast %jit3A_165 : i32 to vector<16xi32>
        %max3A_168 = arith.maxsi %max3A_167, %get3A_164 : vector<16xi32>
        %min3A_169 = vector.broadcast %jit3A_166 : i32 to vector<16xi32>
        %min3A_170 = arith.minsi %min3A_169, %max3A_168 : vector<16xi32>
        %swap3A_171 = arith.constant 16 : index
        %swap3A_172 = tpu.vector_load %arg9[%swap3A_171] {strides = array<i32>} : memref<32xi32, #tpu.memory_space<vmem>>, vector<16xi32>,
        tpu.vector_store %arg9[%swap3A_171], %min3A_170 {strides = array<i32>} : memref<32xi32, #tpu.memory_space<vmem>>, vector<16xi32>,
        %dma_start3A = arith.constant 0 : i32
        %dma_start3A_173 = arith.constant 0 : i32
        %dma_start3A_174 = tpu.memref_slice %arg2[%dma_start3A, %dma_start3A_173] : memref<32768x1024xf32, #tpu.memory_space<hbm>> -> memref<32768x1024xf32, #tpu.memory_space<hbm>>
        tpu.enqueue_indirect_dma source(%dma_start3A_174 : memref<32768x1024xf32, #tpu.memory_space<hbm>>) target(%arg11 : memref<32x1024xf32, #tpu.memory_space<vmem>>) offsets(%arg9 : memref<32xi32, #tpu.memory_space<vmem>>) semaphore(%arg14 : memref<!tpu.dma_semaphore, #tpu.memory_space<semaphore_mem>>)
      } else {
      }
      %mul3A_127 = arith.constant 32 : i32
      %mul3A_128 = arith.muli %add3A_108, %mul3A_127 : i32
      %lt3A_129 = arith.cmpi slt, %mul3A_128, %min3A : i32
      %convert_element_type3A_130 = arith.extui %lt3A_129 : i1 to i32
      %cond3A_131 = arith.constant 0 : i32
      %cond3A_132 = arith.cmpi ne, %convert_element_type3A_130, %cond3A_131 : i32
      scf.if %cond3A_132 {
        %dma_wait3A_139 = arith.constant 0 : i32
        %dma_wait3A_140 = arith.constant 0 : i32
        %dma_wait3A_141 = tpu.memref_slice %arg2[%dma_wait3A_139, %dma_wait3A_140] : memref<32768x1024xf32, #tpu.memory_space<hbm>> -> memref<32768x1024xf32, #tpu.memory_space<hbm>>
        tpu.wait_indirect_dma semaphore(%arg15 : memref<!tpu.dma_semaphore, #tpu.memory_space<semaphore_mem>>) src(%dma_wait3A_141 : memref<32768x1024xf32, #tpu.memory_space<hbm>>) dst(%arg12 : memref<32x1024xf32, #tpu.memory_space<vmem>>)
        %add3A_142 = arith.constant 1 : i32
        %add3A_143 = arith.addi %add3A_108, %add3A_142 : i32
        %mul3A_144 = arith.constant 32 : i32
        %mul3A_145 = arith.muli %add3A_143, %mul3A_144 : i32
        %gt3A_146 = arith.cmpi sgt, %mul3A_145, %min3A : i32
        %convert_element_type3A_147 = arith.extui %gt3A_146 : i1 to i32
        %cond3A_148 = arith.constant 0 : i32
        %cond3A_149 = arith.cmpi ne, %convert_element_type3A_147, %cond3A_148 : i32
        scf.if %cond3A_149 {
          %scan3A_159 = arith.constant 0 : i32
          %scan3A_160 = arith.constant 0 : i32
          %scan3A_161 = arith.constant 32 : i32
          %scan3A_162 = arith.addi %scan3A_160, %scan3A_161 : i32
          %scan3A_163 = arith.constant 1 : i32
          scf.for %scan3A_165 = %scan3A_160 to %scan3A_162 step %scan3A_163  : i32 {
            %mul3A_166 = arith.constant 32 : i32
            %mul3A_167 = arith.muli %add3A_108, %mul3A_166 : i32
            %add3A_168 = arith.addi %mul3A_167, %scan3A_165 : i32
            %lt3A_169 = arith.cmpi slt, %add3A_168, %min3A : i32
            %jit3A_170 = arith.constant 1.000000e+00 : f32
            %jit3A_171 = arith.constant 0.000000e+00 : f32
            %select_n3A_172 = arith.select %lt3A_169, %jit3A_170, %jit3A_171 : f32
            %get3A = arith.index_cast %scan3A_165 : i32 to index
            %get3A_173 = arith.constant 0 : index
            %get3A_174 = tpu.vector_load %arg12[%get3A, %get3A_173] {strides = array<i32>} : memref<32x1024xf32, #tpu.memory_space<vmem>>, vector<16xf32>,
            %mul3A_175 = vector.broadcast %select_n3A_172 : f32 to vector<16xf32>
            %mul3A_176 = arith.mulf %get3A_174, %mul3A_175 : vector<16xf32>
            %swap3A = arith.index_cast %scan3A_165 : i32 to index
            %swap3A_177 = arith.constant 0 : index
            %swap3A_178 = tpu.vector_load %arg12[%swap3A, %swap3A_177] {strides = array<i32>} : memref<32x1024xf32, #tpu.memory_space<vmem>>, vector<16xf32>,
            tpu.vector_store %arg12[%swap3A, %swap3A_177], %mul3A_176 {strides = array<i32>} : memref<32x1024xf32, #tpu.memory_space<vmem>>, vector<16xf32>,
            %get3A_179 = arith.index_cast %scan3A_165 : i32 to index
            %get3A_180 = arith.constant 16 : index
            %get3A_181 = tpu.vector_load %arg12[%get3A_179, %get3A_180] {strides = array<i32>} : memref<32x1024xf32, #tpu.memory_space<vmem>>, vector<16xf32>,
            %mul3A_182 = vector.broadcast %select_n3A_172 : f32 to vector<16xf32>
            %mul3A_183 = arith.mulf %get3A_181, %mul3A_182 : vector<16xf32>
            %swap3A_184 = arith.index_cast %scan3A_165 : i32 to index
            %swap3A_185 = arith.constant 16 : index
            %swap3A_186 = tpu.vector_load %arg12[%swap3A_184, %swap3A_185] {strides = array<i32>} : memref<32x1024xf32, #tpu.memory_space<vmem>>, vector<16xf32>,
            tpu.vector_store %arg12[%swap3A_184, %swap3A_185], %mul3A_183 {strides = array<i32>} : memref<32x1024xf32, #tpu.memory_space<vmem>>, vector<16xf32>,
            %get3A_187 = arith.index_cast %scan3A_165 : i32 to index
            %get3A_188 = arith.constant 32 : index
            %get3A_189 = tpu.vector_load %arg12[%get3A_187, %get3A_188] {strides = array<i32>} : memref<32x1024xf32, #tpu.memory_space<vmem>>, vector<16xf32>,
            %mul3A_190 = vector.broadcast %select_n3A_172 : f32 to vector<16xf32>
            %mul3A_191 = arith.mulf %get3A_189, %mul3A_190 : vector<16xf32>
            %swap3A_192 = arith.index_cast %scan3A_165 : i32 to index
            %swap3A_193 = arith.constant 32 : index
            %swap3A_194 = tpu.vector_load %arg12[%swap3A_192, %swap3A_193] {strides = array<i32>} : memref<32x1024xf32, #tpu.memory_space<vmem>>, vector<16xf32>,
            tpu.vector_store %arg12[%swap3A_192, %swap3A_193], %mul3A_191 {strides = array<i32>} : memref<32x1024xf32, #tpu.memory_space<vmem>>, vector<16xf32>,
            %get3A_195 = arith.index_cast %scan3A_165 : i32 to index
            %get3A_196 = arith.constant 48 : index
            %get3A_197 = tpu.vector_load %arg12[%get3A_195, %get3A_196] {strides = array<i32>} : memref<32x1024xf32, #tpu.memory_space<vmem>>, vector<16xf32>,
            %mul3A_198 = vector.broadcast %select_n3A_172 : f32 to vector<16xf32>
            %mul3A_199 = arith.mulf %get3A_197, %mul3A_198 : vector<16xf32>
            %swap3A_200 = arith.index_cast %scan3A_165 : i32 to index
            %swap3A_201 = arith.constant 48 : index
            %swap3A_202 = tpu.vector_load %arg12[%swap3A_200, %swap3A_201] {strides = array<i32>} : memref<32x1024xf32, #tpu.memory_space<vmem>>, vector<16xf32>,
            tpu.vector_store %arg12[%swap3A_200, %swap3A_201], %mul3A_199 {strides = array<i32>} : memref<32x1024xf32, #tpu.memory_space<vmem>>, vector<16xf32>,
            %get3A_203 = arith.index_cast %scan3A_165 : i32 to index
            %get3A_204 = arith.constant 64 : index
            %get3A_205 = tpu.vector_load %arg12[%get3A_203, %get3A_204] {strides = array<i32>} : memref<32x1024xf32, #tpu.memory_space<vmem>>, vector<16xf32>,
            %mul3A_206 = vector.broadcast %select_n3A_172 : f32 to vector<16xf32>
            %mul3A_207 = arith.mulf %get3A_205, %mul3A_206 : vector<16xf32>
            %swap3A_208 = arith.index_cast %scan3A_165 : i32 to index
            %swap3A_209 = arith.constant 64 : index
            %swap3A_210 = tpu.vector_load %arg12[%swap3A_208, %swap3A_209] {strides = array<i32>} : memref<32x1024xf32, #tpu.memory_space<vmem>>, vector<16xf32>,
            tpu.vector_store %arg12[%swap3A_208, %swap3A_209], %mul3A_207 {strides = array<i32>} : memref<32x1024xf32, #tpu.memory_space<vmem>>, vector<16xf32>,
            %get3A_211 = arith.index_cast %scan3A_165 : i32 to index
            %get3A_212 = arith.constant 80 : index
            %get3A_213 = tpu.vector_load %arg12[%get3A_211, %get3A_212] {strides = array<i32>} : memref<32x1024xf32, #tpu.memory_space<vmem>>, vector<16xf32>,
            %mul3A_214 = vector.broadcast %select_n3A_172 : f32 to vector<16xf32>
            %mul3A_215 = arith.mulf %get3A_213, %mul3A_214 : vector<16xf32>
            %swap3A_216 = arith.index_cast %scan3A_165 : i32 to index
            %swap3A_217 = arith.constant 80 : index
            %swap3A_218 = tpu.vector_load %arg12[%swap3A_216, %swap3A_217] {strides = array<i32>} : memref<32x1024xf32, #tpu.memory_space<vmem>>, vector<16xf32>,
            tpu.vector_store %arg12[%swap3A_216, %swap3A_217], %mul3A_215 {strides = array<i32>} : memref<32x1024xf32, #tpu.memory_space<vmem>>, vector<16xf32>,
            %get3A_219 = arith.index_cast %scan3A_165 : i32 to index
            %get3A_220 = arith.constant 96 : index
            %get3A_221 = tpu.vector_load %arg12[%get3A_219, %get3A_220] {strides = array<i32>} : memref<32x1024xf32, #tpu.memory_space<vmem>>, vector<16xf32>,
            %mul3A_222 = vector.broadcast %select_n3A_172 : f32 to vector<16xf32>
            %mul3A_223 = arith.mulf %get3A_221, %mul3A_222 : vector<16xf32>
            %swap3A_224 = arith.index_cast %scan3A_165 : i32 to index
            %swap3A_225 = arith.constant 96 : index
            %swap3A_226 = tpu.vector_load %arg12[%swap3A_224, %swap3A_225] {strides = array<i32>} : memref<32x1024xf32, #tpu.memory_space<vmem>>, vector<16xf32>,
            tpu.vector_store %arg12[%swap3A_224, %swap3A_225], %mul3A_223 {strides = array<i32>} : memref<32x1024xf32, #tpu.memory_space<vmem>>, vector<16xf32>,
            %get3A_227 = arith.index_cast %scan3A_165 : i32 to index
            %get3A_228 = arith.constant 112 : index
            %get3A_229 = tpu.vector_load %arg12[%get3A_227, %get3A_228] {strides = array<i32>} : memref<32x1024xf32, #tpu.memory_space<vmem>>, vector<16xf32>,
            %mul3A_230 = vector.broadcast %select_n3A_172 : f32 to vector<16xf32>
            %mul3A_231 = arith.mulf %get3A_229, %mul3A_230 : vector<16xf32>
            %swap3A_232 = arith.index_cast %scan3A_165 : i32 to index
            %swap3A_233 = arith.constant 112 : index
            %swap3A_234 = tpu.vector_load %arg12[%swap3A_232, %swap3A_233] {strides = array<i32>} : memref<32x1024xf32, #tpu.memory_space<vmem>>, vector<16xf32>,
            tpu.vector_store %arg12[%swap3A_232, %swap3A_233], %mul3A_231 {strides = array<i32>} : memref<32x1024xf32, #tpu.memory_space<vmem>>, vector<16xf32>,
            %get3A_235 = arith.index_cast %scan3A_165 : i32 to index
            %get3A_236 = arith.constant 128 : index
            %get3A_237 = tpu.vector_load %arg12[%get3A_235, %get3A_236] {strides = array<i32>} : memref<32x1024xf32, #tpu.memory_space<vmem>>, vector<16xf32>,
            %mul3A_238 = vector.broadcast %select_n3A_172 : f32 to vector<16xf32>
            %mul3A_239 = arith.mulf %get3A_237, %mul3A_238 : vector<16xf32>
            %swap3A_240 = arith.index_cast %scan3A_165 : i32 to index
            %swap3A_241 = arith.constant 128 : index
            %swap3A_242 = tpu.vector_load %arg12[%swap3A_240, %swap3A_241] {strides = array<i32>} : memref<32x1024xf32, #tpu.memory_space<vmem>>, vector<16xf32>,
            tpu.vector_store %arg12[%swap3A_240, %swap3A_241], %mul3A_239 {strides = array<i32>} : memref<32x1024xf32, #tpu.memory_space<vmem>>, vector<16xf32>,
            %get3A_243 = arith.index_cast %scan3A_165 : i32 to index
            %get3A_244 = arith.constant 144 : index
            %get3A_245 = tpu.vector_load %arg12[%get3A_243, %get3A_244] {strides = array<i32>} : memref<32x1024xf32, #tpu.memory_space<vmem>>, vector<16xf32>,
            %mul3A_246 = vector.broadcast %select_n3A_172 : f32 to vector<16xf32>
            %mul3A_247 = arith.mulf %get3A_245, %mul3A_246 : vector<16xf32>
            %swap3A_248 = arith.index_cast %scan3A_165 : i32 to index
            %swap3A_249 = arith.constant 144 : index
            %swap3A_250 = tpu.vector_load %arg12[%swap3A_248, %swap3A_249] {strides = array<i32>} : memref<32x1024xf32, #tpu.memory_space<vmem>>, vector<16xf32>,
            tpu.vector_store %arg12[%swap3A_248, %swap3A_249], %mul3A_247 {strides = array<i32>} : memref<32x1024xf32, #tpu.memory_space<vmem>>, vector<16xf32>,
            %get3A_251 = arith.index_cast %scan3A_165 : i32 to index
            %get3A_252 = arith.constant 160 : index
            %get3A_253 = tpu.vector_load %arg12[%get3A_251, %get3A_252] {strides = array<i32>} : memref<32x1024xf32, #tpu.memory_space<vmem>>, vector<16xf32>,
            %mul3A_254 = vector.broadcast %select_n3A_172 : f32 to vector<16xf32>
            %mul3A_255 = arith.mulf %get3A_253, %mul3A_254 : vector<16xf32>
            %swap3A_256 = arith.index_cast %scan3A_165 : i32 to index
            %swap3A_257 = arith.constant 160 : index
            %swap3A_258 = tpu.vector_load %arg12[%swap3A_256, %swap3A_257] {strides = array<i32>} : memref<32x1024xf32, #tpu.memory_space<vmem>>, vector<16xf32>,
            tpu.vector_store %arg12[%swap3A_256, %swap3A_257], %mul3A_255 {strides = array<i32>} : memref<32x1024xf32, #tpu.memory_space<vmem>>, vector<16xf32>,
            %get3A_259 = arith.index_cast %scan3A_165 : i32 to index
            %get3A_260 = arith.constant 176 : index
            %get3A_261 = tpu.vector_load %arg12[%get3A_259, %get3A_260] {strides = array<i32>} : memref<32x1024xf32, #tpu.memory_space<vmem>>, vector<16xf32>,
            %mul3A_262 = vector.broadcast %select_n3A_172 : f32 to vector<16xf32>
            %mul3A_263 = arith.mulf %get3A_261, %mul3A_262 : vector<16xf32>
            %swap3A_264 = arith.index_cast %scan3A_165 : i32 to index
            %swap3A_265 = arith.constant 176 : index
            %swap3A_266 = tpu.vector_load %arg12[%swap3A_264, %swap3A_265] {strides = array<i32>} : memref<32x1024xf32, #tpu.memory_space<vmem>>, vector<16xf32>,
            tpu.vector_store %arg12[%swap3A_264, %swap3A_265], %mul3A_263 {strides = array<i32>} : memref<32x1024xf32, #tpu.memory_space<vmem>>, vector<16xf32>,
            %get3A_267 = arith.index_cast %scan3A_165 : i32 to index
            %get3A_268 = arith.constant 192 : index
            %get3A_269 = tpu.vector_load %arg12[%get3A_267, %get3A_268] {strides = array<i32>} : memref<32x1024xf32, #tpu.memory_space<vmem>>, vector<16xf32>,
            %mul3A_270 = vector.broadcast %select_n3A_172 : f32 to vector<16xf32>
            %mul3A_271 = arith.mulf %get3A_269, %mul3A_270 : vector<16xf32>
            %swap3A_272 = arith.index_cast %scan3A_165 : i32 to index
            %swap3A_273 = arith.constant 192 : index
            %swap3A_274 = tpu.vector_load %arg12[%swap3A_272, %swap3A_273] {strides = array<i32>} : memref<32x1024xf32, #tpu.memory_space<vmem>>, vector<16xf32>,
            tpu.vector_store %arg12[%swap3A_272, %swap3A_273], %mul3A_271 {strides = array<i32>} : memref<32x1024xf32, #tpu.memory_space<vmem>>, vector<16xf32>,
            %get3A_275 = arith.index_cast %scan3A_165 : i32 to index
            %get3A_276 = arith.constant 208 : index
            %get3A_277 = tpu.vector_load %arg12[%get3A_275, %get3A_276] {strides = array<i32>} : memref<32x1024xf32, #tpu.memory_space<vmem>>, vector<16xf32>,
            %mul3A_278 = vector.broadcast %select_n3A_172 : f32 to vector<16xf32>
            %mul3A_279 = arith.mulf %get3A_277, %mul3A_278 : vector<16xf32>
            %swap3A_280 = arith.index_cast %scan3A_165 : i32 to index
            %swap3A_281 = arith.constant 208 : index
            %swap3A_282 = tpu.vector_load %arg12[%swap3A_280, %swap3A_281] {strides = array<i32>} : memref<32x1024xf32, #tpu.memory_space<vmem>>, vector<16xf32>,
            tpu.vector_store %arg12[%swap3A_280, %swap3A_281], %mul3A_279 {strides = array<i32>} : memref<32x1024xf32, #tpu.memory_space<vmem>>, vector<16xf32>,
            %get3A_283 = arith.index_cast %scan3A_165 : i32 to index
            %get3A_284 = arith.constant 224 : index
            %get3A_285 = tpu.vector_load %arg12[%get3A_283, %get3A_284] {strides = array<i32>} : memref<32x1024xf32, #tpu.memory_space<vmem>>, vector<16xf32>,
            %mul3A_286 = vector.broadcast %select_n3A_172 : f32 to vector<16xf32>
            %mul3A_287 = arith.mulf %get3A_285, %mul3A_286 : vector<16xf32>
            %swap3A_288 = arith.index_cast %scan3A_165 : i32 to index
            %swap3A_289 = arith.constant 224 : index
            %swap3A_290 = tpu.vector_load %arg12[%swap3A_288, %swap3A_289] {strides = array<i32>} : memref<32x1024xf32, #tpu.memory_space<vmem>>, vector<16xf32>,
            tpu.vector_store %arg12[%swap3A_288, %swap3A_289], %mul3A_287 {strides = array<i32>} : memref<32x1024xf32, #tpu.memory_space<vmem>>, vector<16xf32>,
            %get3A_291 = arith.index_cast %scan3A_165 : i32 to index
            %get3A_292 = arith.constant 240 : index
            %get3A_293 = tpu.vector_load %arg12[%get3A_291, %get3A_292] {strides = array<i32>} : memref<32x1024xf32, #tpu.memory_space<vmem>>, vector<16xf32>,
            %mul3A_294 = vector.broadcast %select_n3A_172 : f32 to vector<16xf32>
            %mul3A_295 = arith.mulf %get3A_293, %mul3A_294 : vector<16xf32>
            %swap3A_296 = arith.index_cast %scan3A_165 : i32 to index
            %swap3A_297 = arith.constant 240 : index
            %swap3A_298 = tpu.vector_load %arg12[%swap3A_296, %swap3A_297] {strides = array<i32>} : memref<32x1024xf32, #tpu.memory_space<vmem>>, vector<16xf32>,
            tpu.vector_store %arg12[%swap3A_296, %swap3A_297], %mul3A_295 {strides = array<i32>} : memref<32x1024xf32, #tpu.memory_space<vmem>>, vector<16xf32>,
            %get3A_299 = arith.index_cast %scan3A_165 : i32 to index
            %get3A_300 = arith.constant 256 : index
            %get3A_301 = tpu.vector_load %arg12[%get3A_299, %get3A_300] {strides = array<i32>} : memref<32x1024xf32, #tpu.memory_space<vmem>>, vector<16xf32>,
            %mul3A_302 = vector.broadcast %select_n3A_172 : f32 to vector<16xf32>
            %mul3A_303 = arith.mulf %get3A_301, %mul3A_302 : vector<16xf32>
            %swap3A_304 = arith.index_cast %scan3A_165 : i32 to index
            %swap3A_305 = arith.constant 256 : index
            %swap3A_306 = tpu.vector_load %arg12[%swap3A_304, %swap3A_305] {strides = array<i32>} : memref<32x1024xf32, #tpu.memory_space<vmem>>, vector<16xf32>,
            tpu.vector_store %arg12[%swap3A_304, %swap3A_305], %mul3A_303 {strides = array<i32>} : memref<32x1024xf32, #tpu.memory_space<vmem>>, vector<16xf32>,
            %get3A_307 = arith.index_cast %scan3A_165 : i32 to index
            %get3A_308 = arith.constant 272 : index
            %get3A_309 = tpu.vector_load %arg12[%get3A_307, %get3A_308] {strides = array<i32>} : memref<32x1024xf32, #tpu.memory_space<vmem>>, vector<16xf32>,
            %mul3A_310 = vector.broadcast %select_n3A_172 : f32 to vector<16xf32>
            %mul3A_311 = arith.mulf %get3A_309, %mul3A_310 : vector<16xf32>
            %swap3A_312 = arith.index_cast %scan3A_165 : i32 to index
            %swap3A_313 = arith.constant 272 : index
            %swap3A_314 = tpu.vector_load %arg12[%swap3A_312, %swap3A_313] {strides = array<i32>} : memref<32x1024xf32, #tpu.memory_space<vmem>>, vector<16xf32>,
            tpu.vector_store %arg12[%swap3A_312, %swap3A_313], %mul3A_311 {strides = array<i32>} : memref<32x1024xf32, #tpu.memory_space<vmem>>, vector<16xf32>,
            %get3A_315 = arith.index_cast %scan3A_165 : i32 to index
            %get3A_316 = arith.constant 288 : index
            %get3A_317 = tpu.vector_load %arg12[%get3A_315, %get3A_316] {strides = array<i32>} : memref<32x1024xf32, #tpu.memory_space<vmem>>, vector<16xf32>,
            %mul3A_318 = vector.broadcast %select_n3A_172 : f32 to vector<16xf32>
            %mul3A_319 = arith.mulf %get3A_317, %mul3A_318 : vector<16xf32>
            %swap3A_320 = arith.index_cast %scan3A_165 : i32 to index
            %swap3A_321 = arith.constant 288 : index
            %swap3A_322 = tpu.vector_load %arg12[%swap3A_320, %swap3A_321] {strides = array<i32>} : memref<32x1024xf32, #tpu.memory_space<vmem>>, vector<16xf32>,
            tpu.vector_store %arg12[%swap3A_320, %swap3A_321], %mul3A_319 {strides = array<i32>} : memref<32x1024xf32, #tpu.memory_space<vmem>>, vector<16xf32>,
            %get3A_323 = arith.index_cast %scan3A_165 : i32 to index
            %get3A_324 = arith.constant 304 : index
            %get3A_325 = tpu.vector_load %arg12[%get3A_323, %get3A_324] {strides = array<i32>} : memref<32x1024xf32, #tpu.memory_space<vmem>>, vector<16xf32>,
            %mul3A_326 = vector.broadcast %select_n3A_172 : f32 to vector<16xf32>
            %mul3A_327 = arith.mulf %get3A_325, %mul3A_326 : vector<16xf32>
            %swap3A_328 = arith.index_cast %scan3A_165 : i32 to index
            %swap3A_329 = arith.constant 304 : index
            %swap3A_330 = tpu.vector_load %arg12[%swap3A_328, %swap3A_329] {strides = array<i32>} : memref<32x1024xf32, #tpu.memory_space<vmem>>, vector<16xf32>,
            tpu.vector_store %arg12[%swap3A_328, %swap3A_329], %mul3A_327 {strides = array<i32>} : memref<32x1024xf32, #tpu.memory_space<vmem>>, vector<16xf32>,
            %get3A_331 = arith.index_cast %scan3A_165 : i32 to index
            %get3A_332 = arith.constant 320 : index
            %get3A_333 = tpu.vector_load %arg12[%get3A_331, %get3A_332] {strides = array<i32>} : memref<32x1024xf32, #tpu.memory_space<vmem>>, vector<16xf32>,
            %mul3A_334 = vector.broadcast %select_n3A_172 : f32 to vector<16xf32>
            %mul3A_335 = arith.mulf %get3A_333, %mul3A_334 : vector<16xf32>
            %swap3A_336 = arith.index_cast %scan3A_165 : i32 to index
            %swap3A_337 = arith.constant 320 : index
            %swap3A_338 = tpu.vector_load %arg12[%swap3A_336, %swap3A_337] {strides = array<i32>} : memref<32x1024xf32, #tpu.memory_space<vmem>>, vector<16xf32>,
            tpu.vector_store %arg12[%swap3A_336, %swap3A_337], %mul3A_335 {strides = array<i32>} : memref<32x1024xf32, #tpu.memory_space<vmem>>, vector<16xf32>,
            %get3A_339 = arith.index_cast %scan3A_165 : i32 to index
            %get3A_340 = arith.constant 336 : index
            %get3A_341 = tpu.vector_load %arg12[%get3A_339, %get3A_340] {strides = array<i32>} : memref<32x1024xf32, #tpu.memory_space<vmem>>, vector<16xf32>,
            %mul3A_342 = vector.broadcast %select_n3A_172 : f32 to vector<16xf32>
            %mul3A_343 = arith.mulf %get3A_341, %mul3A_342 : vector<16xf32>
            %swap3A_344 = arith.index_cast %scan3A_165 : i32 to index
            %swap3A_345 = arith.constant 336 : index
            %swap3A_346 = tpu.vector_load %arg12[%swap3A_344, %swap3A_345] {strides = array<i32>} : memref<32x1024xf32, #tpu.memory_space<vmem>>, vector<16xf32>,
            tpu.vector_store %arg12[%swap3A_344, %swap3A_345], %mul3A_343 {strides = array<i32>} : memref<32x1024xf32, #tpu.memory_space<vmem>>, vector<16xf32>,
            %get3A_347 = arith.index_cast %scan3A_165 : i32 to index
            %get3A_348 = arith.constant 352 : index
            %get3A_349 = tpu.vector_load %arg12[%get3A_347, %get3A_348] {strides = array<i32>} : memref<32x1024xf32, #tpu.memory_space<vmem>>, vector<16xf32>,
            %mul3A_350 = vector.broadcast %select_n3A_172 : f32 to vector<16xf32>
            %mul3A_351 = arith.mulf %get3A_349, %mul3A_350 : vector<16xf32>
            %swap3A_352 = arith.index_cast %scan3A_165 : i32 to index
            %swap3A_353 = arith.constant 352 : index
            %swap3A_354 = tpu.vector_load %arg12[%swap3A_352, %swap3A_353] {strides = array<i32>} : memref<32x1024xf32, #tpu.memory_space<vmem>>, vector<16xf32>,
            tpu.vector_store %arg12[%swap3A_352, %swap3A_353], %mul3A_351 {strides = array<i32>} : memref<32x1024xf32, #tpu.memory_space<vmem>>, vector<16xf32>,
            %get3A_355 = arith.index_cast %scan3A_165 : i32 to index
            %get3A_356 = arith.constant 368 : index
            %get3A_357 = tpu.vector_load %arg12[%get3A_355, %get3A_356] {strides = array<i32>} : memref<32x1024xf32, #tpu.memory_space<vmem>>, vector<16xf32>,
            %mul3A_358 = vector.broadcast %select_n3A_172 : f32 to vector<16xf32>
            %mul3A_359 = arith.mulf %get3A_357, %mul3A_358 : vector<16xf32>
            %swap3A_360 = arith.index_cast %scan3A_165 : i32 to index
            %swap3A_361 = arith.constant 368 : index
            %swap3A_362 = tpu.vector_load %arg12[%swap3A_360, %swap3A_361] {strides = array<i32>} : memref<32x1024xf32, #tpu.memory_space<vmem>>, vector<16xf32>,
            tpu.vector_store %arg12[%swap3A_360, %swap3A_361], %mul3A_359 {strides = array<i32>} : memref<32x1024xf32, #tpu.memory_space<vmem>>, vector<16xf32>,
            %get3A_363 = arith.index_cast %scan3A_165 : i32 to index
            %get3A_364 = arith.constant 384 : index
            %get3A_365 = tpu.vector_load %arg12[%get3A_363, %get3A_364] {strides = array<i32>} : memref<32x1024xf32, #tpu.memory_space<vmem>>, vector<16xf32>,
            %mul3A_366 = vector.broadcast %select_n3A_172 : f32 to vector<16xf32>
            %mul3A_367 = arith.mulf %get3A_365, %mul3A_366 : vector<16xf32>
            %swap3A_368 = arith.index_cast %scan3A_165 : i32 to index
            %swap3A_369 = arith.constant 384 : index
            %swap3A_370 = tpu.vector_load %arg12[%swap3A_368, %swap3A_369] {strides = array<i32>} : memref<32x1024xf32, #tpu.memory_space<vmem>>, vector<16xf32>,
            tpu.vector_store %arg12[%swap3A_368, %swap3A_369], %mul3A_367 {strides = array<i32>} : memref<32x1024xf32, #tpu.memory_space<vmem>>, vector<16xf32>,
            %get3A_371 = arith.index_cast %scan3A_165 : i32 to index
            %get3A_372 = arith.constant 400 : index
            %get3A_373 = tpu.vector_load %arg12[%get3A_371, %get3A_372] {strides = array<i32>} : memref<32x1024xf32, #tpu.memory_space<vmem>>, vector<16xf32>,
            %mul3A_374 = vector.broadcast %select_n3A_172 : f32 to vector<16xf32>
            %mul3A_375 = arith.mulf %get3A_373, %mul3A_374 : vector<16xf32>
            %swap3A_376 = arith.index_cast %scan3A_165 : i32 to index
            %swap3A_377 = arith.constant 400 : index
            %swap3A_378 = tpu.vector_load %arg12[%swap3A_376, %swap3A_377] {strides = array<i32>} : memref<32x1024xf32, #tpu.memory_space<vmem>>, vector<16xf32>,
            tpu.vector_store %arg12[%swap3A_376, %swap3A_377], %mul3A_375 {strides = array<i32>} : memref<32x1024xf32, #tpu.memory_space<vmem>>, vector<16xf32>,
            %get3A_379 = arith.index_cast %scan3A_165 : i32 to index
            %get3A_380 = arith.constant 416 : index
            %get3A_381 = tpu.vector_load %arg12[%get3A_379, %get3A_380] {strides = array<i32>} : memref<32x1024xf32, #tpu.memory_space<vmem>>, vector<16xf32>,
            %mul3A_382 = vector.broadcast %select_n3A_172 : f32 to vector<16xf32>
            %mul3A_383 = arith.mulf %get3A_381, %mul3A_382 : vector<16xf32>
            %swap3A_384 = arith.index_cast %scan3A_165 : i32 to index
            %swap3A_385 = arith.constant 416 : index
            %swap3A_386 = tpu.vector_load %arg12[%swap3A_384, %swap3A_385] {strides = array<i32>} : memref<32x1024xf32, #tpu.memory_space<vmem>>, vector<16xf32>,
            tpu.vector_store %arg12[%swap3A_384, %swap3A_385], %mul3A_383 {strides = array<i32>} : memref<32x1024xf32, #tpu.memory_space<vmem>>, vector<16xf32>,
            %get3A_387 = arith.index_cast %scan3A_165 : i32 to index
            %get3A_388 = arith.constant 432 : index
            %get3A_389 = tpu.vector_load %arg12[%get3A_387, %get3A_388] {strides = array<i32>} : memref<32x1024xf32, #tpu.memory_space<vmem>>, vector<16xf32>,
            %mul3A_390 = vector.broadcast %select_n3A_172 : f32 to vector<16xf32>
            %mul3A_391 = arith.mulf %get3A_389, %mul3A_390 : vector<16xf32>
            %swap3A_392 = arith.index_cast %scan3A_165 : i32 to index
            %swap3A_393 = arith.constant 432 : index
            %swap3A_394 = tpu.vector_load %arg12[%swap3A_392, %swap3A_393] {strides = array<i32>} : memref<32x1024xf32, #tpu.memory_space<vmem>>, vector<16xf32>,
            tpu.vector_store %arg12[%swap3A_392, %swap3A_393], %mul3A_391 {strides = array<i32>} : memref<32x1024xf32, #tpu.memory_space<vmem>>, vector<16xf32>,
            %get3A_395 = arith.index_cast %scan3A_165 : i32 to index
            %get3A_396 = arith.constant 448 : index
            %get3A_397 = tpu.vector_load %arg12[%get3A_395, %get3A_396] {strides = array<i32>} : memref<32x1024xf32, #tpu.memory_space<vmem>>, vector<16xf32>,
            %mul3A_398 = vector.broadcast %select_n3A_172 : f32 to vector<16xf32>
            %mul3A_399 = arith.mulf %get3A_397, %mul3A_398 : vector<16xf32>
            %swap3A_400 = arith.index_cast %scan3A_165 : i32 to index
            %swap3A_401 = arith.constant 448 : index
            %swap3A_402 = tpu.vector_load %arg12[%swap3A_400, %swap3A_401] {strides = array<i32>} : memref<32x1024xf32, #tpu.memory_space<vmem>>, vector<16xf32>,
            tpu.vector_store %arg12[%swap3A_400, %swap3A_401], %mul3A_399 {strides = array<i32>} : memref<32x1024xf32, #tpu.memory_space<vmem>>, vector<16xf32>,
            %get3A_403 = arith.index_cast %scan3A_165 : i32 to index
            %get3A_404 = arith.constant 464 : index
            %get3A_405 = tpu.vector_load %arg12[%get3A_403, %get3A_404] {strides = array<i32>} : memref<32x1024xf32, #tpu.memory_space<vmem>>, vector<16xf32>,
            %mul3A_406 = vector.broadcast %select_n3A_172 : f32 to vector<16xf32>
            %mul3A_407 = arith.mulf %get3A_405, %mul3A_406 : vector<16xf32>
            %swap3A_408 = arith.index_cast %scan3A_165 : i32 to index
            %swap3A_409 = arith.constant 464 : index
            %swap3A_410 = tpu.vector_load %arg12[%swap3A_408, %swap3A_409] {strides = array<i32>} : memref<32x1024xf32, #tpu.memory_space<vmem>>, vector<16xf32>,
            tpu.vector_store %arg12[%swap3A_408, %swap3A_409], %mul3A_407 {strides = array<i32>} : memref<32x1024xf32, #tpu.memory_space<vmem>>, vector<16xf32>,
            %get3A_411 = arith.index_cast %scan3A_165 : i32 to index
            %get3A_412 = arith.constant 480 : index
            %get3A_413 = tpu.vector_load %arg12[%get3A_411, %get3A_412] {strides = array<i32>} : memref<32x1024xf32, #tpu.memory_space<vmem>>, vector<16xf32>,
            %mul3A_414 = vector.broadcast %select_n3A_172 : f32 to vector<16xf32>
            %mul3A_415 = arith.mulf %get3A_413, %mul3A_414 : vector<16xf32>
            %swap3A_416 = arith.index_cast %scan3A_165 : i32 to index
            %swap3A_417 = arith.constant 480 : index
            %swap3A_418 = tpu.vector_load %arg12[%swap3A_416, %swap3A_417] {strides = array<i32>} : memref<32x1024xf32, #tpu.memory_space<vmem>>, vector<16xf32>,
            tpu.vector_store %arg12[%swap3A_416, %swap3A_417], %mul3A_415 {strides = array<i32>} : memref<32x1024xf32, #tpu.memory_space<vmem>>, vector<16xf32>,
            %get3A_419 = arith.index_cast %scan3A_165 : i32 to index
            %get3A_420 = arith.constant 496 : index
            %get3A_421 = tpu.vector_load %arg12[%get3A_419, %get3A_420] {strides = array<i32>} : memref<32x1024xf32, #tpu.memory_space<vmem>>, vector<16xf32>,
            %mul3A_422 = vector.broadcast %select_n3A_172 : f32 to vector<16xf32>
            %mul3A_423 = arith.mulf %get3A_421, %mul3A_422 : vector<16xf32>
            %swap3A_424 = arith.index_cast %scan3A_165 : i32 to index
            %swap3A_425 = arith.constant 496 : index
            %swap3A_426 = tpu.vector_load %arg12[%swap3A_424, %swap3A_425] {strides = array<i32>} : memref<32x1024xf32, #tpu.memory_space<vmem>>, vector<16xf32>,
            tpu.vector_store %arg12[%swap3A_424, %swap3A_425], %mul3A_423 {strides = array<i32>} : memref<32x1024xf32, #tpu.memory_space<vmem>>, vector<16xf32>,
            %get3A_427 = arith.index_cast %scan3A_165 : i32 to index
            %get3A_428 = arith.constant 512 : index
            %get3A_429 = tpu.vector_load %arg12[%get3A_427, %get3A_428] {strides = array<i32>} : memref<32x1024xf32, #tpu.memory_space<vmem>>, vector<16xf32>,
            %mul3A_430 = vector.broadcast %select_n3A_172 : f32 to vector<16xf32>
            %mul3A_431 = arith.mulf %get3A_429, %mul3A_430 : vector<16xf32>
            %swap3A_432 = arith.index_cast %scan3A_165 : i32 to index
            %swap3A_433 = arith.constant 512 : index
            %swap3A_434 = tpu.vector_load %arg12[%swap3A_432, %swap3A_433] {strides = array<i32>} : memref<32x1024xf32, #tpu.memory_space<vmem>>, vector<16xf32>,
            tpu.vector_store %arg12[%swap3A_432, %swap3A_433], %mul3A_431 {strides = array<i32>} : memref<32x1024xf32, #tpu.memory_space<vmem>>, vector<16xf32>,
            %get3A_435 = arith.index_cast %scan3A_165 : i32 to index
            %get3A_436 = arith.constant 528 : index
            %get3A_437 = tpu.vector_load %arg12[%get3A_435, %get3A_436] {strides = array<i32>} : memref<32x1024xf32, #tpu.memory_space<vmem>>, vector<16xf32>,
            %mul3A_438 = vector.broadcast %select_n3A_172 : f32 to vector<16xf32>
            %mul3A_439 = arith.mulf %get3A_437, %mul3A_438 : vector<16xf32>
            %swap3A_440 = arith.index_cast %scan3A_165 : i32 to index
            %swap3A_441 = arith.constant 528 : index
            %swap3A_442 = tpu.vector_load %arg12[%swap3A_440, %swap3A_441] {strides = array<i32>} : memref<32x1024xf32, #tpu.memory_space<vmem>>, vector<16xf32>,
            tpu.vector_store %arg12[%swap3A_440, %swap3A_441], %mul3A_439 {strides = array<i32>} : memref<32x1024xf32, #tpu.memory_space<vmem>>, vector<16xf32>,
            %get3A_443 = arith.index_cast %scan3A_165 : i32 to index
            %get3A_444 = arith.constant 544 : index
            %get3A_445 = tpu.vector_load %arg12[%get3A_443, %get3A_444] {strides = array<i32>} : memref<32x1024xf32, #tpu.memory_space<vmem>>, vector<16xf32>,
            %mul3A_446 = vector.broadcast %select_n3A_172 : f32 to vector<16xf32>
            %mul3A_447 = arith.mulf %get3A_445, %mul3A_446 : vector<16xf32>
            %swap3A_448 = arith.index_cast %scan3A_165 : i32 to index
            %swap3A_449 = arith.constant 544 : index
            %swap3A_450 = tpu.vector_load %arg12[%swap3A_448, %swap3A_449] {strides = array<i32>} : memref<32x1024xf32, #tpu.memory_space<vmem>>, vector<16xf32>,
            tpu.vector_store %arg12[%swap3A_448, %swap3A_449], %mul3A_447 {strides = array<i32>} : memref<32x1024xf32, #tpu.memory_space<vmem>>, vector<16xf32>,
            %get3A_451 = arith.index_cast %scan3A_165 : i32 to index
            %get3A_452 = arith.constant 560 : index
            %get3A_453 = tpu.vector_load %arg12[%get3A_451, %get3A_452] {strides = array<i32>} : memref<32x1024xf32, #tpu.memory_space<vmem>>, vector<16xf32>,
            %mul3A_454 = vector.broadcast %select_n3A_172 : f32 to vector<16xf32>
            %mul3A_455 = arith.mulf %get3A_453, %mul3A_454 : vector<16xf32>
            %swap3A_456 = arith.index_cast %scan3A_165 : i32 to index
            %swap3A_457 = arith.constant 560 : index
            %swap3A_458 = tpu.vector_load %arg12[%swap3A_456, %swap3A_457] {strides = array<i32>} : memref<32x1024xf32, #tpu.memory_space<vmem>>, vector<16xf32>,
            tpu.vector_store %arg12[%swap3A_456, %swap3A_457], %mul3A_455 {strides = array<i32>} : memref<32x1024xf32, #tpu.memory_space<vmem>>, vector<16xf32>,
            %get3A_459 = arith.index_cast %scan3A_165 : i32 to index
            %get3A_460 = arith.constant 576 : index
            %get3A_461 = tpu.vector_load %arg12[%get3A_459, %get3A_460] {strides = array<i32>} : memref<32x1024xf32, #tpu.memory_space<vmem>>, vector<16xf32>,
            %mul3A_462 = vector.broadcast %select_n3A_172 : f32 to vector<16xf32>
            %mul3A_463 = arith.mulf %get3A_461, %mul3A_462 : vector<16xf32>
            %swap3A_464 = arith.index_cast %scan3A_165 : i32 to index
            %swap3A_465 = arith.constant 576 : index
            %swap3A_466 = tpu.vector_load %arg12[%swap3A_464, %swap3A_465] {strides = array<i32>} : memref<32x1024xf32, #tpu.memory_space<vmem>>, vector<16xf32>,
            tpu.vector_store %arg12[%swap3A_464, %swap3A_465], %mul3A_463 {strides = array<i32>} : memref<32x1024xf32, #tpu.memory_space<vmem>>, vector<16xf32>,
            %get3A_467 = arith.index_cast %scan3A_165 : i32 to index
            %get3A_468 = arith.constant 592 : index
            %get3A_469 = tpu.vector_load %arg12[%get3A_467, %get3A_468] {strides = array<i32>} : memref<32x1024xf32, #tpu.memory_space<vmem>>, vector<16xf32>,
            %mul3A_470 = vector.broadcast %select_n3A_172 : f32 to vector<16xf32>
            %mul3A_471 = arith.mulf %get3A_469, %mul3A_470 : vector<16xf32>
            %swap3A_472 = arith.index_cast %scan3A_165 : i32 to index
            %swap3A_473 = arith.constant 592 : index
            %swap3A_474 = tpu.vector_load %arg12[%swap3A_472, %swap3A_473] {strides = array<i32>} : memref<32x1024xf32, #tpu.memory_space<vmem>>, vector<16xf32>,
            tpu.vector_store %arg12[%swap3A_472, %swap3A_473], %mul3A_471 {strides = array<i32>} : memref<32x1024xf32, #tpu.memory_space<vmem>>, vector<16xf32>,
            %get3A_475 = arith.index_cast %scan3A_165 : i32 to index
            %get3A_476 = arith.constant 608 : index
            %get3A_477 = tpu.vector_load %arg12[%get3A_475, %get3A_476] {strides = array<i32>} : memref<32x1024xf32, #tpu.memory_space<vmem>>, vector<16xf32>,
            %mul3A_478 = vector.broadcast %select_n3A_172 : f32 to vector<16xf32>
            %mul3A_479 = arith.mulf %get3A_477, %mul3A_478 : vector<16xf32>
            %swap3A_480 = arith.index_cast %scan3A_165 : i32 to index
            %swap3A_481 = arith.constant 608 : index
            %swap3A_482 = tpu.vector_load %arg12[%swap3A_480, %swap3A_481] {strides = array<i32>} : memref<32x1024xf32, #tpu.memory_space<vmem>>, vector<16xf32>,
            tpu.vector_store %arg12[%swap3A_480, %swap3A_481], %mul3A_479 {strides = array<i32>} : memref<32x1024xf32, #tpu.memory_space<vmem>>, vector<16xf32>,
            %get3A_483 = arith.index_cast %scan3A_165 : i32 to index
            %get3A_484 = arith.constant 624 : index
            %get3A_485 = tpu.vector_load %arg12[%get3A_483, %get3A_484] {strides = array<i32>} : memref<32x1024xf32, #tpu.memory_space<vmem>>, vector<16xf32>,
            %mul3A_486 = vector.broadcast %select_n3A_172 : f32 to vector<16xf32>
            %mul3A_487 = arith.mulf %get3A_485, %mul3A_486 : vector<16xf32>
            %swap3A_488 = arith.index_cast %scan3A_165 : i32 to index
            %swap3A_489 = arith.constant 624 : index
            %swap3A_490 = tpu.vector_load %arg12[%swap3A_488, %swap3A_489] {strides = array<i32>} : memref<32x1024xf32, #tpu.memory_space<vmem>>, vector<16xf32>,
            tpu.vector_store %arg12[%swap3A_488, %swap3A_489], %mul3A_487 {strides = array<i32>} : memref<32x1024xf32, #tpu.memory_space<vmem>>, vector<16xf32>,
            %get3A_491 = arith.index_cast %scan3A_165 : i32 to index
            %get3A_492 = arith.constant 640 : index
            %get3A_493 = tpu.vector_load %arg12[%get3A_491, %get3A_492] {strides = array<i32>} : memref<32x1024xf32, #tpu.memory_space<vmem>>, vector<16xf32>,
            %mul3A_494 = vector.broadcast %select_n3A_172 : f32 to vector<16xf32>
            %mul3A_495 = arith.mulf %get3A_493, %mul3A_494 : vector<16xf32>
            %swap3A_496 = arith.index_cast %scan3A_165 : i32 to index
            %swap3A_497 = arith.constant 640 : index
            %swap3A_498 = tpu.vector_load %arg12[%swap3A_496, %swap3A_497] {strides = array<i32>} : memref<32x1024xf32, #tpu.memory_space<vmem>>, vector<16xf32>,
            tpu.vector_store %arg12[%swap3A_496, %swap3A_497], %mul3A_495 {strides = array<i32>} : memref<32x1024xf32, #tpu.memory_space<vmem>>, vector<16xf32>,
            %get3A_499 = arith.index_cast %scan3A_165 : i32 to index
            %get3A_500 = arith.constant 656 : index
            %get3A_501 = tpu.vector_load %arg12[%get3A_499, %get3A_500] {strides = array<i32>} : memref<32x1024xf32, #tpu.memory_space<vmem>>, vector<16xf32>,
            %mul3A_502 = vector.broadcast %select_n3A_172 : f32 to vector<16xf32>
            %mul3A_503 = arith.mulf %get3A_501, %mul3A_502 : vector<16xf32>
            %swap3A_504 = arith.index_cast %scan3A_165 : i32 to index
            %swap3A_505 = arith.constant 656 : index
            %swap3A_506 = tpu.vector_load %arg12[%swap3A_504, %swap3A_505] {strides = array<i32>} : memref<32x1024xf32, #tpu.memory_space<vmem>>, vector<16xf32>,
            tpu.vector_store %arg12[%swap3A_504, %swap3A_505], %mul3A_503 {strides = array<i32>} : memref<32x1024xf32, #tpu.memory_space<vmem>>, vector<16xf32>,
            %get3A_507 = arith.index_cast %scan3A_165 : i32 to index
            %get3A_508 = arith.constant 672 : index
            %get3A_509 = tpu.vector_load %arg12[%get3A_507, %get3A_508] {strides = array<i32>} : memref<32x1024xf32, #tpu.memory_space<vmem>>, vector<16xf32>,
            %mul3A_510 = vector.broadcast %select_n3A_172 : f32 to vector<16xf32>
            %mul3A_511 = arith.mulf %get3A_509, %mul3A_510 : vector<16xf32>
            %swap3A_512 = arith.index_cast %scan3A_165 : i32 to index
            %swap3A_513 = arith.constant 672 : index
            %swap3A_514 = tpu.vector_load %arg12[%swap3A_512, %swap3A_513] {strides = array<i32>} : memref<32x1024xf32, #tpu.memory_space<vmem>>, vector<16xf32>,
            tpu.vector_store %arg12[%swap3A_512, %swap3A_513], %mul3A_511 {strides = array<i32>} : memref<32x1024xf32, #tpu.memory_space<vmem>>, vector<16xf32>,
            %get3A_515 = arith.index_cast %scan3A_165 : i32 to index
            %get3A_516 = arith.constant 688 : index
            %get3A_517 = tpu.vector_load %arg12[%get3A_515, %get3A_516] {strides = array<i32>} : memref<32x1024xf32, #tpu.memory_space<vmem>>, vector<16xf32>,
            %mul3A_518 = vector.broadcast %select_n3A_172 : f32 to vector<16xf32>
            %mul3A_519 = arith.mulf %get3A_517, %mul3A_518 : vector<16xf32>
            %swap3A_520 = arith.index_cast %scan3A_165 : i32 to index
            %swap3A_521 = arith.constant 688 : index
            %swap3A_522 = tpu.vector_load %arg12[%swap3A_520, %swap3A_521] {strides = array<i32>} : memref<32x1024xf32, #tpu.memory_space<vmem>>, vector<16xf32>,
            tpu.vector_store %arg12[%swap3A_520, %swap3A_521], %mul3A_519 {strides = array<i32>} : memref<32x1024xf32, #tpu.memory_space<vmem>>, vector<16xf32>,
            %get3A_523 = arith.index_cast %scan3A_165 : i32 to index
            %get3A_524 = arith.constant 704 : index
            %get3A_525 = tpu.vector_load %arg12[%get3A_523, %get3A_524] {strides = array<i32>} : memref<32x1024xf32, #tpu.memory_space<vmem>>, vector<16xf32>,
            %mul3A_526 = vector.broadcast %select_n3A_172 : f32 to vector<16xf32>
            %mul3A_527 = arith.mulf %get3A_525, %mul3A_526 : vector<16xf32>
            %swap3A_528 = arith.index_cast %scan3A_165 : i32 to index
            %swap3A_529 = arith.constant 704 : index
            %swap3A_530 = tpu.vector_load %arg12[%swap3A_528, %swap3A_529] {strides = array<i32>} : memref<32x1024xf32, #tpu.memory_space<vmem>>, vector<16xf32>,
            tpu.vector_store %arg12[%swap3A_528, %swap3A_529], %mul3A_527 {strides = array<i32>} : memref<32x1024xf32, #tpu.memory_space<vmem>>, vector<16xf32>,
            %get3A_531 = arith.index_cast %scan3A_165 : i32 to index
            %get3A_532 = arith.constant 720 : index
            %get3A_533 = tpu.vector_load %arg12[%get3A_531, %get3A_532] {strides = array<i32>} : memref<32x1024xf32, #tpu.memory_space<vmem>>, vector<16xf32>,
            %mul3A_534 = vector.broadcast %select_n3A_172 : f32 to vector<16xf32>
            %mul3A_535 = arith.mulf %get3A_533, %mul3A_534 : vector<16xf32>
            %swap3A_536 = arith.index_cast %scan3A_165 : i32 to index
            %swap3A_537 = arith.constant 720 : index
            %swap3A_538 = tpu.vector_load %arg12[%swap3A_536, %swap3A_537] {strides = array<i32>} : memref<32x1024xf32, #tpu.memory_space<vmem>>, vector<16xf32>,
            tpu.vector_store %arg12[%swap3A_536, %swap3A_537], %mul3A_535 {strides = array<i32>} : memref<32x1024xf32, #tpu.memory_space<vmem>>, vector<16xf32>,
            %get3A_539 = arith.index_cast %scan3A_165 : i32 to index
            %get3A_540 = arith.constant 736 : index
            %get3A_541 = tpu.vector_load %arg12[%get3A_539, %get3A_540] {strides = array<i32>} : memref<32x1024xf32, #tpu.memory_space<vmem>>, vector<16xf32>,
            %mul3A_542 = vector.broadcast %select_n3A_172 : f32 to vector<16xf32>
            %mul3A_543 = arith.mulf %get3A_541, %mul3A_542 : vector<16xf32>
            %swap3A_544 = arith.index_cast %scan3A_165 : i32 to index
            %swap3A_545 = arith.constant 736 : index
            %swap3A_546 = tpu.vector_load %arg12[%swap3A_544, %swap3A_545] {strides = array<i32>} : memref<32x1024xf32, #tpu.memory_space<vmem>>, vector<16xf32>,
            tpu.vector_store %arg12[%swap3A_544, %swap3A_545], %mul3A_543 {strides = array<i32>} : memref<32x1024xf32, #tpu.memory_space<vmem>>, vector<16xf32>,
            %get3A_547 = arith.index_cast %scan3A_165 : i32 to index
            %get3A_548 = arith.constant 752 : index
            %get3A_549 = tpu.vector_load %arg12[%get3A_547, %get3A_548] {strides = array<i32>} : memref<32x1024xf32, #tpu.memory_space<vmem>>, vector<16xf32>,
            %mul3A_550 = vector.broadcast %select_n3A_172 : f32 to vector<16xf32>
            %mul3A_551 = arith.mulf %get3A_549, %mul3A_550 : vector<16xf32>
            %swap3A_552 = arith.index_cast %scan3A_165 : i32 to index
            %swap3A_553 = arith.constant 752 : index
            %swap3A_554 = tpu.vector_load %arg12[%swap3A_552, %swap3A_553] {strides = array<i32>} : memref<32x1024xf32, #tpu.memory_space<vmem>>, vector<16xf32>,
            tpu.vector_store %arg12[%swap3A_552, %swap3A_553], %mul3A_551 {strides = array<i32>} : memref<32x1024xf32, #tpu.memory_space<vmem>>, vector<16xf32>,
            %get3A_555 = arith.index_cast %scan3A_165 : i32 to index
            %get3A_556 = arith.constant 768 : index
            %get3A_557 = tpu.vector_load %arg12[%get3A_555, %get3A_556] {strides = array<i32>} : memref<32x1024xf32, #tpu.memory_space<vmem>>, vector<16xf32>,
            %mul3A_558 = vector.broadcast %select_n3A_172 : f32 to vector<16xf32>
            %mul3A_559 = arith.mulf %get3A_557, %mul3A_558 : vector<16xf32>
            %swap3A_560 = arith.index_cast %scan3A_165 : i32 to index
            %swap3A_561 = arith.constant 768 : index
            %swap3A_562 = tpu.vector_load %arg12[%swap3A_560, %swap3A_561] {strides = array<i32>} : memref<32x1024xf32, #tpu.memory_space<vmem>>, vector<16xf32>,
            tpu.vector_store %arg12[%swap3A_560, %swap3A_561], %mul3A_559 {strides = array<i32>} : memref<32x1024xf32, #tpu.memory_space<vmem>>, vector<16xf32>,
            %get3A_563 = arith.index_cast %scan3A_165 : i32 to index
            %get3A_564 = arith.constant 784 : index
            %get3A_565 = tpu.vector_load %arg12[%get3A_563, %get3A_564] {strides = array<i32>} : memref<32x1024xf32, #tpu.memory_space<vmem>>, vector<16xf32>,
            %mul3A_566 = vector.broadcast %select_n3A_172 : f32 to vector<16xf32>
            %mul3A_567 = arith.mulf %get3A_565, %mul3A_566 : vector<16xf32>
            %swap3A_568 = arith.index_cast %scan3A_165 : i32 to index
            %swap3A_569 = arith.constant 784 : index
            %swap3A_570 = tpu.vector_load %arg12[%swap3A_568, %swap3A_569] {strides = array<i32>} : memref<32x1024xf32, #tpu.memory_space<vmem>>, vector<16xf32>,
            tpu.vector_store %arg12[%swap3A_568, %swap3A_569], %mul3A_567 {strides = array<i32>} : memref<32x1024xf32, #tpu.memory_space<vmem>>, vector<16xf32>,
            %get3A_571 = arith.index_cast %scan3A_165 : i32 to index
            %get3A_572 = arith.constant 800 : index
            %get3A_573 = tpu.vector_load %arg12[%get3A_571, %get3A_572] {strides = array<i32>} : memref<32x1024xf32, #tpu.memory_space<vmem>>, vector<16xf32>,
            %mul3A_574 = vector.broadcast %select_n3A_172 : f32 to vector<16xf32>
            %mul3A_575 = arith.mulf %get3A_573, %mul3A_574 : vector<16xf32>
            %swap3A_576 = arith.index_cast %scan3A_165 : i32 to index
            %swap3A_577 = arith.constant 800 : index
            %swap3A_578 = tpu.vector_load %arg12[%swap3A_576, %swap3A_577] {strides = array<i32>} : memref<32x1024xf32, #tpu.memory_space<vmem>>, vector<16xf32>,
            tpu.vector_store %arg12[%swap3A_576, %swap3A_577], %mul3A_575 {strides = array<i32>} : memref<32x1024xf32, #tpu.memory_space<vmem>>, vector<16xf32>,
            %get3A_579 = arith.index_cast %scan3A_165 : i32 to index
            %get3A_580 = arith.constant 816 : index
            %get3A_581 = tpu.vector_load %arg12[%get3A_579, %get3A_580] {strides = array<i32>} : memref<32x1024xf32, #tpu.memory_space<vmem>>, vector<16xf32>,
            %mul3A_582 = vector.broadcast %select_n3A_172 : f32 to vector<16xf32>
            %mul3A_583 = arith.mulf %get3A_581, %mul3A_582 : vector<16xf32>
            %swap3A_584 = arith.index_cast %scan3A_165 : i32 to index
            %swap3A_585 = arith.constant 816 : index
            %swap3A_586 = tpu.vector_load %arg12[%swap3A_584, %swap3A_585] {strides = array<i32>} : memref<32x1024xf32, #tpu.memory_space<vmem>>, vector<16xf32>,
            tpu.vector_store %arg12[%swap3A_584, %swap3A_585], %mul3A_583 {strides = array<i32>} : memref<32x1024xf32, #tpu.memory_space<vmem>>, vector<16xf32>,
            %get3A_587 = arith.index_cast %scan3A_165 : i32 to index
            %get3A_588 = arith.constant 832 : index
            %get3A_589 = tpu.vector_load %arg12[%get3A_587, %get3A_588] {strides = array<i32>} : memref<32x1024xf32, #tpu.memory_space<vmem>>, vector<16xf32>,
            %mul3A_590 = vector.broadcast %select_n3A_172 : f32 to vector<16xf32>
            %mul3A_591 = arith.mulf %get3A_589, %mul3A_590 : vector<16xf32>
            %swap3A_592 = arith.index_cast %scan3A_165 : i32 to index
            %swap3A_593 = arith.constant 832 : index
            %swap3A_594 = tpu.vector_load %arg12[%swap3A_592, %swap3A_593] {strides = array<i32>} : memref<32x1024xf32, #tpu.memory_space<vmem>>, vector<16xf32>,
            tpu.vector_store %arg12[%swap3A_592, %swap3A_593], %mul3A_591 {strides = array<i32>} : memref<32x1024xf32, #tpu.memory_space<vmem>>, vector<16xf32>,
            %get3A_595 = arith.index_cast %scan3A_165 : i32 to index
            %get3A_596 = arith.constant 848 : index
            %get3A_597 = tpu.vector_load %arg12[%get3A_595, %get3A_596] {strides = array<i32>} : memref<32x1024xf32, #tpu.memory_space<vmem>>, vector<16xf32>,
            %mul3A_598 = vector.broadcast %select_n3A_172 : f32 to vector<16xf32>
            %mul3A_599 = arith.mulf %get3A_597, %mul3A_598 : vector<16xf32>
            %swap3A_600 = arith.index_cast %scan3A_165 : i32 to index
            %swap3A_601 = arith.constant 848 : index
            %swap3A_602 = tpu.vector_load %arg12[%swap3A_600, %swap3A_601] {strides = array<i32>} : memref<32x1024xf32, #tpu.memory_space<vmem>>, vector<16xf32>,
            tpu.vector_store %arg12[%swap3A_600, %swap3A_601], %mul3A_599 {strides = array<i32>} : memref<32x1024xf32, #tpu.memory_space<vmem>>, vector<16xf32>,
            %get3A_603 = arith.index_cast %scan3A_165 : i32 to index
            %get3A_604 = arith.constant 864 : index
            %get3A_605 = tpu.vector_load %arg12[%get3A_603, %get3A_604] {strides = array<i32>} : memref<32x1024xf32, #tpu.memory_space<vmem>>, vector<16xf32>,
            %mul3A_606 = vector.broadcast %select_n3A_172 : f32 to vector<16xf32>
            %mul3A_607 = arith.mulf %get3A_605, %mul3A_606 : vector<16xf32>
            %swap3A_608 = arith.index_cast %scan3A_165 : i32 to index
            %swap3A_609 = arith.constant 864 : index
            %swap3A_610 = tpu.vector_load %arg12[%swap3A_608, %swap3A_609] {strides = array<i32>} : memref<32x1024xf32, #tpu.memory_space<vmem>>, vector<16xf32>,
            tpu.vector_store %arg12[%swap3A_608, %swap3A_609], %mul3A_607 {strides = array<i32>} : memref<32x1024xf32, #tpu.memory_space<vmem>>, vector<16xf32>,
            %get3A_611 = arith.index_cast %scan3A_165 : i32 to index
            %get3A_612 = arith.constant 880 : index
            %get3A_613 = tpu.vector_load %arg12[%get3A_611, %get3A_612] {strides = array<i32>} : memref<32x1024xf32, #tpu.memory_space<vmem>>, vector<16xf32>,
            %mul3A_614 = vector.broadcast %select_n3A_172 : f32 to vector<16xf32>
            %mul3A_615 = arith.mulf %get3A_613, %mul3A_614 : vector<16xf32>
            %swap3A_616 = arith.index_cast %scan3A_165 : i32 to index
            %swap3A_617 = arith.constant 880 : index
            %swap3A_618 = tpu.vector_load %arg12[%swap3A_616, %swap3A_617] {strides = array<i32>} : memref<32x1024xf32, #tpu.memory_space<vmem>>, vector<16xf32>,
            tpu.vector_store %arg12[%swap3A_616, %swap3A_617], %mul3A_615 {strides = array<i32>} : memref<32x1024xf32, #tpu.memory_space<vmem>>, vector<16xf32>,
            %get3A_619 = arith.index_cast %scan3A_165 : i32 to index
            %get3A_620 = arith.constant 896 : index
            %get3A_621 = tpu.vector_load %arg12[%get3A_619, %get3A_620] {strides = array<i32>} : memref<32x1024xf32, #tpu.memory_space<vmem>>, vector<16xf32>,
            %mul3A_622 = vector.broadcast %select_n3A_172 : f32 to vector<16xf32>
            %mul3A_623 = arith.mulf %get3A_621, %mul3A_622 : vector<16xf32>
            %swap3A_624 = arith.index_cast %scan3A_165 : i32 to index
            %swap3A_625 = arith.constant 896 : index
            %swap3A_626 = tpu.vector_load %arg12[%swap3A_624, %swap3A_625] {strides = array<i32>} : memref<32x1024xf32, #tpu.memory_space<vmem>>, vector<16xf32>,
            tpu.vector_store %arg12[%swap3A_624, %swap3A_625], %mul3A_623 {strides = array<i32>} : memref<32x1024xf32, #tpu.memory_space<vmem>>, vector<16xf32>,
            %get3A_627 = arith.index_cast %scan3A_165 : i32 to index
            %get3A_628 = arith.constant 912 : index
            %get3A_629 = tpu.vector_load %arg12[%get3A_627, %get3A_628] {strides = array<i32>} : memref<32x1024xf32, #tpu.memory_space<vmem>>, vector<16xf32>,
            %mul3A_630 = vector.broadcast %select_n3A_172 : f32 to vector<16xf32>
            %mul3A_631 = arith.mulf %get3A_629, %mul3A_630 : vector<16xf32>
            %swap3A_632 = arith.index_cast %scan3A_165 : i32 to index
            %swap3A_633 = arith.constant 912 : index
            %swap3A_634 = tpu.vector_load %arg12[%swap3A_632, %swap3A_633] {strides = array<i32>} : memref<32x1024xf32, #tpu.memory_space<vmem>>, vector<16xf32>,
            tpu.vector_store %arg12[%swap3A_632, %swap3A_633], %mul3A_631 {strides = array<i32>} : memref<32x1024xf32, #tpu.memory_space<vmem>>, vector<16xf32>,
            %get3A_635 = arith.index_cast %scan3A_165 : i32 to index
            %get3A_636 = arith.constant 928 : index
            %get3A_637 = tpu.vector_load %arg12[%get3A_635, %get3A_636] {strides = array<i32>} : memref<32x1024xf32, #tpu.memory_space<vmem>>, vector<16xf32>,
            %mul3A_638 = vector.broadcast %select_n3A_172 : f32 to vector<16xf32>
            %mul3A_639 = arith.mulf %get3A_637, %mul3A_638 : vector<16xf32>
            %swap3A_640 = arith.index_cast %scan3A_165 : i32 to index
            %swap3A_641 = arith.constant 928 : index
            %swap3A_642 = tpu.vector_load %arg12[%swap3A_640, %swap3A_641] {strides = array<i32>} : memref<32x1024xf32, #tpu.memory_space<vmem>>, vector<16xf32>,
            tpu.vector_store %arg12[%swap3A_640, %swap3A_641], %mul3A_639 {strides = array<i32>} : memref<32x1024xf32, #tpu.memory_space<vmem>>, vector<16xf32>,
            %get3A_643 = arith.index_cast %scan3A_165 : i32 to index
            %get3A_644 = arith.constant 944 : index
            %get3A_645 = tpu.vector_load %arg12[%get3A_643, %get3A_644] {strides = array<i32>} : memref<32x1024xf32, #tpu.memory_space<vmem>>, vector<16xf32>,
            %mul3A_646 = vector.broadcast %select_n3A_172 : f32 to vector<16xf32>
            %mul3A_647 = arith.mulf %get3A_645, %mul3A_646 : vector<16xf32>
            %swap3A_648 = arith.index_cast %scan3A_165 : i32 to index
            %swap3A_649 = arith.constant 944 : index
            %swap3A_650 = tpu.vector_load %arg12[%swap3A_648, %swap3A_649] {strides = array<i32>} : memref<32x1024xf32, #tpu.memory_space<vmem>>, vector<16xf32>,
            tpu.vector_store %arg12[%swap3A_648, %swap3A_649], %mul3A_647 {strides = array<i32>} : memref<32x1024xf32, #tpu.memory_space<vmem>>, vector<16xf32>,
            %get3A_651 = arith.index_cast %scan3A_165 : i32 to index
            %get3A_652 = arith.constant 960 : index
            %get3A_653 = tpu.vector_load %arg12[%get3A_651, %get3A_652] {strides = array<i32>} : memref<32x1024xf32, #tpu.memory_space<vmem>>, vector<16xf32>,
            %mul3A_654 = vector.broadcast %select_n3A_172 : f32 to vector<16xf32>
            %mul3A_655 = arith.mulf %get3A_653, %mul3A_654 : vector<16xf32>
            %swap3A_656 = arith.index_cast %scan3A_165 : i32 to index
            %swap3A_657 = arith.constant 960 : index
            %swap3A_658 = tpu.vector_load %arg12[%swap3A_656, %swap3A_657] {strides = array<i32>} : memref<32x1024xf32, #tpu.memory_space<vmem>>, vector<16xf32>,
            tpu.vector_store %arg12[%swap3A_656, %swap3A_657], %mul3A_655 {strides = array<i32>} : memref<32x1024xf32, #tpu.memory_space<vmem>>, vector<16xf32>,
            %get3A_659 = arith.index_cast %scan3A_165 : i32 to index
            %get3A_660 = arith.constant 976 : index
            %get3A_661 = tpu.vector_load %arg12[%get3A_659, %get3A_660] {strides = array<i32>} : memref<32x1024xf32, #tpu.memory_space<vmem>>, vector<16xf32>,
            %mul3A_662 = vector.broadcast %select_n3A_172 : f32 to vector<16xf32>
            %mul3A_663 = arith.mulf %get3A_661, %mul3A_662 : vector<16xf32>
            %swap3A_664 = arith.index_cast %scan3A_165 : i32 to index
            %swap3A_665 = arith.constant 976 : index
            %swap3A_666 = tpu.vector_load %arg12[%swap3A_664, %swap3A_665] {strides = array<i32>} : memref<32x1024xf32, #tpu.memory_space<vmem>>, vector<16xf32>,
            tpu.vector_store %arg12[%swap3A_664, %swap3A_665], %mul3A_663 {strides = array<i32>} : memref<32x1024xf32, #tpu.memory_space<vmem>>, vector<16xf32>,
            %get3A_667 = arith.index_cast %scan3A_165 : i32 to index
            %get3A_668 = arith.constant 992 : index
            %get3A_669 = tpu.vector_load %arg12[%get3A_667, %get3A_668] {strides = array<i32>} : memref<32x1024xf32, #tpu.memory_space<vmem>>, vector<16xf32>,
            %mul3A_670 = vector.broadcast %select_n3A_172 : f32 to vector<16xf32>
            %mul3A_671 = arith.mulf %get3A_669, %mul3A_670 : vector<16xf32>
            %swap3A_672 = arith.index_cast %scan3A_165 : i32 to index
            %swap3A_673 = arith.constant 992 : index
            %swap3A_674 = tpu.vector_load %arg12[%swap3A_672, %swap3A_673] {strides = array<i32>} : memref<32x1024xf32, #tpu.memory_space<vmem>>, vector<16xf32>,
            tpu.vector_store %arg12[%swap3A_672, %swap3A_673], %mul3A_671 {strides = array<i32>} : memref<32x1024xf32, #tpu.memory_space<vmem>>, vector<16xf32>,
            %get3A_675 = arith.index_cast %scan3A_165 : i32 to index
            %get3A_676 = arith.constant 1008 : index
            %get3A_677 = tpu.vector_load %arg12[%get3A_675, %get3A_676] {strides = array<i32>} : memref<32x1024xf32, #tpu.memory_space<vmem>>, vector<16xf32>,
            %mul3A_678 = vector.broadcast %select_n3A_172 : f32 to vector<16xf32>
            %mul3A_679 = arith.mulf %get3A_677, %mul3A_678 : vector<16xf32>
            %swap3A_680 = arith.index_cast %scan3A_165 : i32 to index
            %swap3A_681 = arith.constant 1008 : index
            %swap3A_682 = tpu.vector_load %arg12[%swap3A_680, %swap3A_681] {strides = array<i32>} : memref<32x1024xf32, #tpu.memory_space<vmem>>, vector<16xf32>,
            tpu.vector_store %arg12[%swap3A_680, %swap3A_681], %mul3A_679 {strides = array<i32>} : memref<32x1024xf32, #tpu.memory_space<vmem>>, vector<16xf32>,
          }
          %scan3A_164 = arith.constant 32 : i32
        } else {
        }
        %mul3A_150 = arith.constant 1024 : i32
        %mul3A_151 = arith.muli %select_n3A_30, %mul3A_150 : i32
        %add3A_152 = arith.addi %mul3A_37, %mul3A_151 : i32
        %mul3A_153 = arith.constant 32 : i32
        %mul3A_154 = arith.muli %add3A_108, %mul3A_153 : i32
        %add3A_155 = arith.addi %add3A_152, %mul3A_154 : i32
        %dma_start3A = arith.constant 0 : i32
        %dma_start3A_156 = tpu.memref_slice %arg4[%add3A_155, %dma_start3A] : memref<32768x1024xf32, #tpu.memory_space<hbm>> -> memref<32x1024xf32, #tpu.memory_space<hbm>>
        %dma_start3A_157 = arith.constant 0 : i32
        %dma_start3A_158 = tpu.memref_slice %arg4[%add3A_155, %dma_start3A_157] : memref<32768x1024xf32, #tpu.memory_space<hbm>> -> memref<32x1024xf32, #tpu.memory_space<hbm>>
        tpu.enqueue_dma source(%arg12 : memref<32x1024xf32, #tpu.memory_space<vmem>>) target(%dma_start3A_158 : memref<32x1024xf32, #tpu.memory_space<hbm>>) target_semaphore(%arg17 : memref<!tpu.dma_semaphore, #tpu.memory_space<semaphore_mem>>)
      } else {
      }
      %mul3A_133 = arith.constant 32 : i32
      %mul3A_134 = arith.muli %add3A_108, %mul3A_133 : i32
      %ge3A_135 = arith.cmpi sge, %mul3A_134, %min3A : i32
      %convert_element_type3A_136 = arith.extui %ge3A_135 : i1 to i32
      %cond3A_137 = arith.constant 0 : i32
      %cond3A_138 = arith.cmpi ne, %convert_element_type3A_136, %cond3A_137 : i32
      scf.if %cond3A_138 {
        %mul3A_139 = arith.constant 1024 : i32
        %mul3A_140 = arith.muli %select_n3A_30, %mul3A_139 : i32
        %add3A_141 = arith.addi %mul3A_37, %mul3A_140 : i32
        %mul3A_142 = arith.constant 32 : i32
        %mul3A_143 = arith.muli %add3A_108, %mul3A_142 : i32
        %add3A_144 = arith.addi %add3A_141, %mul3A_143 : i32
        %dma_start3A = arith.constant 0 : i32
        %dma_start3A_145 = tpu.memref_slice %arg4[%add3A_144, %dma_start3A] : memref<32768x1024xf32, #tpu.memory_space<hbm>> -> memref<32x1024xf32, #tpu.memory_space<hbm>>
        %dma_start3A_146 = arith.constant 0 : i32
        %dma_start3A_147 = tpu.memref_slice %arg4[%add3A_144, %dma_start3A_146] : memref<32768x1024xf32, #tpu.memory_space<hbm>> -> memref<32x1024xf32, #tpu.memory_space<hbm>>
        tpu.enqueue_dma source(%arg13 : memref<32x1024xf32, #tpu.memory_space<vmem>>) target(%dma_start3A_147 : memref<32x1024xf32, #tpu.memory_space<hbm>>) target_semaphore(%arg17 : memref<!tpu.dma_semaphore, #tpu.memory_space<semaphore_mem>>)
      } else {
      }
    }
    %scan3A_62 = arith.constant 16 : i32
    %mul3A_63 = arith.constant 1024 : i32
    %mul3A_64 = arith.muli %select_n3A_30, %mul3A_63 : i32
    %add3A_65 = arith.addi %mul3A_37, %mul3A_64 : i32
    %add3A_66 = arith.constant 992 : i32
    %add3A_67 = arith.addi %add3A_65, %add3A_66 : i32
    %dma_wait3A = arith.constant 0 : i32
    %dma_wait3A_68 = tpu.memref_slice %arg4[%add3A_67, %dma_wait3A] : memref<32768x1024xf32, #tpu.memory_space<hbm>> -> memref<32x1024xf32, #tpu.memory_space<hbm>>
    %dma_wait3A_69 = arith.constant 0 : i32
    %dma_wait3A_70 = tpu.memref_slice %arg4[%add3A_67, %dma_wait3A_69] : memref<32768x1024xf32, #tpu.memory_space<hbm>> -> memref<32x1024xf32, #tpu.memory_space<hbm>>
    tpu.wait_dma2 semaphore(%arg17 : memref<!tpu.dma_semaphore, #tpu.memory_space<semaphore_mem>>) src(%arg12 : memref<32x1024xf32, #tpu.memory_space<vmem>>) dst(%dma_wait3A_70 : memref<32x1024xf32, #tpu.memory_space<hbm>>)
    return
  }
}

</mosaic_0001>

<sc_bundles>
// kernel: kernel.3.cloned.1.call-start
scs
__scs_entry_jumppad:
0x0: {  	(pc) =	sbr.rel $0x88, $3  }
0x1: {  	(tag) =	ssettag $0x0;
	lr =	simm.s32 $0x1  }
0x2: {  	[smem:$0x3F9F] =	sst lr;
	_ =	strace $0xD0000000  }
0x3: {  	_ = 	snop  }
0x4: {  	_ = 	snop  }
0x5: {  	_ = 	snop  }
0x6: {  	_ = 	snop  }
0x7: {  	_ = 	snop  }
__scs_overlays_trampoline_lowered:
0x8: {  	[smem:$0x3FAE] =	sst s0  }
0x9: {  	[smem:$0x3FAF] =	sst s1  }
0xa: {  	[smem:$0x3FB0] =	sst s2  }
0xb: {  	[smem:$0x3FB1] =	sst s3  }
0xc: {  	[smem:$0x3FB2] =	sst s4  }
0xd: {  	[smem:$0x3FB3] =	sst s5  }
0xe: {  	[smem:$0x3FB4] =	sst s6  }
0xf: {  	[smem:$0x3FB5] =	sst s7  }
0x10: {  	[smem:$0x3FB6] =	sst s8  }
0x11: {  	[smem:$0x3FB7] =	sst s9;
	s0 =	simm.s32 @!p0 $0x0  }
0x12: {  	s1 =	sld [smem:$0x3F9D];
	s0 =	simm.s32 @p0 $0x1  }
0x13: {  	[smem:$0x3FB8] =	sst s0;
	s0 =	simm.s32 @!p1 $0x0  }
0x14: {  	s2 =	sld [smem:$0x3F9C];
	s0 =	simm.s32 @p1 $0x1  }
0x15: {  	[smem:$0x3FB9] =	sst s0;
	s0 =	simm.s32 @!p2 $0x0  }
0x16: {  	s3 =	sld [smem:$0x3FDB];
	s0 =	simm.s32 @p2 $0x1  }
0x17: {  	s4 =	simm.s32 $0x1BF5;
	[smem:$0x3FBB] =	sst s0  }
0x18: {  	s0 =	sld [smem:$0x3F9E];
	_ =	swait.ge [sflag:s4], $0x0  }
0x19: {  	s7 =	sld [smem:$0x3F9F]  }
0x1a: {  	s8 =	sadd.s32 $0xFFFFE003, lr  }
0x1b: {  	s9 =	sadd.s32 $0xFFFFFEF7, lr;
	s5 =	simm.s32 $0xFFFFFFFF;
	p2 =	slt.u32 s8, $0xFFFFF086  }
0x1c: {  	p1 =	slt.u32 s9, $0xF7A;
	s5 =	simm.s32 @!p2 $0x0  }
0x1d: {  	s5 =	simm.s32 @p1 $0x1;
	p0 =	seq.s32 s7, s2  }
0x1e: {  	s7 =	smul.u32 @!p0 $0xF7A, s2;
	p2 =	seq.s32 @!p0 s5, $0x0  }
0x1f: {  	s9 =	smul.u32 $0xF7A, s1;
	s8 =	simm.s32 @!p0 $0x1BF5;
	p2 =	por !p2, p0  }
0x20: {  	[sflag:s8] =	ssyncset.s32 @!p0 $0xFFFFF086;
	s6 =	sadd.s32 @!p0 s3, s7;
	s7 =	simm.s32 @!p0 $0x108  }
0x21: {  	s3 =	sadd.s32 s3, s9;
	s6 =	sadd.s32 @!p0 $0x88, s6;
	s7 =	simm.s32 @p2 $0x1082  }
0x22: {  	[simem:s7], [sflag:s8] =	dma.local @!p0 [hbm:s6], $0xF7A  }
0x23: {  	s9 =	sor.u32 $0xD0000000, s2;
	s6 =	simm.s32 $0x108;
	_ =	swait.ge @!p0 [sflag:s8], $0x0  }
0x24: {  	s3 =	sadd.s32 $0x88, s3;
	s6 =	simm.s32 @!p1 $0x1082;
	[sflag:s4] =	ssyncset.s32 $0xFFFFF086  }
0x25: {  	[simem:s6], [sflag:s4] =	dma.local [hbm:s3], $0xF7A  }
0x26: {  	[smem:$0x3F9F] =	sst s1;
	(tag) =	ssettag s2;
	_ =	strace s9  }
0x27: {  	s1 =	sld [smem:$0x3FAF]  }
0x28: {  	s2 =	sld [smem:$0x3FB0]  }
0x29: {  	s4 =	sld [smem:$0x3FB2]  }
0x2a: {  	p0 =	seq.s32 s5, $0x0;
	s5 =	sld [smem:$0x3FB3]  }
0x2b: {  	s6 =	sld [smem:$0x3FB4]  }
0x2c: {  	s7 =	sld [smem:$0x3FB5]  }
0x2d: {  	s3 =	simm.s32 $0x108;
	s8 =	sld [smem:$0x3FB6]  }
0x2e: {  	s3 =	simm.s32 @!p0 $0x1082;
	s9 =	sld [smem:$0x3FB7]  }
0x2f: {  	lr =	sadd.s32 s0, s3;
	s0 =	sld [smem:$0x3FAE]  }
0x30: {  	s3 =	sld [smem:$0x3FB1]  }
0x31: {  	[smem:$0x3FBA] =	sst s10  }
0x32: {  	s10 =	sld [smem:$0x3FB8];
	_ =	sdelay $0x3  }
0x33: {  	p0 =	seq.s32 s10, $0x1;
	s10 =	sld [smem:$0x3FBA];
	_ =	sdelay $0x3  }
0x34: {  	[smem:$0x3FBA] =	sst s10  }
0x35: {  	s10 =	sld [smem:$0x3FB9];
	_ =	sdelay $0x3  }
0x36: {  	p1 =	seq.s32 s10, $0x1;
	s10 =	sld [smem:$0x3FBA];
	_ =	sdelay $0x3  }
0x37: {  	[smem:$0x3FBA] =	sst s10  }
0x38: {  	s10 =	sld [smem:$0x3FBB]  }
0x39: {  	_ = 	snop;
	(pc) =	sbr.ind lr, $3  }
0x3a: {  	_ = 	snop  }
0x3b: {  	_ = 	snop  }
0x3c: {  	p2 =	seq.s32 s10, $0x1;
	s10 =	sld [smem:$0x3FBA]  }
0x3d: {  	_ =	shalt  }
0x3e: {  	_ =	shalt  }
0x3f: {  	_ =	shalt  }
0x40: {  	_ =	shalt  }
0x41: {  	_ =	shalt  }
0x42: {  	_ =	shalt  }
0x43: {  	_ =	shalt  }
0x44: {  	_ =	shalt  }
0x45: {  	_ =	shalt  }
0x46: {  	_ =	shalt  }
0x47: {  	_ =	shalt  }
0x48: {  	_ =	shalt  }
0x49: {  	_ =	shalt  }
0x4a: {  	_ =	shalt  }
0x4b: {  	_ =	shalt  }
0x4c: {  	_ =	shalt  }
0x4d: {  	_ =	shalt  }
0x4e: {  	_ =	shalt  }
0x4f: {  	_ =	shalt  }
0x50: {  	_ =	shalt  }
0x51: {  	_ =	shalt  }
0x52: {  	_ =	shalt  }
0x53: {  	_ =	shalt  }
0x54: {  	_ =	shalt  }
0x55: {  	_ =	shalt  }
0x56: {  	_ =	shalt  }
0x57: {  	_ =	shalt  }
0x58: {  	_ =	shalt  }
0x59: {  	_ =	shalt  }
0x5a: {  	_ =	shalt  }
0x5b: {  	_ =	shalt  }
0x5c: {  	_ =	shalt  }
0x5d: {  	_ =	shalt  }
0x5e: {  	_ =	shalt  }
0x5f: {  	_ =	shalt  }
0x60: {  	_ =	shalt  }
0x61: {  	_ =	shalt  }
0x62: {  	_ =	shalt  }
0x63: {  	_ =	shalt  }
0x64: {  	_ =	shalt  }
0x65: {  	_ =	shalt  }
0x66: {  	_ =	shalt  }
0x67: {  	_ =	shalt  }
0x68: {  	_ =	shalt  }
0x69: {  	_ =	shalt  }
0x6a: {  	_ =	shalt  }
0x6b: {  	_ =	shalt  }
0x6c: {  	_ =	shalt  }
0x6d: {  	_ =	shalt  }
0x6e: {  	_ =	shalt  }
0x6f: {  	_ =	shalt  }
0x70: {  	_ =	shalt  }
0x71: {  	_ =	shalt  }
0x72: {  	_ =	shalt  }
0x73: {  	_ =	shalt  }
0x74: {  	_ =	shalt  }
0x75: {  	_ =	shalt  }
0x76: {  	_ =	shalt  }
0x77: {  	_ =	shalt  }
0x78: {  	_ =	shalt  }
0x79: {  	_ =	shalt  }
0x7a: {  	_ =	shalt  }
0x7b: {  	_ =	shalt  }
0x7c: {  	_ =	shalt  }
0x7d: {  	_ =	shalt  }
0x7e: {  	_ =	shalt  }
0x7f: {  	_ =	shalt  }
0x80: {  	_ =	shalt  }
0x81: {  	_ =	shalt  }
0x82: {  	_ =	shalt  }
0x83: {  	_ =	shalt  }
0x84: {  	_ =	shalt  }
0x85: {  	_ =	shalt  }
0x86: {  	_ =	shalt  }
0x87: {  	_ =	shalt  }
.Lfunc_end0:
.L_simem_size_0:
called_computation_lowered:
.L_overlay_start_0:
0x88: {  	s2 =	sld [smem:$0x3FD9]  }
0x89: {  	s3 =	sld [smem:$0x3FFE];
	_ =	sdelay $0x1  }
0x8a: {  	s1 =	srdreg.scid  }
0x8b: {  	s0 =	sand.u32 $0x1, s1  }
0x8c: {  	s14 =	sshll.u32 s0, $0xA;
	s2 =	sadd.s32 s3, s2  }
0x8d: {  	s2 =	sadd.s32 s2, s14  }
0x8e: {  	[smem:$0x3FC6] =	sst s2  }
0x8f: {  	_ = 	snop  }
0x90: {  	s2 =	sld [smem:$0x3FD0];
	_ =	sdelay $0x2  }
0x91: {  	s4 =	simm.s32 $0xA;
	s5 =	simm.s32 $0x10;
	s15 =	sld [smem:$0x3FC9]  }
0x92: {  	[smem:s5], [sflag:s4] =	dma.local [hbm:s2], $0x1  }
0x93: {  	_ =	swait.eq [sflag:s4], $0x1  }
0x94: {  	[sflag:s4] =	ssyncset.done $0x0  }
0x95: {  	[sflag:s4] =	ssyncadd.s32 $0xFFFFFFFF  }
0x96: {  	s16 =	sld [smem:$0x10];
	(tm) =	ssettm $0x1  }
0x97: {  	s17 =	sld [smem:$0x3FFB];
	_ =	sdelay $0x3  }
0x98: {  	_ =	strace s17  }
0x99: {  	s4 =	sld [smem:$0x3FFC];
	_ =	sdelay $0x3  }
0x9a: {  	_ =	strace s4  }
0x9b: {  	s4 =	sld [smem:$0x3FFD];
	_ =	sdelay $0x3  }
0x9c: {  	_ =	strace s4  }
0x9d: {  	_ =	strace $0x8FFFFFFF  }
0x9e: {  	s18 =	sld [smem:$0x3FDB];
	_ =	sdelay $0x1  }
0x9f: {  	s19 =	simm.s32 $_scs_section_size  }
0xa0: {  	s6 =	simm.s32 $_size__tile_overlayer_lowered;
	s7 =	simm.s32 $_tile_overlayer_lowered  }
0xa1: {  	s22 =	simm.s32 $0x1BFF;
	s21 =	sshll.u32 s7, $0x1;
	s4 =	sadd.s32 s19, s18  }
0xa2: {  	s8 =	simm.s32 $0x0;
	s20 =	sshll.u32 s6, $0x1;
	s6 =	sadd.s32 s21, s4  }
0xa3: {  	[timem:s8], [sflag:s22] =	dma.local [hbm:s6], s20  }
0xa4: {  	_ =	swait.ge [sflag:s22], s20  }
0xa5: {  	s5 =	ssub.s32 $0x0, s20;
	[sflag:s22] =	ssyncset.done $0x0  }
0xa6: {  	[sflag:s22] =	ssyncadd.s32 s5;
	_ =	sdelay $0x1  }
0xa7: {  	s23 =	simm.s32 $0x1B8B  }
0xa8: {  	_ =	swait.ge [sflag:s23], $0x1  }
0xa9: {  	[sflag:s23] =	ssyncset.done $0x0  }
0xaa: {  	s25 =	simm.s32 $0x1B8E;
	s24 =	sld [smem:$0x3FFE];
	[sflag:s23] =	ssyncadd.s32 $0xFFFFFFFF  }
0xab: {  	s26 =	simm.s32 $execute0_lowered;
	[smem:$0x3FD2] =	sst s25  }
0xac: {  	s6 =	sshll.u32 s26, $0x1;
	_ =	strace $0x80000046;
	[dreg:$0x1] =	wrdreg $0xFFFFFFFF  }
0xad: {  	s28 =	simm.s32 $_size_execute0_lowered;
	s4 =	sadd.s32 s4, s6;
	[dreg:$0x0] =	wrdreg $0x0  }
0xae: {  	s6 =	sshll.u32 s28, $0x1;
	[dreg:$0x2] =	wrdreg s4  }
0xaf: {  	[dreg:$0x3] =	wrdreg s6  }
0xb0: {  	[dreg:$0x4] =	wrdreg $0xC0  }
0xb1: {  	_ =	task [dreg:s8], $0x5FFFF  }
0xb2: {  	[dreg:$0x1] =	wrdreg $0xFFFFFFFF  }
0xb3: {  	[dreg:$0x0] =	wrdreg $0x60  }
0xb4: {  	[dreg:$0x2] =	wrdreg s15  }
0xb5: {  	[dreg:$0x3] =	wrdreg s24  }
0xb6: {  	[dreg:$0x4] =	wrdreg s16  }
0xb7: {  	[dreg:$0x5] =	wrdreg $0x9  }
0xb8: {  	_ =	task.clear_ibuf [dreg:s8], $0x6FFFF;
	_ =	strace $0x90000046  }
0xb9: {  	s29 =	simm.s32 $0x9;
	_ =	strace $0x80000048  }
0xba: {  	_ =	swait.ge [sflag:s29], $0x1  }
0xbb: {  	[sflag:s29] =	ssyncadd.s32 $0xFFFFFFFF  }
0xbc: {  	_ =	strace $0x90000048  }
0xbd: {  	_ =	sfence  }
0xbe: {  	s30 =	sld [smem:$0x0];
	_ =	sdelay $0x2  }
0xbf: {  	s31 =	sshll.u32 s1, $0xD;
	s1 =	sshrl.u32 s1, $0x2  }
0xc0: {  	s3 =	sand.u32 $0x4000, s31;
	s1 =	sadd.s32 s1, s30  }
0xc1: {  	s0 =	sor.u32 s3, s0;
	s1 =	sshll.u32 s1, $0x11  }
0xc2: {  	s0 =	sor.u32 s1, s0  }
0xc3: {  	s0 =	sadd.s32 $0x8F2B, s0  }
0xc4: {  	[sflag:s0] =	ssyncadd.remote.s32 $0x1  }
0xc5: {  	_ =	sfence.sel $0xFFFF  }
0xc6: {  	[dreg:$0x0] =	wrdreg $0xFFFFFFFF;
	(pc) =	sbr.abs _section_cstart, $3  }
0xc7: {  	[dreg:$0x1] =	wrdreg $0xFFFFFFFF  }
0xc8: {  	_ =	task.clear_ibuf [dreg:s8], $0x2FFFF;
	_ =	strace $0x9FFFFFFF  }
0xc9: {  	(tm) =	ssettm $0x7FFFFFFF  }
tec
execute0_lowered:
.L_overlay_start_1:
0x0: {  	(tag) =	ssettag $0x1  }
0x1: {  	s0 =	srdreg.scid  }
0x2: {  	s5 =	stileid.u32;
	s2 =	rddreg [dreg:$0x1];
	s4 =	simm.s32 $0x1  }
0x3: {  	s3 =	rddreg [dreg:$0x2];
	s15 =	simm.s32 $0x3;
	s21 =	simm.s32 $0x5A00  }
0x4: {  	s22 =	simm.s32 $0x6200;
	s23 =	simm.s32 $0x6A00;
	s24 =	simm.s32 $0x7200  }
0x5: {  	s25 =	simm.s32 $0x7A00;
	s28 =	simm.s32 $0x8A00;
	s0 =	sand.u32 $0x1, s0  }
0x6: {  	s1 =	sor.u32 s0, s5;
	p1 =	seq.s32 s0, $0x1;
	s26 =	ssub.s32 $0x2, s0  }
0x7: {  	p0 =	seq.s32 s1, $0x0;
	s1 =	rddreg [dreg:$0x0];
	s9 =	sshrl.u32 s26, $0x1  }
0x8: {  	p0 =	por !p0, !p1;
	s29 =	ssub.s32 s26, s9;
	s9 =	sadd.s32 $0x100, s1  }
0x9: {  	s10 =	sadd.s32 $0x200, s1;
	s11 =	sadd.s32 $0x300, s1;
	p0 =	por !p0, !p0  }
0xa: {  	s26 =	simm.s32 $0x8200;
	s31 =	smax.u32 s29, $0x1;
	s4 =	simm.s32 @!p0 $0x0  }
0xb: {  	p0 =	sne.s32 s0, $0x0;
	s5 =	ssub.s32 s5, s4;
	s4 =	simm.s32 $0x0  }
0xc: {  	s6 =	sshrl.u32 s5, $0x3;
	s7 =	sshll.u32 s5, $0x7;
	[smem:$0x7FF] =	sst s4  }
0xd: {  	s5 =	sshll.u32 s5, $0xB;
	s7 =	sand.u32 $0x380, s7;
	s8 =	sshll.u32 s6, $0xE  }
0xe: {  	_ =	strace $0x80000047;
	s6 =	sshll.u32 s6, $0xA;
	s8 =	sor.u32 s7, s8  }
.Ltmp0:
0xf: {  	s6 =	sor.u32 s7, s6;
	s8 =	sshrl.u32 s8, $0x3;
	(pc) =	sbr.rel .LBB2_1-.Ltmp0, $4  }
0x10: {  	[dreg:$0x5] =	wrdreg s5;
	s6 =	sshrl.u32 s6, $0x3;
	s8 =	sadd.s32 s8, s2  }
0x11: {  	v0 =	vimm.f32 $0.0e+00;
	v1 =	vlaneseq.u32;
	[dreg:$0x7] =	wrdreg s31;
	s2 =	sadd.s32 s6, s2;
	s30 =	sadd.s32 $0x600, s8  }
0x12: {  	vm0 =	vmmov $0xffff;
	v2 =	vor.u32 $0x10, v1;
	v4 =	vshrl.u32 v1, $0x3;
	s2 =	sadd.s32 $0x1600, s2;
	s8 =	sshll.u32 s0, $0xA;
	[dreg:$0x4] =	wrdreg s30  }
0x13: {  	v3 =	vand.u32 $0x7, v1;
	v5 =	vor.u32 $0x8, v1;
	v4 =	vmul.u32 $0x8, v4;
	[dreg:$0x6] =	wrdreg s2;
	s12 =	sor.u32 s5, s8;
	s5 =	simm.s32 $0x0  }
.LBB2_21:
0x14: {  	s2 =	simm.s32 $0x4  }
0x15: {  	_ =	swait.ge [sflag:s2], $0x8000  }
0x16: {  	s5 =	rddreg [dreg:$0x8]  }
0x17: {  	s0 =	rddreg [dreg:$0x7];
	s5 =	sadd.s32 $0x1, s5  }
0x18: {  	p1 =	sne.s32 s5, s0  }
.Ltmp1:
0x19: {  	_ = 	snop;
	(pc) =	sbr.rel @!p1 .LBB2_22-.Ltmp1, $3  }
0x1a: {  	_ =	sdelay $0x1  }
0x1b: {  	[sflag:s2] =	ssyncset.done $0x0  }
0x1c: {  	[sflag:s2] =	ssyncadd.s32 $0xFFFF8000  }
.LBB2_1:
0x1d: {  	[dreg:$0x8] =	wrdreg s5  }
0x1e: {  	s0 =	rddreg [dreg:$0x4];
	s2 =	simm.s32 $0x80  }
0x1f: {  	s30 =	simm.s32 $0x400;
	s6 =	simm.s32 $0x880;
	s31 =	simm.s32 $0x5  }
0x20: {  	[tilespmem:s6], [sflag:$0x5] =	stream.strided.gather [hbm4b:s0+s2], $0x800, s30, s2, $0x38;
	[tilespmem:$0x19200] =	vst v63  }
0x21: {  	_ =	swait.ge [sflag:s31], $0x800  }
0x22: {  	s5 =	simm.s32 $0x0;
	s0 =	simm.s32 $0xFFFF8000;
	[sflag:s31] =	ssyncset.done $0x0  }
0x23: {  	s2 =	simm.s32 $0x0;
	s6 =	simm.s32 $0x0;
	[sflag:s31] =	ssyncadd.s32 $0xFFFFF800  }
.LBB2_2:
0x24: {  	s7 =	sadd.s32 $0x8000, s0  }
0x25: {  	s13 =	sand.u32 $0x380, s6;
	s7 =	sand.u32 $0x6000, s7  }
0x26: {  	s7 =	sor.u32 s13, s7  }
0x27: {  	s13 =	sadd.s32 $0x11200, s7;
	[tilespmem:s7+$0x11200] =	vst v0  }
0x28: {  	[tilespmem:s13+$0x10] =	vst v0  }
0x29: {  	[tilespmem:s13+$0x20] =	vst v0  }
0x2a: {  	[tilespmem:s13+$0x30] =	vst v0  }
0x2b: {  	[tilespmem:s13+$0x40] =	vst v0  }
0x2c: {  	[tilespmem:s13+$0x50] =	vst v0  }
0x2d: {  	[tilespmem:s13+$0x60] =	vst v0  }
0x2e: {  	[tilespmem:s13+$0x70] =	vst v0  }
0x2f: {  	[tilespmem:s13+$0x400] =	vst v0  }
0x30: {  	[tilespmem:s13+$0x410] =	vst v0  }
0x31: {  	[tilespmem:s13+$0x420] =	vst v0  }
0x32: {  	[tilespmem:s13+$0x430] =	vst v0  }
0x33: {  	[tilespmem:s13+$0x440] =	vst v0  }
0x34: {  	[tilespmem:s13+$0x450] =	vst v0  }
0x35: {  	[tilespmem:s13+$0x460] =	vst v0  }
0x36: {  	[tilespmem:s13+$0x470] =	vst v0  }
0x37: {  	[tilespmem:s13+$0x800] =	vst v0  }
0x38: {  	[tilespmem:s13+$0x810] =	vst v0  }
0x39: {  	[tilespmem:s13+$0x820] =	vst v0  }
0x3a: {  	[tilespmem:s13+$0x830] =	vst v0  }
0x3b: {  	[tilespmem:s13+$0x840] =	vst v0  }
0x3c: {  	[tilespmem:s13+$0x850] =	vst v0  }
0x3d: {  	[tilespmem:s13+$0x860] =	vst v0  }
0x3e: {  	[tilespmem:s13+$0x870] =	vst v0  }
0x3f: {  	[tilespmem:s13+$0xC00] =	vst v0  }
0x40: {  	[tilespmem:s13+$0xC10] =	vst v0  }
0x41: {  	[tilespmem:s13+$0xC20] =	vst v0  }
0x42: {  	[tilespmem:s13+$0xC30] =	vst v0  }
0x43: {  	[tilespmem:s13+$0xC40] =	vst v0  }
0x44: {  	[tilespmem:s13+$0xC50] =	vst v0  }
0x45: {  	[tilespmem:s13+$0xC60] =	vst v0  }
0x46: {  	[tilespmem:s13+$0xC70] =	vst v0  }
0x47: {  	[tilespmem:s13+$0x1000] =	vst v0  }
0x48: {  	[tilespmem:s13+$0x1010] =	vst v0  }
0x49: {  	[tilespmem:s13+$0x1020] =	vst v0  }
0x4a: {  	[tilespmem:s13+$0x1030] =	vst v0  }
0x4b: {  	[tilespmem:s13+$0x1040] =	vst v0  }
0x4c: {  	[tilespmem:s13+$0x1050] =	vst v0  }
0x4d: {  	[tilespmem:s13+$0x1060] =	vst v0  }
0x4e: {  	[tilespmem:s13+$0x1070] =	vst v0  }
0x4f: {  	[tilespmem:s13+$0x1400] =	vst v0  }
0x50: {  	[tilespmem:s13+$0x1410] =	vst v0  }
0x51: {  	[tilespmem:s13+$0x1420] =	vst v0  }
0x52: {  	[tilespmem:s13+$0x1430] =	vst v0  }
0x53: {  	[tilespmem:s13+$0x1440] =	vst v0  }
0x54: {  	[tilespmem:s13+$0x1450] =	vst v0  }
0x55: {  	[tilespmem:s13+$0x1460] =	vst v0  }
0x56: {  	[tilespmem:s13+$0x1470] =	vst v0  }
0x57: {  	[tilespmem:s13+$0x1800] =	vst v0  }
0x58: {  	[tilespmem:s13+$0x1810] =	vst v0  }
0x59: {  	[tilespmem:s13+$0x1820] =	vst v0  }
0x5a: {  	[tilespmem:s13+$0x1830] =	vst v0  }
0x5b: {  	s16 =	sand.u32 $0x7, s2;
	[tilespmem:s13+$0x1840] =	vst v0  }
0x5c: {  	s7 =	sshll.u32 s16, $0x7;
	[tilespmem:s13+$0x1850] =	vst v0  }
0x5d: {  	s7 =	sadd.s32 s7, s5;
	[tilespmem:s13+$0x1860] =	vst v0  }
0x5e: {  	[tilespmem:s13+$0x1870] =	vst v0;
	s17 =	sor.u32 $0x1C00, s7  }
0x5f: {  	s18 =	sor.u32 $0x1C10, s7;
	[tilespmem:s17+$0x11200] =	vst v0  }
0x60: {  	s19 =	sor.u32 $0x1C20, s7;
	[tilespmem:s18+$0x11200] =	vst v0  }
0x61: {  	p1 =	sne.s32 s6, $0xF80;
	s20 =	sor.u32 $0x1C30, s7;
	[tilespmem:s19+$0x11200] =	vst v0  }
.Ltmp2:
0x62: {  	s29 =	sor.u32 $0x1C40, s7;
	[tilespmem:s20+$0x11200] =	vst v0;
	(pc) =	sbr.rel @p1 .LBB2_2-.Ltmp2, $4  }
0x63: {  	s30 =	sor.u32 $0x1C50, s7;
	[tilespmem:s29+$0x11200] =	vst v0  }
0x64: {  	s31 =	sor.u32 $0x1C60, s7;
	[tilespmem:s30+$0x11200] =	vst v0  }
0x65: {  	s2 =	sadd.s32 $0x1, s2;
	s7 =	sor.u32 $0x1C70, s7;
	[tilespmem:s31+$0x11200] =	vst v0  }
0x66: {  	s0 =	sadd.s32 $0x400, s0;
	s6 =	sadd.s32 $0x80, s6;
	s5 =	sadd.s32 $0x400, s5;
	[tilespmem:s7+$0x11200] =	vst v0  }
0x67: {  	s0 =	simm.s32 $0x0  }
0x68: {  	v6 =	vld [tilespmem:s0+$0x880];
	_ =	sdelay $0x4  }
0x69: {  	v7 =	vshll.u32 v6, $0x4;
	vm1 =	vgt.s32 v6, $0x0  }
0x6a: {  	s2 =	rddreg [dreg:$0x5];
	v7 =	vsub.s32 v2, v7;
	v6 =	vmpcnt.ones.xlane vm1  }
0x6b: {  	v8 =	vor.u32 s2, v1;
	v7 =	vxor.u32 $0x80000000, v7  }
0x6c: {  	(xrf1) =	vsort.ascd.msk.u32 $0xffff, v7, v8;
	(v2sf) =	vpush v6, $0x0;
	_ =	sdelay $0xd  }
0x6d: {  	s6 =	simm.s32 $0x40;
	s5 =	simm.s32 $0x80;
	s0 =	simm.s32 $0x0;
	_, v6, _ =	vpop (xrf1)  }
.LBB2_4:
0x6e: {  	p1 =	sne.s32 s5, $0x1FC0;
	s6 =	sshra.s32 s6, $0x2;
	[tilespmem:s0+$0x0] =	vst v6;
	s7 =	spop (v2sf)  }
0x6f: {  	v6 =	vld [tilespmem:s6+$0x880];
	s0 =	sadd.s32 s0, s7;
	s6 =	smov.u32 s5;
	_ =	sdelay $0x4  }
0x70: {  	v7 =	vshll.u32 v6, $0x4;
	vm1 =	vgt.s32 v6, $0x0  }
0x71: {  	s2 =	sadd.s32 $0x10, s2;
	v6 =	vsub.s32 v2, v7;
	v7 =	vmpcnt.ones.xlane vm1  }
0x72: {  	v8 =	vor.u32 s2, v1;
	v6 =	vxor.u32 $0x80000000, v6  }
0x73: {  	(xrf1) =	vsort.ascd.msk.u32 $0xffff, v6, v8;
	(v2sf) =	vpush v7, $0x0;
	_ =	sdelay $0x9  }
.Ltmp3:
0x74: {  	(pc) =	sbr.rel @p1 .LBB2_4-.Ltmp3, $2  }
0x75: {  	_ =	sdelay $0x2  }
0x76: {  	s5 =	sadd.s32 $0x40, s5;
	_, v6, _ =	vpop (xrf1)  }
0x77: {  	s5 =	sshra.s32 s6, $0x2;
	[tilespmem:s0+$0x0] =	vst v6  }
0x78: {  	v6 =	vld [tilespmem:s5+$0x880];
	_ =	sdelay $0x4  }
0x79: {  	vm1 =	vgt.s32 v6, $0x0  }
0x7a: {  	v7 =	vmpcnt.ones.xlane vm1  }
0x7b: {  	v6 =	vshll.u32 v6, $0x4  }
0x7c: {  	s2 =	sadd.s32 $0x10, s2;
	v6 =	vsub.s32 v2, v6;
	(v2sf) =	vpush v7, $0x0  }
0x7d: {  	v6 =	vxor.u32 $0x80000000, v6;
	v7 =	vor.u32 s2, v1  }
0x7e: {  	(xrf1) =	vsort.ascd.msk.u32 $0xffff, v6, v7;
	_ =	sdelay $0xb  }
0x7f: {  	s29 =	spop (v2sf)  }
0x80: {  	s30 =	sadd.s32 s0, s29;
	s31 =	spop (v2sf)  }
0x81: {  	_, v6, _ =	vpop (xrf1);
	s2 =	sadd.s32 s30, s31  }
0x82: {  	[tilespmem:s30+$0x0] =	vst v6;
	v6 =	vmov @!p0 s2  }
0x83: {  	s6 =	rddreg [dreg:$0x6];
	s0 =	simm.s32 @!p0 $0x0;
	s5 =	simm.s32 @!p0 $0x1080;
	[tilespmem:$0x1080] =	vst @!p0 v6  }
0x84: {  	[hbm4b:s6+s0] =	stream.linear.scatter @!p0 [tilespmem:s5], [sflag:$0x5], $0x80, $0x38;
	[tilespmem:$0x19200] =	vst v63  }
0x85: {  	s0 =	ssub.s32 s2, s8  }
0x86: {  	p1 =	slt.s32 s0, $0x1  }
.Ltmp4:
0x87: {  	_ = 	snop;
	(pc) =	sbr.rel @p1 .LBB2_7-.Ltmp4, $4  }
0x88: {  	s5 =	simm.s32 @!p0 $0x5  }
0x89: {  	_ =	swait.ge @!p0 [sflag:s5], $0x80  }
0x8a: {  	[sflag:s5] =	ssyncset.done @!p0 $0x0  }
0x8b: {  	[sflag:s5] =	ssyncadd.s32 @!p0 $0xFFFFFF80  }
0x8c: {  	v6 =	vld [tilespmem:s8+$0x0];
	_ =	sdelay $0x4  }
0x8d: {  	vm1 =	vgt.s32 v6, $0x0  }
0x8e: {  	v6 =	vnsel vm1, $0x0, v6  }
0x8f: {  	v6 =	vmin.u32 v6, $0x7FFF  }
0x90: {  	[tilespmem:$0x1100] =	vst v6;
	v7 =	vshll.u32 v6, $0x3  }
0x91: {  	v6 =	vand.u32 $0x7, v6;
	v8 =	vld [tilespmem:s8+$0x10];
	v7 =	vand.u32 $0x3FFC0, v7  }
0x92: {  	v6 =	vor.u32 v6, v7  }
0x93: {  	v7 =	vperm.xlane v6, v3;
	_ =	sdelay $0x1  }
0x94: {  	v7 =	vadd.s32 v4, v7  }
0x95: {  	vm1 =	vgt.s32 v8, $0x0  }
0x96: {  	v8 =	vnsel vm1, $0x0, v8  }
0x97: {  	v8 =	vmin.u32 v8, $0x7FFF  }
0x98: {  	s2 =	simm.s32 $0x1200;
	[tilespmem:$0x1110] =	vst v8  }
0x99: {  	[tilespmem:s2], [sflag:$0x1] =	stream.indirect_vreg.gather [hbm4b:s1+s4], $0x80, v7, vm0, $0xb8;
	[tilespmem:$0x19200] =	vst v63  }
0x9a: {  	s16 =	simm.s32 $0x1A00;
	v6 =	vperm.xlane v6, v5  }
0x9b: {  	[tilespmem:s16], [sflag:$0x1] =	stream.indirect_vreg.gather [hbm4b:s9+s4], $0x80, v7, vm0, $0xb8;
	[tilespmem:$0x19200] =	vst v63  }
0x9c: {  	s17 =	simm.s32 $0x2200;
	v6 =	vadd.s32 v4, v6  }
0x9d: {  	[tilespmem:s17], [sflag:$0x1] =	stream.indirect_vreg.gather [hbm4b:s10+s4], $0x80, v7, vm0, $0xb8;
	[tilespmem:$0x19200] =	vst v63  }
0x9e: {  	s18 =	simm.s32 $0x2A00  }
0x9f: {  	[tilespmem:s18], [sflag:$0x1] =	stream.indirect_vreg.gather [hbm4b:s11+s4], $0x80, v7, vm0, $0xb8;
	[tilespmem:$0x19200] =	vst v63  }
0xa0: {  	s19 =	simm.s32 $0x3200  }
0xa1: {  	[tilespmem:s19], [sflag:$0x1] =	stream.indirect_vreg.gather [hbm4b:s1+s4], $0x80, v6, vm0, $0xb8;
	[tilespmem:$0x19200] =	vst v63  }
0xa2: {  	s20 =	simm.s32 $0x3A00  }
0xa3: {  	[tilespmem:s20], [sflag:$0x1] =	stream.indirect_vreg.gather [hbm4b:s9+s4], $0x80, v6, vm0, $0xb8;
	[tilespmem:$0x19200] =	vst v63  }
0xa4: {  	s29 =	simm.s32 $0x4200  }
0xa5: {  	[tilespmem:s29], [sflag:$0x1] =	stream.indirect_vreg.gather [hbm4b:s10+s4], $0x80, v6, vm0, $0xb8;
	[tilespmem:$0x19200] =	vst v63  }
0xa6: {  	s30 =	simm.s32 $0x4A00  }
0xa7: {  	[tilespmem:s30], [sflag:$0x1] =	stream.indirect_vreg.gather [hbm4b:s11+s4], $0x80, v6, vm0, $0xb8;
	[tilespmem:$0x19200] =	vst v63  }
0xa8: {  	v6 =	vld [tilespmem:$0x1110];
	_ =	sdelay $0x4  }
0xa9: {  	v7 =	vshll.u32 v6, $0x3  }
0xaa: {  	v6 =	vand.u32 $0x7, v6;
	v7 =	vand.u32 $0xFFFFFFC0, v7  }
0xab: {  	v6 =	vor.u32 v6, v7  }
0xac: {  	v7 =	vperm.xlane v6, v3;
	_ =	sdelay $0x1  }
0xad: {  	v7 =	vadd.s32 v4, v7;
	_ =	sdelay $0x3  }
0xae: {  	s31 =	simm.s32 $0x5200  }
0xaf: {  	[tilespmem:s31], [sflag:$0x1] =	stream.indirect_vreg.gather [hbm4b:s1+s4], $0x80, v7, vm0, $0xb8;
	[tilespmem:$0x19200] =	vst v63  }
0xb0: {  	v6 =	vperm.xlane v6, v5  }
0xb1: {  	[tilespmem:s21], [sflag:$0x1] =	stream.indirect_vreg.gather [hbm4b:s9+s4], $0x80, v7, vm0, $0xb8;
	[tilespmem:$0x19200] =	vst v63  }
0xb2: {  	v6 =	vadd.s32 v4, v6  }
0xb3: {  	[tilespmem:s22], [sflag:$0x1] =	stream.indirect_vreg.gather [hbm4b:s10+s4], $0x80, v7, vm0, $0xb8;
	[tilespmem:$0x19200] =	vst v63  }
0xb4: {  	_ = 	snop  }
0xb5: {  	[tilespmem:s23], [sflag:$0x1] =	stream.indirect_vreg.gather [hbm4b:s11+s4], $0x80, v7, vm0, $0xb8;
	[tilespmem:$0x19200] =	vst v63  }
0xb6: {  	_ = 	snop  }
0xb7: {  	[tilespmem:s24], [sflag:$0x1] =	stream.indirect_vreg.gather [hbm4b:s1+s4], $0x80, v6, vm0, $0xb8;
	[tilespmem:$0x19200] =	vst v63  }
0xb8: {  	_ = 	snop  }
0xb9: {  	[tilespmem:s25], [sflag:$0x1] =	stream.indirect_vreg.gather [hbm4b:s9+s4], $0x80, v6, vm0, $0xb8;
	[tilespmem:$0x19200] =	vst v63  }
0xba: {  	_ = 	snop  }
0xbb: {  	[tilespmem:s26], [sflag:$0x1] =	stream.indirect_vreg.gather [hbm4b:s10+s4], $0x80, v6, vm0, $0xb8;
	[tilespmem:$0x19200] =	vst v63  }
0xbc: {  	_ = 	snop  }
0xbd: {  	[tilespmem:s28], [sflag:$0x1] =	stream.indirect_vreg.gather [hbm4b:s11+s4], $0x80, v6, vm0, $0xb8;
	[tilespmem:$0x19200] =	vst v63  }
.LBB2_7:
.Ltmp5:
0xbe: {  	(pc) =	sbr.rel .LBB2_8-.Ltmp5, $4  }
0xbf: {  	_ = 	snop  }
0xc0: {  	p1 =	sgt.s32 s0, $0x0  }
0xc1: {  	s7 =	simm.s32 $0x0;
	s0 =	simm.s32 @!p1 $0x0  }
0xc2: {  	s31 =	simm.s32 $0x20;
	s2 =	simm.s32 $0x0;
	s29 =	smin.u32 s0, $0x400  }
.LBB2_24:
0xc3: {  	s5 =	simm.s32 @!p1 $0x9200  }
0xc4: {  	s5 =	simm.s32 @p1 $0x11200  }
.LBB2_20:
0xc5: {  	s2 =	sadd.s32 $0x1, s2  }
0xc6: {  	p1 =	sne.s32 s2, $0x10  }
.Ltmp6:
0xc7: {  	_ = 	snop;
	(pc) =	sbr.rel @!p1 .LBB2_21-.Ltmp6, $4  }
0xc8: {  	s0 =	sadd.s32 s12, s0  }
0xc9: {  	s0 =	sshll.u32 s0, $0x7  }
0xca: {  	s7 =	sadd.s32 $0x40, s7;
	s31 =	sadd.s32 $0x40, s31;
	s0 =	sadd.s32 s3, s0  }
0xcb: {  	[hbm4b:s0+s4] =	stream.linear.scatter [tilespmem:s5], [sflag:$0x4], $0x8000, $0x38;
	[tilespmem:$0x19200] =	vst v63  }
.LBB2_8:
0xcc: {  	s14 =	sshll.u32 s2, $0x6  }
0xcd: {  	s0 =	sor.u32 $0x20, s14  }
0xce: {  	p1 =	sge.u32 s0, s29  }
.Ltmp7:
0xcf: {  	p2 =	seq.s32 s2, $0x0;
	(pc) =	sbr.rel @p1 .LBB2_10-.Ltmp7, $4  }
0xd0: {  	s5 =	simm.s32 @!p2 $0x4  }
0xd1: {  	_ =	swait.ge @!p2 [sflag:s5], $0x8000  }
0xd2: {  	[sflag:s5] =	ssyncset.done @!p2 $0x0  }
0xd3: {  	[sflag:s5] =	ssyncadd.s32 @!p2 $0xFFFF8000  }
0xd4: {  	s5 =	sand.u32 $0x380, s14  }
0xd5: {  	s6 =	sand.u32 $0x60, s0;
	s5 =	sadd.s32 s5, s8  }
0xd6: {  	s5 =	sadd.s32 s6, s5  }
0xd7: {  	v6 =	vld [tilespmem:s5+$0x0];
	_ =	sdelay $0x4  }
0xd8: {  	vm1 =	vgt.s32 v6, $0x0  }
0xd9: {  	v6 =	vnsel vm1, $0x0, v6  }
0xda: {  	v6 =	vmin.u32 v6, $0x7FFF  }
0xdb: {  	[tilespmem:$0x1180] =	vst v6;
	v7 =	vshll.u32 v6, $0x3  }
0xdc: {  	v6 =	vand.u32 $0x7, v6;
	v8 =	vld [tilespmem:s5+$0x10];
	v7 =	vand.u32 $0x3FFC0, v7  }
0xdd: {  	v6 =	vor.u32 v6, v7  }
0xde: {  	v7 =	vperm.xlane v6, v3;
	_ =	sdelay $0x1  }
0xdf: {  	v7 =	vadd.s32 v4, v7  }
0xe0: {  	vm1 =	vgt.s32 v8, $0x0  }
0xe1: {  	v8 =	vnsel vm1, $0x0, v8  }
0xe2: {  	v8 =	vmin.u32 v8, $0x7FFF  }
0xe3: {  	s6 =	simm.s32 $0x9200;
	[tilespmem:$0x1190] =	vst v8  }
0xe4: {  	[tilespmem:s6], [sflag:$0x2] =	stream.indirect_vreg.gather [hbm4b:s1+s4], $0x80, v7, vm0, $0xb8;
	[tilespmem:$0x19200] =	vst v63  }
0xe5: {  	s13 =	simm.s32 $0x9A00;
	v6 =	vperm.xlane v6, v5  }
0xe6: {  	[tilespmem:s13], [sflag:$0x2] =	stream.indirect_vreg.gather [hbm4b:s9+s4], $0x80, v7, vm0, $0xb8;
	[tilespmem:$0x19200] =	vst v63  }
0xe7: {  	s16 =	simm.s32 $0xA200;
	v6 =	vadd.s32 v4, v6  }
0xe8: {  	[tilespmem:s16], [sflag:$0x2] =	stream.indirect_vreg.gather [hbm4b:s10+s4], $0x80, v7, vm0, $0xb8;
	[tilespmem:$0x19200] =	vst v63  }
0xe9: {  	s17 =	simm.s32 $0xAA00  }
0xea: {  	[tilespmem:s17], [sflag:$0x2] =	stream.indirect_vreg.gather [hbm4b:s11+s4], $0x80, v7, vm0, $0xb8;
	[tilespmem:$0x19200] =	vst v63  }
0xeb: {  	s18 =	simm.s32 $0xB200  }
0xec: {  	[tilespmem:s18], [sflag:$0x2] =	stream.indirect_vreg.gather [hbm4b:s1+s4], $0x80, v6, vm0, $0xb8;
	[tilespmem:$0x19200] =	vst v63  }
0xed: {  	s19 =	simm.s32 $0xBA00  }
0xee: {  	[tilespmem:s19], [sflag:$0x2] =	stream.indirect_vreg.gather [hbm4b:s9+s4], $0x80, v6, vm0, $0xb8;
	[tilespmem:$0x19200] =	vst v63  }
0xef: {  	s20 =	simm.s32 $0xC200  }
0xf0: {  	[tilespmem:s20], [sflag:$0x2] =	stream.indirect_vreg.gather [hbm4b:s10+s4], $0x80, v6, vm0, $0xb8;
	[tilespmem:$0x19200] =	vst v63  }
0xf1: {  	s30 =	simm.s32 $0xCA00  }
0xf2: {  	[tilespmem:s30], [sflag:$0x2] =	stream.indirect_vreg.gather [hbm4b:s11+s4], $0x80, v6, vm0, $0xb8;
	[tilespmem:$0x19200] =	vst v63  }
0xf3: {  	v6 =	vld [tilespmem:$0x1190];
	_ =	sdelay $0x4  }
0xf4: {  	v7 =	vshll.u32 v6, $0x3  }
0xf5: {  	v6 =	vand.u32 $0x7, v6;
	v7 =	vand.u32 $0xFFFFFFC0, v7  }
0xf6: {  	v6 =	vor.u32 v6, v7  }
0xf7: {  	v7 =	vperm.xlane v6, v3;
	_ =	sdelay $0x1  }
0xf8: {  	v7 =	vadd.s32 v4, v7;
	_ =	sdelay $0x3  }
0xf9: {  	s6 =	simm.s32 $0xD200  }
0xfa: {  	[tilespmem:s6], [sflag:$0x2] =	stream.indirect_vreg.gather [hbm4b:s1+s4], $0x80, v7, vm0, $0xb8;
	[tilespmem:$0x19200] =	vst v63  }
0xfb: {  	s13 =	simm.s32 $0xDA00;
	v6 =	vperm.xlane v6, v5  }
0xfc: {  	[tilespmem:s13], [sflag:$0x2] =	stream.indirect_vreg.gather [hbm4b:s9+s4], $0x80, v7, vm0, $0xb8;
	[tilespmem:$0x19200] =	vst v63  }
0xfd: {  	s16 =	simm.s32 $0xE200;
	v6 =	vadd.s32 v4, v6  }
0xfe: {  	[tilespmem:s16], [sflag:$0x2] =	stream.indirect_vreg.gather [hbm4b:s10+s4], $0x80, v7, vm0, $0xb8;
	[tilespmem:$0x19200] =	vst v63  }
0xff: {  	s17 =	simm.s32 $0xEA00  }
0x100: {  	[tilespmem:s17], [sflag:$0x2] =	stream.indirect_vreg.gather [hbm4b:s11+s4], $0x80, v7, vm0, $0xb8;
	[tilespmem:$0x19200] =	vst v63  }
0x101: {  	s18 =	simm.s32 $0xF200  }
0x102: {  	[tilespmem:s18], [sflag:$0x2] =	stream.indirect_vreg.gather [hbm4b:s1+s4], $0x80, v6, vm0, $0xb8;
	[tilespmem:$0x19200] =	vst v63  }
0x103: {  	s19 =	simm.s32 $0xFA00  }
0x104: {  	[tilespmem:s19], [sflag:$0x2] =	stream.indirect_vreg.gather [hbm4b:s9+s4], $0x80, v6, vm0, $0xb8;
	[tilespmem:$0x19200] =	vst v63  }
0x105: {  	s20 =	simm.s32 $0x10200  }
0x106: {  	[tilespmem:s20], [sflag:$0x2] =	stream.indirect_vreg.gather [hbm4b:s10+s4], $0x80, v6, vm0, $0xb8;
	[tilespmem:$0x19200] =	vst v63  }
0x107: {  	s30 =	simm.s32 $0x10A00  }
0x108: {  	[tilespmem:s30], [sflag:$0x2] =	stream.indirect_vreg.gather [hbm4b:s11+s4], $0x80, v6, vm0, $0xb8;
	[tilespmem:$0x19200] =	vst v63  }
.LBB2_10:
0x109: {  	p2 =	sge.u32 s14, s29  }
0x10a: {  	p3 =	sle.u32 @!p2 s0, s29  }
0x10b: {  	p3 =	por p2, p3  }
.Ltmp8:
0x10c: {  	_ = 	snop;
	(pc) =	sbr.rel @p3 .LBB2_23-.Ltmp8, $4  }
0x10d: {  	s5 =	simm.s32 @!p2 $0x1  }
0x10e: {  	_ =	swait.ge @!p2 [sflag:s5], $0x8000  }
0x10f: {  	[sflag:s5] =	ssyncset.done @!p2 $0x0  }
0x110: {  	[sflag:s5] =	ssyncadd.s32 @!p2 $0xFFFF8000  }
0x111: {  	s17 =	simm.s32 @!p2 $0x0;
	s5 =	simm.s32 @!p2 $0xFFFF8000  }
0x112: {  	s30 =	smov.u32 s7;
	s16 =	smov.u32 s17;
	s13 =	smov.u32 s17  }
.LBB2_12:
0x113: {  	s6 =	sadd.s32 $0x8000, s5  }
0x114: {  	s18 =	sand.u32 $0x380, s13;
	s6 =	sand.u32 $0x6000, s6  }
0x115: {  	s18 =	sor.u32 s18, s6  }
0x116: {  	v6 =	vld [tilespmem:s18+$0x1200]  }
0x117: {  	v7 =	vld [tilespmem:s18+$0x1210]  }
0x118: {  	v8 =	vld [tilespmem:s18+$0x1220]  }
0x119: {  	p2 =	slt.u32 s30, s29;
	s6 =	simm.f32 $1.000000000e+00;
	v9 =	vld [tilespmem:s18+$0x1230]  }
0x11a: {  	s6 =	simm.s32 @!p2 $0x0;
	v10 =	vld [tilespmem:s18+$0x1250]  }
0x11b: {  	v11 =	vld [tilespmem:s18+$0x1260];
	v6 =	vmul.f32 s6, v6  }
0x11c: {  	v12 =	vld [tilespmem:s18+$0x1270];
	v7 =	vmul.f32 s6, v7  }
0x11d: {  	v16 =	vld [tilespmem:s18+$0x1600];
	[tilespmem:s18+$0x1200] =	vst v6;
	v6 =	vmul.f32 s6, v8  }
0x11e: {  	v17 =	vld [tilespmem:s18+$0x1610];
	[tilespmem:s18+$0x1210] =	vst v7;
	v7 =	vmul.f32 s6, v9  }
0x11f: {  	v18 =	vld [tilespmem:s18+$0x1620];
	[tilespmem:s18+$0x1220] =	vst v6;
	v6 =	vmul.f32 s6, v10  }
0x120: {  	v19 =	vld [tilespmem:s18+$0x1630];
	[tilespmem:s18+$0x1230] =	vst v7;
	v7 =	vmul.f32 s6, v11  }
0x121: {  	v20 =	vld [tilespmem:s18+$0x1650];
	[tilespmem:s18+$0x1250] =	vst v6;
	v6 =	vmul.f32 s6, v12  }
0x122: {  	v21 =	vld [tilespmem:s18+$0x1660];
	[tilespmem:s18+$0x1260] =	vst v7;
	v7 =	vmul.f32 s6, v16  }
0x123: {  	v22 =	vld [tilespmem:s18+$0x1670];
	[tilespmem:s18+$0x1270] =	vst v6;
	v6 =	vmul.f32 s6, v17  }
0x124: {  	v23 =	vld [tilespmem:s18+$0x1A00];
	[tilespmem:s18+$0x1600] =	vst v7;
	v7 =	vmul.f32 s6, v18  }
0x125: {  	v24 =	vld [tilespmem:s18+$0x1A10];
	[tilespmem:s18+$0x1610] =	vst v6;
	v6 =	vmul.f32 s6, v19  }
0x126: {  	v25 =	vld [tilespmem:s18+$0x1A20];
	[tilespmem:s18+$0x1620] =	vst v7;
	v7 =	vmul.f32 s6, v20  }
0x127: {  	v26 =	vld [tilespmem:s18+$0x1A30];
	[tilespmem:s18+$0x1630] =	vst v6;
	v6 =	vmul.f32 s6, v21  }
0x128: {  	v27 =	vld [tilespmem:s18+$0x1A50];
	[tilespmem:s18+$0x1650] =	vst v7;
	v7 =	vmul.f32 s6, v22  }
0x129: {  	v28 =	vld [tilespmem:s18+$0x1A60];
	[tilespmem:s18+$0x1660] =	vst v6;
	v6 =	vmul.f32 s6, v23  }
0x12a: {  	v29 =	vld [tilespmem:s18+$0x1A70];
	[tilespmem:s18+$0x1670] =	vst v7;
	v7 =	vmul.f32 s6, v24  }
0x12b: {  	v30 =	vld [tilespmem:s18+$0x1E00];
	[tilespmem:s18+$0x1A00] =	vst v6;
	v6 =	vmul.f32 s6, v25  }
0x12c: {  	v31 =	vld [tilespmem:s18+$0x1E10];
	[tilespmem:s18+$0x1A10] =	vst v7;
	v7 =	vmul.f32 s6, v26  }
0x12d: {  	v32 =	vld [tilespmem:s18+$0x1E20];
	[tilespmem:s18+$0x1A20] =	vst v6;
	v6 =	vmul.f32 s6, v27  }
0x12e: {  	v33 =	vld [tilespmem:s18+$0x1E30];
	[tilespmem:s18+$0x1A30] =	vst v7;
	v7 =	vmul.f32 s6, v28  }
0x12f: {  	v34 =	vld [tilespmem:s18+$0x1E50];
	[tilespmem:s18+$0x1A50] =	vst v6;
	v6 =	vmul.f32 s6, v29  }
0x130: {  	v35 =	vld [tilespmem:s18+$0x1E60];
	[tilespmem:s18+$0x1A60] =	vst v7;
	v7 =	vmul.f32 s6, v30  }
0x131: {  	v36 =	vld [tilespmem:s18+$0x1E70];
	[tilespmem:s18+$0x1A70] =	vst v6;
	v6 =	vmul.f32 s6, v31  }
0x132: {  	v37 =	vld [tilespmem:s18+$0x2200];
	[tilespmem:s18+$0x1E00] =	vst v7;
	v7 =	vmul.f32 s6, v32  }
0x133: {  	v38 =	vld [tilespmem:s18+$0x2210];
	[tilespmem:s18+$0x1E10] =	vst v6;
	v6 =	vmul.f32 s6, v33  }
0x134: {  	v39 =	vld [tilespmem:s18+$0x2220];
	[tilespmem:s18+$0x1E20] =	vst v7;
	v7 =	vmul.f32 s6, v34  }
0x135: {  	v40 =	vld [tilespmem:s18+$0x2230];
	[tilespmem:s18+$0x1E30] =	vst v6;
	v6 =	vmul.f32 s6, v35  }
0x136: {  	v41 =	vld [tilespmem:s18+$0x2250];
	[tilespmem:s18+$0x1E50] =	vst v7;
	v7 =	vmul.f32 s6, v36  }
0x137: {  	v42 =	vld [tilespmem:s18+$0x2260];
	[tilespmem:s18+$0x1E60] =	vst v6;
	v6 =	vmul.f32 s6, v37  }
0x138: {  	v43 =	vld [tilespmem:s18+$0x2270];
	[tilespmem:s18+$0x1E70] =	vst v7;
	v7 =	vmul.f32 s6, v38  }
0x139: {  	v44 =	vld [tilespmem:s18+$0x2600];
	[tilespmem:s18+$0x2200] =	vst v6;
	v6 =	vmul.f32 s6, v39  }
0x13a: {  	v45 =	vld [tilespmem:s18+$0x2610];
	[tilespmem:s18+$0x2210] =	vst v7;
	v7 =	vmul.f32 s6, v40  }
0x13b: {  	v46 =	vld [tilespmem:s18+$0x2620];
	[tilespmem:s18+$0x2220] =	vst v6;
	v6 =	vmul.f32 s6, v41  }
0x13c: {  	v47 =	vld [tilespmem:s18+$0x2630];
	[tilespmem:s18+$0x2230] =	vst v7;
	v7 =	vmul.f32 s6, v42  }
0x13d: {  	v48 =	vld [tilespmem:s18+$0x2650];
	[tilespmem:s18+$0x2250] =	vst v6;
	v6 =	vmul.f32 s6, v43  }
0x13e: {  	v49 =	vld [tilespmem:s18+$0x2660];
	[tilespmem:s18+$0x2260] =	vst v7;
	v7 =	vmul.f32 s6, v44  }
0x13f: {  	v50 =	vld [tilespmem:s18+$0x2670];
	[tilespmem:s18+$0x2270] =	vst v6;
	v6 =	vmul.f32 s6, v45  }
0x140: {  	v51 =	vld [tilespmem:s18+$0x2A00];
	[tilespmem:s18+$0x2600] =	vst v7;
	v7 =	vmul.f32 s6, v46  }
0x141: {  	v52 =	vld [tilespmem:s18+$0x2A10];
	[tilespmem:s18+$0x2610] =	vst v6;
	v6 =	vmul.f32 s6, v47  }
0x142: {  	v56 =	vld [tilespmem:s18+$0x2A60];
	[tilespmem:s18+$0x2620] =	vst v7;
	v7 =	vmul.f32 s6, v48  }
0x143: {  	v57 =	vld [tilespmem:s18+$0x2A70];
	[tilespmem:s18+$0x2630] =	vst v6;
	v6 =	vmul.f32 s6, v49  }
0x144: {  	v53 =	vld [tilespmem:s18+$0x2A20];
	[tilespmem:s18+$0x2650] =	vst v7;
	v7 =	vmul.f32 s6, v50  }
0x145: {  	v54 =	vld [tilespmem:s18+$0x2A30];
	[tilespmem:s18+$0x2660] =	vst v6;
	v6 =	vmul.f32 s6, v51  }
0x146: {  	v55 =	vld [tilespmem:s18+$0x2A50];
	[tilespmem:s18+$0x2670] =	vst v7;
	v7 =	vmul.f32 s6, v52  }
0x147: {  	v8 =	vmul.f32 s6, v56;
	[tilespmem:s18+$0x2A00] =	vst v6;
	v6 =	vld [tilespmem:s18+$0x1240]  }
0x148: {  	v9 =	vmul.f32 s6, v57;
	[tilespmem:s18+$0x2A10] =	vst v7;
	v7 =	vld [tilespmem:s18+$0x1640]  }
0x149: {  	v58 =	vld [tilespmem:s18+$0x1A40];
	v10 =	vmul.f32 s6, v53;
	[tilespmem:s18+$0x2A60] =	vst v8  }
0x14a: {  	s19 =	sand.u32 $0x7, s17;
	v59 =	vld [tilespmem:s18+$0x1E40];
	v11 =	vmul.f32 s6, v54;
	[tilespmem:s18+$0x2A70] =	vst v9  }
0x14b: {  	s19 =	sshll.u32 s19, $0x7;
	v60 =	vld [tilespmem:s18+$0x2240];
	[tilespmem:s18+$0x2A20] =	vst v10;
	v12 =	vmul.f32 s6, v55  }
0x14c: {  	s19 =	sadd.s32 s19, s16;
	v61 =	vld [tilespmem:s18+$0x2640];
	[tilespmem:s18+$0x2A30] =	vst v11;
	v6 =	vmul.f32 s6, v6  }
0x14d: {  	v62 =	vld [tilespmem:s18+$0x2A40];
	s20 =	sor.u32 $0x1C00, s19;
	[tilespmem:s18+$0x2A50] =	vst v12;
	v7 =	vmul.f32 s6, v7  }
0x14e: {  	v63 =	vld [tilespmem:s20+$0x1200];
	[tilespmem:s18+$0x1240] =	vst v6;
	v6 =	vmul.f32 s6, v58  }
0x14f: {  	[tilespmem:s18+$0x1640] =	vst v7;
	v7 =	vmul.f32 s6, v59  }
0x150: {  	[tilespmem:s18+$0x1A40] =	vst v6;
	v6 =	vmul.f32 s6, v60  }
0x151: {  	[tilespmem:s18+$0x1E40] =	vst v7;
	v7 =	vmul.f32 s6, v61  }
0x152: {  	[tilespmem:s18+$0x2240] =	vst v6;
	v6 =	vmul.f32 s6, v62  }
0x153: {  	[tilespmem:s18+$0x2640] =	vst v7;
	v7 =	vmul.f32 s6, v63  }
0x154: {  	[tilespmem:s18+$0x2A40] =	vst v6  }
0x155: {  	[tilespmem:s20+$0x1200] =	vst v7;
	s20 =	sor.u32 $0x1C10, s19  }
0x156: {  	v6 =	vld [tilespmem:s20+$0x1200];
	_ =	sdelay $0x4  }
0x157: {  	v6 =	vmul.f32 s6, v6;
	_ =	sdelay $0x1  }
0x158: {  	[tilespmem:s20+$0x1200] =	vst v6;
	s20 =	sor.u32 $0x1C20, s19  }
0x159: {  	v6 =	vld [tilespmem:s20+$0x1200];
	_ =	sdelay $0x4  }
0x15a: {  	v6 =	vmul.f32 s6, v6;
	_ =	sdelay $0x1  }
0x15b: {  	[tilespmem:s20+$0x1200] =	vst v6;
	s20 =	sor.u32 $0x1C30, s19  }
0x15c: {  	v6 =	vld [tilespmem:s20+$0x1200];
	_ =	sdelay $0x4  }
0x15d: {  	v6 =	vmul.f32 s6, v6;
	_ =	sdelay $0x1  }
0x15e: {  	[tilespmem:s20+$0x1200] =	vst v6;
	s20 =	sor.u32 $0x1C40, s19  }
0x15f: {  	v6 =	vld [tilespmem:s20+$0x1200];
	_ =	sdelay $0x4  }
0x160: {  	v6 =	vmul.f32 s6, v6;
	_ =	sdelay $0x1  }
0x161: {  	[tilespmem:s20+$0x1200] =	vst v6;
	s20 =	sor.u32 $0x1C50, s19  }
0x162: {  	v6 =	vld [tilespmem:s20+$0x1200];
	_ =	sdelay $0x4  }
0x163: {  	v6 =	vmul.f32 s6, v6;
	_ =	sdelay $0x1  }
0x164: {  	[tilespmem:s20+$0x1200] =	vst v6;
	s20 =	sor.u32 $0x1C60, s19  }
0x165: {  	v6 =	vld [tilespmem:s20+$0x1200];
	_ =	sdelay $0x4  }
0x166: {  	v6 =	vmul.f32 s6, v6;
	_ =	sdelay $0x1  }
0x167: {  	[tilespmem:s20+$0x1200] =	vst v6;
	s20 =	sor.u32 $0x1C70, s19  }
0x168: {  	v6 =	vld [tilespmem:s20+$0x1200];
	_ =	sdelay $0x1  }
0x169: {  	p2 =	sne.s32 s13, $0xF80  }
.Ltmp9:
0x16a: {  	_ = 	snop;
	(pc) =	sbr.rel @p2 .LBB2_12-.Ltmp9, $4  }
0x16b: {  	_ = 	snop  }
0x16c: {  	v6 =	vmul.f32 s6, v6  }
0x16d: {  	s17 =	sadd.s32 $0x1, s17;
	s5 =	sadd.s32 $0x400, s5  }
0x16e: {  	s30 =	sadd.s32 $0x1, s30;
	s16 =	sadd.s32 $0x400, s16;
	s13 =	sadd.s32 $0x80, s13;
	[tilespmem:s20+$0x1200] =	vst v6  }
.Ltmp10:
0x16f: {  	(pc) =	sbr.rel .LBB2_14-.Ltmp10, $2  }
0x170: {  	_ =	sdelay $0x2  }
0x171: {  	s5 =	simm.s32 $0x1200  }
.LBB2_23:
0x172: {  	s5 =	simm.s32 @!p2 $0x1200  }
0x173: {  	s5 =	simm.s32 @p2 $0x11200  }
.LBB2_14:
0x174: {  	s6 =	sadd.s32 s12, s14  }
0x175: {  	s6 =	sshll.u32 s6, $0x7  }
0x176: {  	s6 =	sadd.s32 s3, s6  }
0x177: {  	[hbm4b:s6+s4] =	stream.linear.scatter [tilespmem:s5], [sflag:$0x3], $0x8000, $0x38;
	[tilespmem:$0x19200] =	vst v63  }
0x178: {  	s5 =	sadd.s32 $0x40, s14  }
0x179: {  	p2 =	sge.u32 s5, s29  }
.Ltmp11:
0x17a: {  	_ = 	snop;
	(pc) =	sbr.rel @p2 .LBB2_16-.Ltmp11, $4  }
0x17b: {  	_ = 	snop  }
0x17c: {  	_ =	swait.ge [sflag:s15], $0x8000  }
0x17d: {  	[sflag:s15] =	ssyncset.done $0x0  }
0x17e: {  	[sflag:s15] =	ssyncadd.s32 $0xFFFF8000  }
0x17f: {  	s6 =	sadd.s32 s8, s5  }
0x180: {  	s13 =	sand.u32 $0x40, s5;
	s6 =	sand.u32 $0xF80, s6  }
0x181: {  	s6 =	sor.u32 s13, s6  }
0x182: {  	v6 =	vld [tilespmem:s6+$0x0];
	_ =	sdelay $0x4  }
0x183: {  	vm1 =	vgt.s32 v6, $0x0  }
0x184: {  	v6 =	vnsel vm1, $0x0, v6  }
0x185: {  	v6 =	vmin.u32 v6, $0x7FFF  }
0x186: {  	[tilespmem:$0x1100] =	vst v6;
	v7 =	vshll.u32 v6, $0x3  }
0x187: {  	v6 =	vand.u32 $0x7, v6;
	v8 =	vld [tilespmem:s6+$0x10];
	v7 =	vand.u32 $0x3FFC0, v7  }
0x188: {  	v6 =	vor.u32 v6, v7  }
0x189: {  	v7 =	vperm.xlane v6, v3;
	_ =	sdelay $0x1  }
0x18a: {  	v7 =	vadd.s32 v4, v7  }
0x18b: {  	vm1 =	vgt.s32 v8, $0x0  }
0x18c: {  	v8 =	vnsel vm1, $0x0, v8  }
0x18d: {  	v8 =	vmin.u32 v8, $0x7FFF  }
0x18e: {  	s30 =	simm.s32 $0x1200;
	[tilespmem:$0x1110] =	vst v8  }
0x18f: {  	[tilespmem:s30], [sflag:$0x1] =	stream.indirect_vreg.gather [hbm4b:s1+s4], $0x80, v7, vm0, $0xb8;
	[tilespmem:$0x19200] =	vst v63  }
0x190: {  	s13 =	simm.s32 $0x1A00;
	v6 =	vperm.xlane v6, v5  }
0x191: {  	[tilespmem:s13], [sflag:$0x1] =	stream.indirect_vreg.gather [hbm4b:s9+s4], $0x80, v7, vm0, $0xb8;
	[tilespmem:$0x19200] =	vst v63  }
0x192: {  	s14 =	simm.s32 $0x2200;
	v6 =	vadd.s32 v4, v6  }
0x193: {  	[tilespmem:s14], [sflag:$0x1] =	stream.indirect_vreg.gather [hbm4b:s10+s4], $0x80, v7, vm0, $0xb8;
	[tilespmem:$0x19200] =	vst v63  }
0x194: {  	s16 =	simm.s32 $0x2A00  }
0x195: {  	[tilespmem:s16], [sflag:$0x1] =	stream.indirect_vreg.gather [hbm4b:s11+s4], $0x80, v7, vm0, $0xb8;
	[tilespmem:$0x19200] =	vst v63  }
0x196: {  	s17 =	simm.s32 $0x3200  }
0x197: {  	[tilespmem:s17], [sflag:$0x1] =	stream.indirect_vreg.gather [hbm4b:s1+s4], $0x80, v6, vm0, $0xb8;
	[tilespmem:$0x19200] =	vst v63  }
0x198: {  	s18 =	simm.s32 $0x3A00  }
0x199: {  	[tilespmem:s18], [sflag:$0x1] =	stream.indirect_vreg.gather [hbm4b:s9+s4], $0x80, v6, vm0, $0xb8;
	[tilespmem:$0x19200] =	vst v63  }
0x19a: {  	s19 =	simm.s32 $0x4200  }
0x19b: {  	[tilespmem:s19], [sflag:$0x1] =	stream.indirect_vreg.gather [hbm4b:s10+s4], $0x80, v6, vm0, $0xb8;
	[tilespmem:$0x19200] =	vst v63  }
0x19c: {  	s20 =	simm.s32 $0x4A00  }
0x19d: {  	[tilespmem:s20], [sflag:$0x1] =	stream.indirect_vreg.gather [hbm4b:s11+s4], $0x80, v6, vm0, $0xb8;
	[tilespmem:$0x19200] =	vst v63  }
0x19e: {  	v6 =	vld [tilespmem:$0x1110];
	_ =	sdelay $0x4  }
0x19f: {  	v7 =	vshll.u32 v6, $0x3  }
0x1a0: {  	v6 =	vand.u32 $0x7, v6;
	v7 =	vand.u32 $0xFFFFFFC0, v7  }
0x1a1: {  	v6 =	vor.u32 v6, v7  }
0x1a2: {  	v7 =	vperm.xlane v6, v3;
	_ =	sdelay $0x1  }
0x1a3: {  	v7 =	vadd.s32 v4, v7;
	_ =	sdelay $0x3  }
0x1a4: {  	s30 =	simm.s32 $0x5200  }
0x1a5: {  	[tilespmem:s30], [sflag:$0x1] =	stream.indirect_vreg.gather [hbm4b:s1+s4], $0x80, v7, vm0, $0xb8;
	[tilespmem:$0x19200] =	vst v63  }
0x1a6: {  	v6 =	vperm.xlane v6, v5  }
0x1a7: {  	[tilespmem:s21], [sflag:$0x1] =	stream.indirect_vreg.gather [hbm4b:s9+s4], $0x80, v7, vm0, $0xb8;
	[tilespmem:$0x19200] =	vst v63  }
0x1a8: {  	v6 =	vadd.s32 v4, v6  }
0x1a9: {  	[tilespmem:s22], [sflag:$0x1] =	stream.indirect_vreg.gather [hbm4b:s10+s4], $0x80, v7, vm0, $0xb8;
	[tilespmem:$0x19200] =	vst v63  }
0x1aa: {  	_ = 	snop  }
0x1ab: {  	[tilespmem:s23], [sflag:$0x1] =	stream.indirect_vreg.gather [hbm4b:s11+s4], $0x80, v7, vm0, $0xb8;
	[tilespmem:$0x19200] =	vst v63  }
0x1ac: {  	_ = 	snop  }
0x1ad: {  	[tilespmem:s24], [sflag:$0x1] =	stream.indirect_vreg.gather [hbm4b:s1+s4], $0x80, v6, vm0, $0xb8;
	[tilespmem:$0x19200] =	vst v63  }
0x1ae: {  	_ = 	snop  }
0x1af: {  	[tilespmem:s25], [sflag:$0x1] =	stream.indirect_vreg.gather [hbm4b:s9+s4], $0x80, v6, vm0, $0xb8;
	[tilespmem:$0x19200] =	vst v63  }
0x1b0: {  	_ = 	snop  }
0x1b1: {  	[tilespmem:s26], [sflag:$0x1] =	stream.indirect_vreg.gather [hbm4b:s10+s4], $0x80, v6, vm0, $0xb8;
	[tilespmem:$0x19200] =	vst v63  }
0x1b2: {  	_ = 	snop  }
0x1b3: {  	[tilespmem:s28], [sflag:$0x1] =	stream.indirect_vreg.gather [hbm4b:s11+s4], $0x80, v6, vm0, $0xb8;
	[tilespmem:$0x19200] =	vst v63  }
.LBB2_16:
0x1b4: {  	p2 =	sle.u32 @!p1 s5, s29  }
0x1b5: {  	p2 =	por p1, p2  }
.Ltmp12:
0x1b6: {  	_ = 	snop;
	(pc) =	sbr.rel @p2 .LBB2_24-.Ltmp12, $4  }
0x1b7: {  	s6 =	simm.s32 @!p1 $0x2  }
0x1b8: {  	_ =	swait.ge @!p1 [sflag:s6], $0x8000  }
0x1b9: {  	[sflag:s6] =	ssyncset.done @!p1 $0x0  }
0x1ba: {  	[sflag:s6] =	ssyncadd.s32 @!p1 $0xFFFF8000  }
0x1bb: {  	s14 =	simm.s32 @!p1 $0x0;
	s5 =	simm.s32 @!p1 $0xFFFF8000  }
0x1bc: {  	s16 =	smov.u32 s31;
	s13 =	smov.u32 s14;
	s17 =	smov.u32 s14  }
.LBB2_18:
0x1bd: {  	s6 =	sadd.s32 $0x8000, s5  }
0x1be: {  	s18 =	sand.u32 $0x380, s17;
	s6 =	sand.u32 $0x6000, s6  }
0x1bf: {  	s18 =	sor.u32 s18, s6  }
0x1c0: {  	v6 =	vld [tilespmem:s18+$0x9200]  }
0x1c1: {  	v7 =	vld [tilespmem:s18+$0x9210]  }
0x1c2: {  	v8 =	vld [tilespmem:s18+$0x9220]  }
0x1c3: {  	p1 =	slt.u32 s16, s29;
	s6 =	simm.f32 $1.000000000e+00;
	v9 =	vld [tilespmem:s18+$0x9230]  }
0x1c4: {  	s6 =	simm.s32 @!p1 $0x0;
	v10 =	vld [tilespmem:s18+$0x9250]  }
0x1c5: {  	v11 =	vld [tilespmem:s18+$0x9260];
	v6 =	vmul.f32 s6, v6  }
0x1c6: {  	v12 =	vld [tilespmem:s18+$0x9270];
	v7 =	vmul.f32 s6, v7  }
0x1c7: {  	v16 =	vld [tilespmem:s18+$0x9600];
	[tilespmem:s18+$0x9200] =	vst v6;
	v6 =	vmul.f32 s6, v8  }
0x1c8: {  	v17 =	vld [tilespmem:s18+$0x9610];
	[tilespmem:s18+$0x9210] =	vst v7;
	v7 =	vmul.f32 s6, v9  }
0x1c9: {  	v18 =	vld [tilespmem:s18+$0x9620];
	[tilespmem:s18+$0x9220] =	vst v6;
	v6 =	vmul.f32 s6, v10  }
0x1ca: {  	v19 =	vld [tilespmem:s18+$0x9630];
	[tilespmem:s18+$0x9230] =	vst v7;
	v7 =	vmul.f32 s6, v11  }
0x1cb: {  	v20 =	vld [tilespmem:s18+$0x9650];
	[tilespmem:s18+$0x9250] =	vst v6;
	v6 =	vmul.f32 s6, v12  }
0x1cc: {  	v21 =	vld [tilespmem:s18+$0x9660];
	[tilespmem:s18+$0x9260] =	vst v7;
	v7 =	vmul.f32 s6, v16  }
0x1cd: {  	v22 =	vld [tilespmem:s18+$0x9670];
	[tilespmem:s18+$0x9270] =	vst v6;
	v6 =	vmul.f32 s6, v17  }
0x1ce: {  	v23 =	vld [tilespmem:s18+$0x9A00];
	[tilespmem:s18+$0x9600] =	vst v7;
	v7 =	vmul.f32 s6, v18  }
0x1cf: {  	v24 =	vld [tilespmem:s18+$0x9A10];
	[tilespmem:s18+$0x9610] =	vst v6;
	v6 =	vmul.f32 s6, v19  }
0x1d0: {  	v25 =	vld [tilespmem:s18+$0x9A20];
	[tilespmem:s18+$0x9620] =	vst v7;
	v7 =	vmul.f32 s6, v20  }
0x1d1: {  	v26 =	vld [tilespmem:s18+$0x9A30];
	[tilespmem:s18+$0x9630] =	vst v6;
	v6 =	vmul.f32 s6, v21  }
0x1d2: {  	v27 =	vld [tilespmem:s18+$0x9A50];
	[tilespmem:s18+$0x9650] =	vst v7;
	v7 =	vmul.f32 s6, v22  }
0x1d3: {  	v28 =	vld [tilespmem:s18+$0x9A60];
	[tilespmem:s18+$0x9660] =	vst v6;
	v6 =	vmul.f32 s6, v23  }
0x1d4: {  	v29 =	vld [tilespmem:s18+$0x9A70];
	[tilespmem:s18+$0x9670] =	vst v7;
	v7 =	vmul.f32 s6, v24  }
0x1d5: {  	v30 =	vld [tilespmem:s18+$0x9E00];
	[tilespmem:s18+$0x9A00] =	vst v6;
	v6 =	vmul.f32 s6, v25  }
0x1d6: {  	v31 =	vld [tilespmem:s18+$0x9E10];
	[tilespmem:s18+$0x9A10] =	vst v7;
	v7 =	vmul.f32 s6, v26  }
0x1d7: {  	v32 =	vld [tilespmem:s18+$0x9E20];
	[tilespmem:s18+$0x9A20] =	vst v6;
	v6 =	vmul.f32 s6, v27  }
0x1d8: {  	v33 =	vld [tilespmem:s18+$0x9E30];
	[tilespmem:s18+$0x9A30] =	vst v7;
	v7 =	vmul.f32 s6, v28  }
0x1d9: {  	v34 =	vld [tilespmem:s18+$0x9E50];
	[tilespmem:s18+$0x9A50] =	vst v6;
	v6 =	vmul.f32 s6, v29  }
0x1da: {  	v35 =	vld [tilespmem:s18+$0x9E60];
	[tilespmem:s18+$0x9A60] =	vst v7;
	v7 =	vmul.f32 s6, v30  }
0x1db: {  	v36 =	vld [tilespmem:s18+$0x9E70];
	[tilespmem:s18+$0x9A70] =	vst v6;
	v6 =	vmul.f32 s6, v31  }
0x1dc: {  	v37 =	vld [tilespmem:s18+$0xA200];
	[tilespmem:s18+$0x9E00] =	vst v7;
	v7 =	vmul.f32 s6, v32  }
0x1dd: {  	v38 =	vld [tilespmem:s18+$0xA210];
	[tilespmem:s18+$0x9E10] =	vst v6;
	v6 =	vmul.f32 s6, v33  }
0x1de: {  	v39 =	vld [tilespmem:s18+$0xA220];
	[tilespmem:s18+$0x9E20] =	vst v7;
	v7 =	vmul.f32 s6, v34  }
0x1df: {  	v40 =	vld [tilespmem:s18+$0xA230];
	[tilespmem:s18+$0x9E30] =	vst v6;
	v6 =	vmul.f32 s6, v35  }
0x1e0: {  	v41 =	vld [tilespmem:s18+$0xA250];
	[tilespmem:s18+$0x9E50] =	vst v7;
	v7 =	vmul.f32 s6, v36  }
0x1e1: {  	v42 =	vld [tilespmem:s18+$0xA260];
	[tilespmem:s18+$0x9E60] =	vst v6;
	v6 =	vmul.f32 s6, v37  }
0x1e2: {  	v43 =	vld [tilespmem:s18+$0xA270];
	[tilespmem:s18+$0x9E70] =	vst v7;
	v7 =	vmul.f32 s6, v38  }
0x1e3: {  	v44 =	vld [tilespmem:s18+$0xA600];
	[tilespmem:s18+$0xA200] =	vst v6;
	v6 =	vmul.f32 s6, v39  }
0x1e4: {  	v45 =	vld [tilespmem:s18+$0xA610];
	[tilespmem:s18+$0xA210] =	vst v7;
	v7 =	vmul.f32 s6, v40  }
0x1e5: {  	v46 =	vld [tilespmem:s18+$0xA620];
	[tilespmem:s18+$0xA220] =	vst v6;
	v6 =	vmul.f32 s6, v41  }
0x1e6: {  	v47 =	vld [tilespmem:s18+$0xA630];
	[tilespmem:s18+$0xA230] =	vst v7;
	v7 =	vmul.f32 s6, v42  }
0x1e7: {  	v48 =	vld [tilespmem:s18+$0xA650];
	[tilespmem:s18+$0xA250] =	vst v6;
	v6 =	vmul.f32 s6, v43  }
0x1e8: {  	v49 =	vld [tilespmem:s18+$0xA660];
	[tilespmem:s18+$0xA260] =	vst v7;
	v7 =	vmul.f32 s6, v44  }
0x1e9: {  	v50 =	vld [tilespmem:s18+$0xA670];
	[tilespmem:s18+$0xA270] =	vst v6;
	v6 =	vmul.f32 s6, v45  }
0x1ea: {  	v51 =	vld [tilespmem:s18+$0xAA00];
	[tilespmem:s18+$0xA600] =	vst v7;
	v7 =	vmul.f32 s6, v46  }
0x1eb: {  	v52 =	vld [tilespmem:s18+$0xAA10];
	[tilespmem:s18+$0xA610] =	vst v6;
	v6 =	vmul.f32 s6, v47  }
0x1ec: {  	v56 =	vld [tilespmem:s18+$0xAA60];
	[tilespmem:s18+$0xA620] =	vst v7;
	v7 =	vmul.f32 s6, v48  }
0x1ed: {  	v57 =	vld [tilespmem:s18+$0xAA70];
	[tilespmem:s18+$0xA630] =	vst v6;
	v6 =	vmul.f32 s6, v49  }
0x1ee: {  	v53 =	vld [tilespmem:s18+$0xAA20];
	[tilespmem:s18+$0xA650] =	vst v7;
	v7 =	vmul.f32 s6, v50  }
0x1ef: {  	v54 =	vld [tilespmem:s18+$0xAA30];
	[tilespmem:s18+$0xA660] =	vst v6;
	v6 =	vmul.f32 s6, v51  }
0x1f0: {  	v55 =	vld [tilespmem:s18+$0xAA50];
	[tilespmem:s18+$0xA670] =	vst v7;
	v7 =	vmul.f32 s6, v52  }
0x1f1: {  	v8 =	vmul.f32 s6, v56;
	[tilespmem:s18+$0xAA00] =	vst v6;
	v6 =	vld [tilespmem:s18+$0x9240]  }
0x1f2: {  	v9 =	vmul.f32 s6, v57;
	[tilespmem:s18+$0xAA10] =	vst v7;
	v7 =	vld [tilespmem:s18+$0x9640]  }
0x1f3: {  	v58 =	vld [tilespmem:s18+$0x9A40];
	v10 =	vmul.f32 s6, v53;
	[tilespmem:s18+$0xAA60] =	vst v8  }
0x1f4: {  	s19 =	sand.u32 $0x7, s14;
	v59 =	vld [tilespmem:s18+$0x9E40];
	v11 =	vmul.f32 s6, v54;
	[tilespmem:s18+$0xAA70] =	vst v9  }
0x1f5: {  	s19 =	sshll.u32 s19, $0x7;
	v60 =	vld [tilespmem:s18+$0xA240];
	[tilespmem:s18+$0xAA20] =	vst v10;
	v12 =	vmul.f32 s6, v55  }
0x1f6: {  	s19 =	sadd.s32 s19, s13;
	v61 =	vld [tilespmem:s18+$0xA640];
	[tilespmem:s18+$0xAA30] =	vst v11;
	v6 =	vmul.f32 s6, v6  }
0x1f7: {  	v62 =	vld [tilespmem:s18+$0xAA40];
	s20 =	sor.u32 $0x1C00, s19;
	[tilespmem:s18+$0xAA50] =	vst v12;
	v7 =	vmul.f32 s6, v7  }
0x1f8: {  	v63 =	vld [tilespmem:s20+$0x9200];
	[tilespmem:s18+$0x9240] =	vst v6;
	v6 =	vmul.f32 s6, v58  }
0x1f9: {  	[tilespmem:s18+$0x9640] =	vst v7;
	v7 =	vmul.f32 s6, v59  }
0x1fa: {  	[tilespmem:s18+$0x9A40] =	vst v6;
	v6 =	vmul.f32 s6, v60  }
0x1fb: {  	[tilespmem:s18+$0x9E40] =	vst v7;
	v7 =	vmul.f32 s6, v61  }
0x1fc: {  	[tilespmem:s18+$0xA240] =	vst v6;
	v6 =	vmul.f32 s6, v62  }
0x1fd: {  	[tilespmem:s18+$0xA640] =	vst v7;
	v7 =	vmul.f32 s6, v63  }
0x1fe: {  	[tilespmem:s18+$0xAA40] =	vst v6  }
0x1ff: {  	s30 =	sor.u32 $0x1C10, s19;
	[tilespmem:s20+$0x9200] =	vst v7  }
0x200: {  	v6 =	vld [tilespmem:s30+$0x9200];
	_ =	sdelay $0x4  }
0x201: {  	v6 =	vmul.f32 s6, v6;
	_ =	sdelay $0x1  }
0x202: {  	s20 =	sor.u32 $0x1C20, s19;
	[tilespmem:s30+$0x9200] =	vst v6  }
0x203: {  	v6 =	vld [tilespmem:s20+$0x9200];
	_ =	sdelay $0x4  }
0x204: {  	v6 =	vmul.f32 s6, v6;
	_ =	sdelay $0x1  }
0x205: {  	s30 =	sor.u32 $0x1C30, s19;
	[tilespmem:s20+$0x9200] =	vst v6  }
0x206: {  	v6 =	vld [tilespmem:s30+$0x9200];
	_ =	sdelay $0x4  }
0x207: {  	v6 =	vmul.f32 s6, v6;
	_ =	sdelay $0x1  }
0x208: {  	s20 =	sor.u32 $0x1C40, s19;
	[tilespmem:s30+$0x9200] =	vst v6  }
0x209: {  	v6 =	vld [tilespmem:s20+$0x9200];
	_ =	sdelay $0x4  }
0x20a: {  	v6 =	vmul.f32 s6, v6;
	_ =	sdelay $0x1  }
0x20b: {  	s30 =	sor.u32 $0x1C50, s19;
	[tilespmem:s20+$0x9200] =	vst v6  }
0x20c: {  	v6 =	vld [tilespmem:s30+$0x9200];
	_ =	sdelay $0x4  }
0x20d: {  	v6 =	vmul.f32 s6, v6;
	_ =	sdelay $0x1  }
0x20e: {  	s20 =	sor.u32 $0x1C60, s19;
	[tilespmem:s30+$0x9200] =	vst v6  }
0x20f: {  	v6 =	vld [tilespmem:s20+$0x9200];
	_ =	sdelay $0x4  }
0x210: {  	v6 =	vmul.f32 s6, v6;
	_ =	sdelay $0x1  }
0x211: {  	s30 =	sor.u32 $0x1C70, s19;
	[tilespmem:s20+$0x9200] =	vst v6  }
0x212: {  	v6 =	vld [tilespmem:s30+$0x9200];
	_ =	sdelay $0x1  }
0x213: {  	p1 =	sne.s32 s17, $0xF80  }
.Ltmp13:
0x214: {  	_ = 	snop;
	(pc) =	sbr.rel @p1 .LBB2_18-.Ltmp13, $4  }
0x215: {  	_ = 	snop  }
0x216: {  	v6 =	vmul.f32 s6, v6  }
0x217: {  	s14 =	sadd.s32 $0x1, s14;
	s5 =	sadd.s32 $0x400, s5  }
0x218: {  	s16 =	sadd.s32 $0x1, s16;
	s13 =	sadd.s32 $0x400, s13;
	s17 =	sadd.s32 $0x80, s17;
	[tilespmem:s30+$0x9200] =	vst v6  }
.Ltmp14:
0x219: {  	(pc) =	sbr.rel .LBB2_20-.Ltmp14, $2  }
0x21a: {  	_ =	sdelay $0x2  }
0x21b: {  	s5 =	simm.s32 $0x9200  }
.LBB2_22:
0x21c: {  	_ =	sfence.sel $0x180000  }
0x21d: {  	[bflag:$0x0] =	sbarrier.arrive $0xFFFF  }
0x21e: {  	_ =	strace $0x90000047  }
0x21f: {  	s0 =	stileid.u32;
	[bflag:$0x2] =	sbarrier.arrive $0xFFFF  }
0x220: {  	p0 =	sne.s32 s0, $0x0;
	s0 =	rddreg [dreg:$0x3]  }
0x221: {  	s0 =	sadd.s32 @!p0 $0x100000, s0  }
0x222: {  	[sflag:s0] =	ssyncadd.tile.s32 @!p0 $0x1;
	_ =	shalt  }
.Lfunc_end2:
_tile_overlayer_lowered:
.L_overlay_start_2:
0x223: {  	(tag) =	ssettag $0x2  }
0x224: {  	s0 =	rddreg [dreg:$0x0];
	s2 =	stileid.u32  }
0x225: {  	s1 =	rddreg [dreg:$0x1];
	p0 =	sne.s32 s2, $0x0  }
0x226: {  	s3 =	rddreg [dreg:$0x2];
	[bflag:$0x3] =	sbarrier.arrive $0xFFFF;
	s2 =	simm.s32 @!p0 $0x1C05  }
0x227: {  	[timem:s3], [sflag:s2] =	dma.local @!p0 [hbm:s0], s1  }
0x228: {  	s0 =	simm.s32 @!p0 $0x5  }
0x229: {  	_ =	swait.ge @!p0 [sflag:s0], s1  }
0x22a: {  	s1 =	ssub.s32 @!p0 $0x0, s1;
	[sflag:s0] =	ssyncset.done @!p0 $0x0  }
0x22b: {  	[sflag:s0] =	ssyncadd.s32 @!p0 s1  }
0x22c: {  	[bflag:$0x3] =	sbarrier.arrive $0xFFFF  }
0x22d: {  	_ =	shalt  }

</sc_bundles>
